<compile_context>
chip_gen: v7x
topology: tpu7x:2x2x1
jax: 0.10.2.dev20260603
libtpu: 0.0.44.dev20260713+nightly
codegen_flags: <defaults>
</compile_context>

<pallas_src>
import jax
import jax.numpy as jnp
from jax import lax
from jax.experimental import pallas as pl
from jax.experimental.pallas import tpu as pltpu
from jax.experimental.pallas import tpu_sc as plsc

_VOCAB = 1000000
_EMBED = 128
_BATCH = 16384
_L = 16
_NC = 2
_NS = 16
_NW = _NC * _NS
_B_PER_W = _BATCH // _NW
_CHUNK = 64
_N_CHUNKS = _B_PER_W // _CHUNK
_GROUPS = _CHUNK // _L


def _body(tidx_hbm, cidx_hbm, tt_hbm, ct_hbm, out_hbm,
          tidx_v, cidx_v, trows_v, crows_v, out_v,
          sem_t0, sem_t1, sem_c0, sem_c1):
    wid = lax.axis_index("s") * _NC + lax.axis_index("c")
    base = wid * _B_PER_W
    sem_t = (sem_t0, sem_t1)
    sem_c = (sem_c0, sem_c1)

    ti_cp = pltpu.make_async_copy(
        tidx_hbm.at[pl.ds(base, _B_PER_W)], tidx_v, sem_t0)
    ci_cp = pltpu.make_async_copy(
        cidx_hbm.at[pl.ds(base, _B_PER_W)], cidx_v, sem_c0)
    ti_cp.start()
    ci_cp.start()
    ti_cp.wait()
    ci_cp.wait()

    def t_copy(ch, buf):
        return pltpu.make_async_copy(
            tt_hbm.at[tidx_v.at[pl.ds(ch * _CHUNK, _CHUNK)]],
            trows_v.at[buf], sem_t[buf])

    def c_copy(ch, buf):
        return pltpu.make_async_copy(
            ct_hbm.at[cidx_v.at[pl.ds(ch * _CHUNK, _CHUNK)]],
            crows_v.at[buf], sem_c[buf])

    def start_pair(ch, buf):
        t_copy(ch, buf).start()
        c_copy(ch, buf).start()

    def wait_pair(buf):
        t_copy(0, buf).wait()
        c_copy(0, buf).wait()

    lane = lax.iota(jnp.int32, _L)
    perms = [lane ^ (1 << s) for s in range(4)]
    masks = [(lane & (1 << s)) == 0 for s in range(4)]
    lane4 = lane >> 2

    def merge(a, b, s):
        ap = a + a.at[perms[s]].get(mode="promise_in_bounds")
        bp = b + b.at[perms[s]].get(mode="promise_in_bounds")
        return jnp.where(masks[s], ap, bp)

    def rowdot(buf, row):
        prods = [trows_v[buf, row, pl.ds(i * _L, _L)] *
                 crows_v[buf, row, pl.ds(i * _L, _L)]
                 for i in range(_EMBED // _L)]
        while len(prods) > 1:
            prods = [prods[i] + prods[i + 1]
                     for i in range(0, len(prods), 2)]
        return prods[0]

    def do_chunk(buf, cb):
        @pl.loop(0, _GROUPS)
        def grp(g):

            @pl.loop(0, _L // 4, init_carry=jnp.zeros((_L,), jnp.float32))
            def quads(j, res):
                rb = g * _L + j * 4
                p = [rowdot(buf, rb + k) for k in range(4)]
                n = merge(merge(p[0], p[1], 0), merge(p[2], p[3], 0), 1)
                for s in (2, 3):
                    n = n + n.at[perms[s]].get(mode="promise_in_bounds")
                return jnp.where(lane4 == j, n, res)

            out_v[pl.ds(cb + g * _L, _L)] = quads

    start_pair(0, 0)
    start_pair(1, 1)

    @pl.loop(0, _N_CHUNKS // 2 - 1)
    def step(k):
        for buf in range(2):
            ch = 2 * k + buf
            wait_pair(buf)
            do_chunk(buf, ch * _CHUNK)
            start_pair(ch + 2, buf)

    wait_pair(0)
    do_chunk(0, (_N_CHUNKS - 2) * _CHUNK)
    wait_pair(1)
    do_chunk(1, (_N_CHUNKS - 1) * _CHUNK)

    pltpu.sync_copy(out_v, out_hbm.at[pl.ds(base, _B_PER_W)])


@jax.jit
def kernel(target, context, target_table, context_table):
    mesh = plsc.VectorSubcoreMesh(core_axis_name="c", subcore_axis_name="s")
    run = pl.kernel(
        _body,
        mesh=mesh,
        out_type=jax.ShapeDtypeStruct((_BATCH,), jnp.float32),
        scratch_types=[
            pltpu.VMEM((_B_PER_W,), jnp.int32),
            pltpu.VMEM((_B_PER_W,), jnp.int32),
            pltpu.VMEM((2, _CHUNK, _EMBED), jnp.float32),
            pltpu.VMEM((2, _CHUNK, _EMBED), jnp.float32),
            pltpu.VMEM((_B_PER_W,), jnp.float32),
            pltpu.SemaphoreType.DMA,
            pltpu.SemaphoreType.DMA,
            pltpu.SemaphoreType.DMA,
            pltpu.SemaphoreType.DMA,
        ],
    )
    flat = run(target.astype(jnp.int32), context.astype(jnp.int32),
               target_table, context_table)
    return flat.reshape(_BATCH, 1)

# --- scband reference (transcript-rebuilt; emitter-appended) ---
"""Pipeline reference for scband-skip-gram-model-12412455485864 (READ-ONLY COPY).

The authoritative reference and input builder live on the scoring server;
editing this copy changes nothing except your own understanding.
"""

import jax, jax.numpy as jnp
import numpy as np

VOCAB = 1000000
EMBED = 128
BATCH = 16384

def setup_inputs(seed: int = 0) -> dict:
    key = jax.random.key(seed)
    k1, k2, k3, k4 = jax.random.split(key, 4)
    target = jax.random.randint(k1, (BATCH,), 0, VOCAB, dtype=jnp.int64) if jax.config.jax_enable_x64 else jax.random.randint(k1, (BATCH,), 0, VOCAB).astype(jnp.int32)
    context = jax.random.randint(k2, (BATCH,), 0, VOCAB).astype(target.dtype)
    target_table = jax.random.normal(k3, (VOCAB, EMBED), dtype=jnp.float32) * 0.05
    context_table = jax.random.normal(k4, (VOCAB, EMBED), dtype=jnp.float32) * 0.05
    return {"target": target, "context": context, "target_table": target_table, "context_table": context_table}

def reference(target, context, target_table, context_table):
    # Embedding lookups (gather)
    target_embed = jnp.take(target_table, target, axis=0)   # [B, D]
    context_embed = jnp.take(context_table, context, axis=0) # [B, D]
    # Dot(axes=-1) -> [B, 1]; Flatten keeps [B, 1]
    dot = jnp.sum(target_embed * context_embed, axis=-1, keepdims=True)
    return dot

if False:  # reference __main__ guard neutralized (emitter)
    out = reference(**setup_inputs())
    print(out.shape, out.dtype)

if __name__ == "__main__":
    import jax
    _d = setup_inputs()
    print(jax.jit(kernel)(*tuple(_d.values())))

</pallas_src>

<mosaic_0001>
#map = affine_map<(d0, d1) -> (0)>
#map1 = affine_map<(d0, d1) -> (0, 0)>
module attributes {stable_mosaic.version = 14 : i64} {
  func.func @_body(%arg0: i32, %arg1: i32, %arg2: memref<16384xi32, #tpu.memory_space<hbm>>, %arg3: memref<16384xi32, #tpu.memory_space<hbm>>, %arg4: memref<1000000x128xf32, #tpu.memory_space<hbm>>, %arg5: memref<1000000x128xf32, #tpu.memory_space<hbm>>, %arg6: memref<16384xf32, #tpu.memory_space<hbm>>, %arg7: memref<512xi32, #tpu.memory_space<vmem>>, %arg8: memref<512xi32, #tpu.memory_space<vmem>>, %arg9: memref<2x64x128xf32, #tpu.memory_space<vmem>>, %arg10: memref<2x64x128xf32, #tpu.memory_space<vmem>>, %arg11: memref<512xf32, #tpu.memory_space<vmem>>, %arg12: memref<!tpu.dma_semaphore, #tpu.memory_space<semaphore_mem>>, %arg13: memref<!tpu.dma_semaphore, #tpu.memory_space<semaphore_mem>>, %arg14: memref<!tpu.dma_semaphore, #tpu.memory_space<semaphore_mem>>, %arg15: memref<!tpu.dma_semaphore, #tpu.memory_space<semaphore_mem>>) attributes {dimension_semantics = [#tpu.dimension_semantics<core_parallel>, #tpu.dimension_semantics<subcore_parallel>], iteration_bounds = array<i64: 2, 16>, scalar_prefetch = 0 : i64, scratch_operands = 9 : i64, tpu.core_type = #tpu.core_type<sc_vector_subcore>, window_params = [{transform_indices = #map}, {transform_indices = #map}, {transform_indices = #map1}, {transform_indices = #map1}, {transform_indices = #map}]} {
    %mul3A = arith.constant 2 : i32
    %mul3A_0 = arith.muli %arg1, %mul3A : i32
    %add3A = arith.addi %mul3A_0, %arg0 : i32
    %mul3A_1 = arith.constant 512 : i32
    %mul3A_2 = arith.muli %add3A, %mul3A_1 : i32
    %dma_start3A = tpu.memref_slice %arg2[%mul3A_2] : memref<16384xi32, #tpu.memory_space<hbm>> -> memref<512xi32, #tpu.memory_space<hbm>>
    %dma_start3A_3 = tpu.memref_slice %arg2[%mul3A_2] : memref<16384xi32, #tpu.memory_space<hbm>> -> memref<512xi32, #tpu.memory_space<hbm>>
    tpu.enqueue_dma source(%dma_start3A_3 : memref<512xi32, #tpu.memory_space<hbm>>) target(%arg7 : memref<512xi32, #tpu.memory_space<vmem>>) target_semaphore(%arg12 : memref<!tpu.dma_semaphore, #tpu.memory_space<semaphore_mem>>)
    %dma_start3A_4 = tpu.memref_slice %arg3[%mul3A_2] : memref<16384xi32, #tpu.memory_space<hbm>> -> memref<512xi32, #tpu.memory_space<hbm>>
    %dma_start3A_5 = tpu.memref_slice %arg3[%mul3A_2] : memref<16384xi32, #tpu.memory_space<hbm>> -> memref<512xi32, #tpu.memory_space<hbm>>
    tpu.enqueue_dma source(%dma_start3A_5 : memref<512xi32, #tpu.memory_space<hbm>>) target(%arg8 : memref<512xi32, #tpu.memory_space<vmem>>) target_semaphore(%arg14 : memref<!tpu.dma_semaphore, #tpu.memory_space<semaphore_mem>>)
    %dma_wait3A = tpu.memref_slice %arg2[%mul3A_2] : memref<16384xi32, #tpu.memory_space<hbm>> -> memref<512xi32, #tpu.memory_space<hbm>>
    %dma_wait3A_6 = tpu.memref_slice %arg2[%mul3A_2] : memref<16384xi32, #tpu.memory_space<hbm>> -> memref<512xi32, #tpu.memory_space<hbm>>
    tpu.wait_dma2 semaphore(%arg12 : memref<!tpu.dma_semaphore, #tpu.memory_space<semaphore_mem>>) src(%dma_wait3A_6 : memref<512xi32, #tpu.memory_space<hbm>>) dst(%arg7 : memref<512xi32, #tpu.memory_space<vmem>>)
    %dma_wait3A_7 = tpu.memref_slice %arg3[%mul3A_2] : memref<16384xi32, #tpu.memory_space<hbm>> -> memref<512xi32, #tpu.memory_space<hbm>>
    %dma_wait3A_8 = tpu.memref_slice %arg3[%mul3A_2] : memref<16384xi32, #tpu.memory_space<hbm>> -> memref<512xi32, #tpu.memory_space<hbm>>
    tpu.wait_dma2 semaphore(%arg14 : memref<!tpu.dma_semaphore, #tpu.memory_space<semaphore_mem>>) src(%dma_wait3A_8 : memref<512xi32, #tpu.memory_space<hbm>>) dst(%arg8 : memref<512xi32, #tpu.memory_space<vmem>>)
    %iota3A = tpu.iota {dimensions = array<i32: 0>} : vector<16xi32>
    %xor3A = arith.constant 1 : i32
    %xor3A_9 = vector.broadcast %xor3A : i32 to vector<16xi32>
    %xor3A_10 = arith.xori %iota3A, %xor3A_9 : vector<16xi32>
    %xor3A_11 = arith.constant 2 : i32
    %xor3A_12 = vector.broadcast %xor3A_11 : i32 to vector<16xi32>
    %xor3A_13 = arith.xori %iota3A, %xor3A_12 : vector<16xi32>
    %xor3A_14 = arith.constant 4 : i32
    %xor3A_15 = vector.broadcast %xor3A_14 : i32 to vector<16xi32>
    %xor3A_16 = arith.xori %iota3A, %xor3A_15 : vector<16xi32>
    %xor3A_17 = arith.constant 8 : i32
    %xor3A_18 = vector.broadcast %xor3A_17 : i32 to vector<16xi32>
    %xor3A_19 = arith.xori %iota3A, %xor3A_18 : vector<16xi32>
    %and3A = arith.constant 1 : i32
    %and3A_20 = vector.broadcast %and3A : i32 to vector<16xi32>
    %and3A_21 = arith.andi %iota3A, %and3A_20 : vector<16xi32>
    %eq3A = arith.constant 0 : i32
    %eq3A_22 = vector.broadcast %eq3A : i32 to vector<16xi32>
    %eq3A_23 = arith.cmpi eq, %and3A_21, %eq3A_22 : vector<16xi32>
    %and3A_24 = arith.constant 2 : i32
    %and3A_25 = vector.broadcast %and3A_24 : i32 to vector<16xi32>
    %and3A_26 = arith.andi %iota3A, %and3A_25 : vector<16xi32>
    %eq3A_27 = arith.constant 0 : i32
    %eq3A_28 = vector.broadcast %eq3A_27 : i32 to vector<16xi32>
    %eq3A_29 = arith.cmpi eq, %and3A_26, %eq3A_28 : vector<16xi32>
    %and3A_30 = arith.constant 4 : i32
    %and3A_31 = vector.broadcast %and3A_30 : i32 to vector<16xi32>
    %and3A_32 = arith.andi %iota3A, %and3A_31 : vector<16xi32>
    %eq3A_33 = arith.constant 0 : i32
    %eq3A_34 = vector.broadcast %eq3A_33 : i32 to vector<16xi32>
    %eq3A_35 = arith.cmpi eq, %and3A_32, %eq3A_34 : vector<16xi32>
    %and3A_36 = arith.constant 8 : i32
    %and3A_37 = vector.broadcast %and3A_36 : i32 to vector<16xi32>
    %and3A_38 = arith.andi %iota3A, %and3A_37 : vector<16xi32>
    %eq3A_39 = arith.constant 0 : i32
    %eq3A_40 = vector.broadcast %eq3A_39 : i32 to vector<16xi32>
    %eq3A_41 = arith.cmpi eq, %and3A_38, %eq3A_40 : vector<16xi32>
    %shift_right_arithmetic3A = arith.constant 2 : i32
    %shift_right_arithmetic3A_42 = vector.broadcast %shift_right_arithmetic3A : i32 to vector<16xi32>
    %shift_right_arithmetic3A_43 = arith.shrsi %iota3A, %shift_right_arithmetic3A_42 : vector<16xi32>
    %dma_start3A_44 = arith.constant 0 : i32
    %dma_start3A_45 = arith.constant 0 : i32
    %dma_start3A_46 = arith.constant 0 : i32
    %dma_start3A_47 = tpu.memref_slice %arg9[%dma_start3A_44, %dma_start3A_45, %dma_start3A_46] : memref<2x64x128xf32, #tpu.memory_space<vmem>> -> memref<1x64x128xf32, #tpu.memory_space<vmem>>
    %dma_start3A_48 = tpu.memref_squeeze %dma_start3A_47 : memref<1x64x128xf32, #tpu.memory_space<vmem>> -> memref<64x128xf32, #tpu.memory_space<vmem>>
    %dma_start3A_49 = arith.constant 0 : i32
    %dma_start3A_50 = tpu.memref_slice %arg7[%dma_start3A_49] : memref<512xi32, #tpu.memory_space<vmem>> -> memref<64xi32, #tpu.memory_space<vmem>>
    %dma_start3A_51 = arith.constant 0 : i32
    %dma_start3A_52 = arith.constant 0 : i32
    %dma_start3A_53 = tpu.memref_slice %arg4[%dma_start3A_51, %dma_start3A_52] : memref<1000000x128xf32, #tpu.memory_space<hbm>> -> memref<1000000x128xf32, #tpu.memory_space<hbm>>
    tpu.enqueue_indirect_dma source(%dma_start3A_53 : memref<1000000x128xf32, #tpu.memory_space<hbm>>) target(%dma_start3A_48 : memref<64x128xf32, #tpu.memory_space<vmem>>) offsets(%dma_start3A_50 : memref<64xi32, #tpu.memory_space<vmem>>) semaphore(%arg12 : memref<!tpu.dma_semaphore, #tpu.memory_space<semaphore_mem>>)
    %dma_start3A_54 = arith.constant 0 : i32
    %dma_start3A_55 = arith.constant 0 : i32
    %dma_start3A_56 = arith.constant 0 : i32
    %dma_start3A_57 = tpu.memref_slice %arg10[%dma_start3A_54, %dma_start3A_55, %dma_start3A_56] : memref<2x64x128xf32, #tpu.memory_space<vmem>> -> memref<1x64x128xf32, #tpu.memory_space<vmem>>
    %dma_start3A_58 = tpu.memref_squeeze %dma_start3A_57 : memref<1x64x128xf32, #tpu.memory_space<vmem>> -> memref<64x128xf32, #tpu.memory_space<vmem>>
    %dma_start3A_59 = arith.constant 0 : i32
    %dma_start3A_60 = tpu.memref_slice %arg8[%dma_start3A_59] : memref<512xi32, #tpu.memory_space<vmem>> -> memref<64xi32, #tpu.memory_space<vmem>>
    %dma_start3A_61 = arith.constant 0 : i32
    %dma_start3A_62 = arith.constant 0 : i32
    %dma_start3A_63 = tpu.memref_slice %arg5[%dma_start3A_61, %dma_start3A_62] : memref<1000000x128xf32, #tpu.memory_space<hbm>> -> memref<1000000x128xf32, #tpu.memory_space<hbm>>
    tpu.enqueue_indirect_dma source(%dma_start3A_63 : memref<1000000x128xf32, #tpu.memory_space<hbm>>) target(%dma_start3A_58 : memref<64x128xf32, #tpu.memory_space<vmem>>) offsets(%dma_start3A_60 : memref<64xi32, #tpu.memory_space<vmem>>) semaphore(%arg14 : memref<!tpu.dma_semaphore, #tpu.memory_space<semaphore_mem>>)
    %dma_start3A_64 = arith.constant 1 : i32
    %dma_start3A_65 = arith.constant 0 : i32
    %dma_start3A_66 = arith.constant 0 : i32
    %dma_start3A_67 = tpu.memref_slice %arg9[%dma_start3A_64, %dma_start3A_65, %dma_start3A_66] : memref<2x64x128xf32, #tpu.memory_space<vmem>> -> memref<1x64x128xf32, #tpu.memory_space<vmem>>
    %dma_start3A_68 = tpu.memref_squeeze %dma_start3A_67 : memref<1x64x128xf32, #tpu.memory_space<vmem>> -> memref<64x128xf32, #tpu.memory_space<vmem>>
    %dma_start3A_69 = arith.constant 64 : i32
    %dma_start3A_70 = tpu.memref_slice %arg7[%dma_start3A_69] : memref<512xi32, #tpu.memory_space<vmem>> -> memref<64xi32, #tpu.memory_space<vmem>>
    %dma_start3A_71 = arith.constant 0 : i32
    %dma_start3A_72 = arith.constant 0 : i32
    %dma_start3A_73 = tpu.memref_slice %arg4[%dma_start3A_71, %dma_start3A_72] : memref<1000000x128xf32, #tpu.memory_space<hbm>> -> memref<1000000x128xf32, #tpu.memory_space<hbm>>
    tpu.enqueue_indirect_dma source(%dma_start3A_73 : memref<1000000x128xf32, #tpu.memory_space<hbm>>) target(%dma_start3A_68 : memref<64x128xf32, #tpu.memory_space<vmem>>) offsets(%dma_start3A_70 : memref<64xi32, #tpu.memory_space<vmem>>) semaphore(%arg13 : memref<!tpu.dma_semaphore, #tpu.memory_space<semaphore_mem>>)
    %dma_start3A_74 = arith.constant 1 : i32
    %dma_start3A_75 = arith.constant 0 : i32
    %dma_start3A_76 = arith.constant 0 : i32
    %dma_start3A_77 = tpu.memref_slice %arg10[%dma_start3A_74, %dma_start3A_75, %dma_start3A_76] : memref<2x64x128xf32, #tpu.memory_space<vmem>> -> memref<1x64x128xf32, #tpu.memory_space<vmem>>
    %dma_start3A_78 = tpu.memref_squeeze %dma_start3A_77 : memref<1x64x128xf32, #tpu.memory_space<vmem>> -> memref<64x128xf32, #tpu.memory_space<vmem>>
    %dma_start3A_79 = arith.constant 64 : i32
    %dma_start3A_80 = tpu.memref_slice %arg8[%dma_start3A_79] : memref<512xi32, #tpu.memory_space<vmem>> -> memref<64xi32, #tpu.memory_space<vmem>>
    %dma_start3A_81 = arith.constant 0 : i32
    %dma_start3A_82 = arith.constant 0 : i32
    %dma_start3A_83 = tpu.memref_slice %arg5[%dma_start3A_81, %dma_start3A_82] : memref<1000000x128xf32, #tpu.memory_space<hbm>> -> memref<1000000x128xf32, #tpu.memory_space<hbm>>
    tpu.enqueue_indirect_dma source(%dma_start3A_83 : memref<1000000x128xf32, #tpu.memory_space<hbm>>) target(%dma_start3A_78 : memref<64x128xf32, #tpu.memory_space<vmem>>) offsets(%dma_start3A_80 : memref<64xi32, #tpu.memory_space<vmem>>) semaphore(%arg15 : memref<!tpu.dma_semaphore, #tpu.memory_space<semaphore_mem>>)
    %scan3A = arith.constant 0 : i32
    %scan3A_84 = arith.constant 3 : i32
    %scan3A_85 = arith.addi %scan3A, %scan3A_84 : i32
    %scan3A_86 = arith.constant 1 : i32
    scf.for %scan3A_138 = %scan3A to %scan3A_85 step %scan3A_86  : i32 {
      %mul3A_139 = arith.constant 1 : i32
      %mul3A_140 = arith.muli %scan3A_138, %mul3A_139 : i32
      %add3A_141 = arith.constant 0 : i32
      %add3A_142 = arith.addi %add3A_141, %mul3A_140 : i32
      %mul3A_143 = arith.constant 2 : i32
      %mul3A_144 = arith.muli %mul3A_143, %add3A_142 : i32
      %add3A_145 = arith.constant 0 : i32
      %add3A_146 = arith.addi %mul3A_144, %add3A_145 : i32
      %dma_wait3A_147 = arith.constant 0 : i32
      %dma_wait3A_148 = arith.constant 0 : i32
      %dma_wait3A_149 = arith.constant 0 : i32
      %dma_wait3A_150 = tpu.memref_slice %arg9[%dma_wait3A_147, %dma_wait3A_148, %dma_wait3A_149] : memref<2x64x128xf32, #tpu.memory_space<vmem>> -> memref<1x64x128xf32, #tpu.memory_space<vmem>>
      %dma_wait3A_151 = tpu.memref_squeeze %dma_wait3A_150 : memref<1x64x128xf32, #tpu.memory_space<vmem>> -> memref<64x128xf32, #tpu.memory_space<vmem>>
      %dma_wait3A_152 = arith.constant 0 : i32
      %dma_wait3A_153 = tpu.memref_slice %arg7[%dma_wait3A_152] : memref<512xi32, #tpu.memory_space<vmem>> -> memref<64xi32, #tpu.memory_space<vmem>>
      %dma_wait3A_154 = arith.constant 0 : i32
      %dma_wait3A_155 = arith.constant 0 : i32
      %dma_wait3A_156 = tpu.memref_slice %arg4[%dma_wait3A_154, %dma_wait3A_155] : memref<1000000x128xf32, #tpu.memory_space<hbm>> -> memref<1000000x128xf32, #tpu.memory_space<hbm>>
      tpu.wait_indirect_dma semaphore(%arg12 : memref<!tpu.dma_semaphore, #tpu.memory_space<semaphore_mem>>) src(%dma_wait3A_156 : memref<1000000x128xf32, #tpu.memory_space<hbm>>) dst(%dma_wait3A_151 : memref<64x128xf32, #tpu.memory_space<vmem>>)
      %dma_wait3A_157 = arith.constant 0 : i32
      %dma_wait3A_158 = arith.constant 0 : i32
      %dma_wait3A_159 = arith.constant 0 : i32
      %dma_wait3A_160 = tpu.memref_slice %arg10[%dma_wait3A_157, %dma_wait3A_158, %dma_wait3A_159] : memref<2x64x128xf32, #tpu.memory_space<vmem>> -> memref<1x64x128xf32, #tpu.memory_space<vmem>>
      %dma_wait3A_161 = tpu.memref_squeeze %dma_wait3A_160 : memref<1x64x128xf32, #tpu.memory_space<vmem>> -> memref<64x128xf32, #tpu.memory_space<vmem>>
      %dma_wait3A_162 = arith.constant 0 : i32
      %dma_wait3A_163 = tpu.memref_slice %arg8[%dma_wait3A_162] : memref<512xi32, #tpu.memory_space<vmem>> -> memref<64xi32, #tpu.memory_space<vmem>>
      %dma_wait3A_164 = arith.constant 0 : i32
      %dma_wait3A_165 = arith.constant 0 : i32
      %dma_wait3A_166 = tpu.memref_slice %arg5[%dma_wait3A_164, %dma_wait3A_165] : memref<1000000x128xf32, #tpu.memory_space<hbm>> -> memref<1000000x128xf32, #tpu.memory_space<hbm>>
      tpu.wait_indirect_dma semaphore(%arg14 : memref<!tpu.dma_semaphore, #tpu.memory_space<semaphore_mem>>) src(%dma_wait3A_166 : memref<1000000x128xf32, #tpu.memory_space<hbm>>) dst(%dma_wait3A_161 : memref<64x128xf32, #tpu.memory_space<vmem>>)
      %mul3A_167 = arith.constant 64 : i32
      %mul3A_168 = arith.muli %add3A_146, %mul3A_167 : i32
      %scan3A_169 = arith.constant 0 : i32
      %scan3A_170 = arith.constant 4 : i32
      %scan3A_171 = arith.addi %scan3A_169, %scan3A_170 : i32
      %scan3A_172 = arith.constant 1 : i32
      scf.for %scan3A_253 = %scan3A_169 to %scan3A_171 step %scan3A_172  : i32 {
        %mul3A_254 = arith.constant 1 : i32
        %mul3A_255 = arith.muli %scan3A_253, %mul3A_254 : i32
        %add3A_256 = arith.constant 0 : i32
        %add3A_257 = arith.addi %add3A_256, %mul3A_255 : i32
        %broadcast_in_dim3A = arith.constant 0.000000e+00 : f32
        %broadcast_in_dim3A_258 = vector.broadcast %broadcast_in_dim3A : f32 to vector<16xf32>
        %scan3A_259 = arith.constant 0 : i32
        %scan3A_260 = arith.constant 4 : i32
        %scan3A_261 = arith.addi %scan3A_259, %scan3A_260 : i32
        %scan3A_262 = arith.constant 1 : i32
        %scan3A_263 = scf.for %scan3A_271 = %scan3A_259 to %scan3A_261 step %scan3A_262 iter_args(%scan3A_272 = %broadcast_in_dim3A_258) -> (vector<16xf32>)  : i32 {
          %mul3A_273 = arith.constant 1 : i32
          %mul3A_274 = arith.muli %scan3A_271, %mul3A_273 : i32
          %add3A_275 = arith.constant 0 : i32
          %add3A_276 = arith.addi %add3A_275, %mul3A_274 : i32
          %mul3A_277 = arith.constant 16 : i32
          %mul3A_278 = arith.muli %add3A_257, %mul3A_277 : i32
          %mul3A_279 = arith.constant 4 : i32
          %mul3A_280 = arith.muli %add3A_276, %mul3A_279 : i32
          %add3A_281 = arith.addi %mul3A_278, %mul3A_280 : i32
          %add3A_282 = arith.constant 0 : i32
          %add3A_283 = arith.addi %add3A_281, %add3A_282 : i32
          %get3A = arith.constant 0 : i32
          %get3A_284 = arith.index_cast %get3A : i32 to index
          %get3A_285 = arith.index_cast %add3A_283 : i32 to index
          %get3A_286 = arith.constant 0 : index
          %get3A_287 = tpu.vector_load %arg9[%get3A_284, %get3A_285, %get3A_286] {strides = array<i32>} : memref<2x64x128xf32, #tpu.memory_space<vmem>>, vector<1x1x16xf32>,
          %get3A_288 = vector.shape_cast %get3A_287 : vector<1x1x16xf32> to vector<16xf32>
          %get3A_289 = arith.constant 0 : i32
          %get3A_290 = arith.index_cast %get3A_289 : i32 to index
          %get3A_291 = arith.index_cast %add3A_283 : i32 to index
          %get3A_292 = arith.constant 0 : index
          %get3A_293 = tpu.vector_load %arg10[%get3A_290, %get3A_291, %get3A_292] {strides = array<i32>} : memref<2x64x128xf32, #tpu.memory_space<vmem>>, vector<1x1x16xf32>,
          %get3A_294 = vector.shape_cast %get3A_293 : vector<1x1x16xf32> to vector<16xf32>
          %mul3A_295 = arith.mulf %get3A_288, %get3A_294 : vector<16xf32>
          %get3A_296 = arith.constant 0 : i32
          %get3A_297 = arith.index_cast %get3A_296 : i32 to index
          %get3A_298 = arith.index_cast %add3A_283 : i32 to index
          %get3A_299 = arith.constant 16 : index
          %get3A_300 = tpu.vector_load %arg9[%get3A_297, %get3A_298, %get3A_299] {strides = array<i32>} : memref<2x64x128xf32, #tpu.memory_space<vmem>>, vector<1x1x16xf32>,
          %get3A_301 = vector.shape_cast %get3A_300 : vector<1x1x16xf32> to vector<16xf32>
          %get3A_302 = arith.constant 0 : i32
          %get3A_303 = arith.index_cast %get3A_302 : i32 to index
          %get3A_304 = arith.index_cast %add3A_283 : i32 to index
          %get3A_305 = arith.constant 16 : index
          %get3A_306 = tpu.vector_load %arg10[%get3A_303, %get3A_304, %get3A_305] {strides = array<i32>} : memref<2x64x128xf32, #tpu.memory_space<vmem>>, vector<1x1x16xf32>,
          %get3A_307 = vector.shape_cast %get3A_306 : vector<1x1x16xf32> to vector<16xf32>
          %mul3A_308 = arith.mulf %get3A_301, %get3A_307 : vector<16xf32>
          %get3A_309 = arith.constant 0 : i32
          %get3A_310 = arith.index_cast %get3A_309 : i32 to index
          %get3A_311 = arith.index_cast %add3A_283 : i32 to index
          %get3A_312 = arith.constant 32 : index
          %get3A_313 = tpu.vector_load %arg9[%get3A_310, %get3A_311, %get3A_312] {strides = array<i32>} : memref<2x64x128xf32, #tpu.memory_space<vmem>>, vector<1x1x16xf32>,
          %get3A_314 = vector.shape_cast %get3A_313 : vector<1x1x16xf32> to vector<16xf32>
          %get3A_315 = arith.constant 0 : i32
          %get3A_316 = arith.index_cast %get3A_315 : i32 to index
          %get3A_317 = arith.index_cast %add3A_283 : i32 to index
          %get3A_318 = arith.constant 32 : index
          %get3A_319 = tpu.vector_load %arg10[%get3A_316, %get3A_317, %get3A_318] {strides = array<i32>} : memref<2x64x128xf32, #tpu.memory_space<vmem>>, vector<1x1x16xf32>,
          %get3A_320 = vector.shape_cast %get3A_319 : vector<1x1x16xf32> to vector<16xf32>
          %mul3A_321 = arith.mulf %get3A_314, %get3A_320 : vector<16xf32>
          %get3A_322 = arith.constant 0 : i32
          %get3A_323 = arith.index_cast %get3A_322 : i32 to index
          %get3A_324 = arith.index_cast %add3A_283 : i32 to index
          %get3A_325 = arith.constant 48 : index
          %get3A_326 = tpu.vector_load %arg9[%get3A_323, %get3A_324, %get3A_325] {strides = array<i32>} : memref<2x64x128xf32, #tpu.memory_space<vmem>>, vector<1x1x16xf32>,
          %get3A_327 = vector.shape_cast %get3A_326 : vector<1x1x16xf32> to vector<16xf32>
          %get3A_328 = arith.constant 0 : i32
          %get3A_329 = arith.index_cast %get3A_328 : i32 to index
          %get3A_330 = arith.index_cast %add3A_283 : i32 to index
          %get3A_331 = arith.constant 48 : index
          %get3A_332 = tpu.vector_load %arg10[%get3A_329, %get3A_330, %get3A_331] {strides = array<i32>} : memref<2x64x128xf32, #tpu.memory_space<vmem>>, vector<1x1x16xf32>,
          %get3A_333 = vector.shape_cast %get3A_332 : vector<1x1x16xf32> to vector<16xf32>
          %mul3A_334 = arith.mulf %get3A_327, %get3A_333 : vector<16xf32>
          %get3A_335 = arith.constant 0 : i32
          %get3A_336 = arith.index_cast %get3A_335 : i32 to index
          %get3A_337 = arith.index_cast %add3A_283 : i32 to index
          %get3A_338 = arith.constant 64 : index
          %get3A_339 = tpu.vector_load %arg9[%get3A_336, %get3A_337, %get3A_338] {strides = array<i32>} : memref<2x64x128xf32, #tpu.memory_space<vmem>>, vector<1x1x16xf32>,
          %get3A_340 = vector.shape_cast %get3A_339 : vector<1x1x16xf32> to vector<16xf32>
          %get3A_341 = arith.constant 0 : i32
          %get3A_342 = arith.index_cast %get3A_341 : i32 to index
          %get3A_343 = arith.index_cast %add3A_283 : i32 to index
          %get3A_344 = arith.constant 64 : index
          %get3A_345 = tpu.vector_load %arg10[%get3A_342, %get3A_343, %get3A_344] {strides = array<i32>} : memref<2x64x128xf32, #tpu.memory_space<vmem>>, vector<1x1x16xf32>,
          %get3A_346 = vector.shape_cast %get3A_345 : vector<1x1x16xf32> to vector<16xf32>
          %mul3A_347 = arith.mulf %get3A_340, %get3A_346 : vector<16xf32>
          %get3A_348 = arith.constant 0 : i32
          %get3A_349 = arith.index_cast %get3A_348 : i32 to index
          %get3A_350 = arith.index_cast %add3A_283 : i32 to index
          %get3A_351 = arith.constant 80 : index
          %get3A_352 = tpu.vector_load %arg9[%get3A_349, %get3A_350, %get3A_351] {strides = array<i32>} : memref<2x64x128xf32, #tpu.memory_space<vmem>>, vector<1x1x16xf32>,
          %get3A_353 = vector.shape_cast %get3A_352 : vector<1x1x16xf32> to vector<16xf32>
          %get3A_354 = arith.constant 0 : i32
          %get3A_355 = arith.index_cast %get3A_354 : i32 to index
          %get3A_356 = arith.index_cast %add3A_283 : i32 to index
          %get3A_357 = arith.constant 80 : index
          %get3A_358 = tpu.vector_load %arg10[%get3A_355, %get3A_356, %get3A_357] {strides = array<i32>} : memref<2x64x128xf32, #tpu.memory_space<vmem>>, vector<1x1x16xf32>,
          %get3A_359 = vector.shape_cast %get3A_358 : vector<1x1x16xf32> to vector<16xf32>
          %mul3A_360 = arith.mulf %get3A_353, %get3A_359 : vector<16xf32>
          %get3A_361 = arith.constant 0 : i32
          %get3A_362 = arith.index_cast %get3A_361 : i32 to index
          %get3A_363 = arith.index_cast %add3A_283 : i32 to index
          %get3A_364 = arith.constant 96 : index
          %get3A_365 = tpu.vector_load %arg9[%get3A_362, %get3A_363, %get3A_364] {strides = array<i32>} : memref<2x64x128xf32, #tpu.memory_space<vmem>>, vector<1x1x16xf32>,
          %get3A_366 = vector.shape_cast %get3A_365 : vector<1x1x16xf32> to vector<16xf32>
          %get3A_367 = arith.constant 0 : i32
          %get3A_368 = arith.index_cast %get3A_367 : i32 to index
          %get3A_369 = arith.index_cast %add3A_283 : i32 to index
          %get3A_370 = arith.constant 96 : index
          %get3A_371 = tpu.vector_load %arg10[%get3A_368, %get3A_369, %get3A_370] {strides = array<i32>} : memref<2x64x128xf32, #tpu.memory_space<vmem>>, vector<1x1x16xf32>,
          %get3A_372 = vector.shape_cast %get3A_371 : vector<1x1x16xf32> to vector<16xf32>
          %mul3A_373 = arith.mulf %get3A_366, %get3A_372 : vector<16xf32>
          %get3A_374 = arith.constant 0 : i32
          %get3A_375 = arith.index_cast %get3A_374 : i32 to index
          %get3A_376 = arith.index_cast %add3A_283 : i32 to index
          %get3A_377 = arith.constant 112 : index
          %get3A_378 = tpu.vector_load %arg9[%get3A_375, %get3A_376, %get3A_377] {strides = array<i32>} : memref<2x64x128xf32, #tpu.memory_space<vmem>>, vector<1x1x16xf32>,
          %get3A_379 = vector.shape_cast %get3A_378 : vector<1x1x16xf32> to vector<16xf32>
          %get3A_380 = arith.constant 0 : i32
          %get3A_381 = arith.index_cast %get3A_380 : i32 to index
          %get3A_382 = arith.index_cast %add3A_283 : i32 to index
          %get3A_383 = arith.constant 112 : index
          %get3A_384 = tpu.vector_load %arg10[%get3A_381, %get3A_382, %get3A_383] {strides = array<i32>} : memref<2x64x128xf32, #tpu.memory_space<vmem>>, vector<1x1x16xf32>,
          %get3A_385 = vector.shape_cast %get3A_384 : vector<1x1x16xf32> to vector<16xf32>
          %mul3A_386 = arith.mulf %get3A_379, %get3A_385 : vector<16xf32>
          %add3A_387 = arith.addf %mul3A_295, %mul3A_308 : vector<16xf32>
          %add3A_388 = arith.addf %mul3A_321, %mul3A_334 : vector<16xf32>
          %add3A_389 = arith.addf %mul3A_347, %mul3A_360 : vector<16xf32>
          %add3A_390 = arith.addf %mul3A_373, %mul3A_386 : vector<16xf32>
          %add3A_391 = arith.addf %add3A_387, %add3A_388 : vector<16xf32>
          %add3A_392 = arith.addf %add3A_389, %add3A_390 : vector<16xf32>
          %add3A_393 = arith.addf %add3A_391, %add3A_392 : vector<16xf32>
          %add3A_394 = arith.constant 1 : i32
          %add3A_395 = arith.addi %add3A_281, %add3A_394 : i32
          %get3A_396 = arith.constant 0 : i32
          %get3A_397 = arith.index_cast %get3A_396 : i32 to index
          %get3A_398 = arith.index_cast %add3A_395 : i32 to index
          %get3A_399 = arith.constant 0 : index
          %get3A_400 = tpu.vector_load %arg9[%get3A_397, %get3A_398, %get3A_399] {strides = array<i32>} : memref<2x64x128xf32, #tpu.memory_space<vmem>>, vector<1x1x16xf32>,
          %get3A_401 = vector.shape_cast %get3A_400 : vector<1x1x16xf32> to vector<16xf32>
          %get3A_402 = arith.constant 0 : i32
          %get3A_403 = arith.index_cast %get3A_402 : i32 to index
          %get3A_404 = arith.index_cast %add3A_395 : i32 to index
          %get3A_405 = arith.constant 0 : index
          %get3A_406 = tpu.vector_load %arg10[%get3A_403, %get3A_404, %get3A_405] {strides = array<i32>} : memref<2x64x128xf32, #tpu.memory_space<vmem>>, vector<1x1x16xf32>,
          %get3A_407 = vector.shape_cast %get3A_406 : vector<1x1x16xf32> to vector<16xf32>
          %mul3A_408 = arith.mulf %get3A_401, %get3A_407 : vector<16xf32>
          %get3A_409 = arith.constant 0 : i32
          %get3A_410 = arith.index_cast %get3A_409 : i32 to index
          %get3A_411 = arith.index_cast %add3A_395 : i32 to index
          %get3A_412 = arith.constant 16 : index
          %get3A_413 = tpu.vector_load %arg9[%get3A_410, %get3A_411, %get3A_412] {strides = array<i32>} : memref<2x64x128xf32, #tpu.memory_space<vmem>>, vector<1x1x16xf32>,
          %get3A_414 = vector.shape_cast %get3A_413 : vector<1x1x16xf32> to vector<16xf32>
          %get3A_415 = arith.constant 0 : i32
          %get3A_416 = arith.index_cast %get3A_415 : i32 to index
          %get3A_417 = arith.index_cast %add3A_395 : i32 to index
          %get3A_418 = arith.constant 16 : index
          %get3A_419 = tpu.vector_load %arg10[%get3A_416, %get3A_417, %get3A_418] {strides = array<i32>} : memref<2x64x128xf32, #tpu.memory_space<vmem>>, vector<1x1x16xf32>,
          %get3A_420 = vector.shape_cast %get3A_419 : vector<1x1x16xf32> to vector<16xf32>
          %mul3A_421 = arith.mulf %get3A_414, %get3A_420 : vector<16xf32>
          %get3A_422 = arith.constant 0 : i32
          %get3A_423 = arith.index_cast %get3A_422 : i32 to index
          %get3A_424 = arith.index_cast %add3A_395 : i32 to index
          %get3A_425 = arith.constant 32 : index
          %get3A_426 = tpu.vector_load %arg9[%get3A_423, %get3A_424, %get3A_425] {strides = array<i32>} : memref<2x64x128xf32, #tpu.memory_space<vmem>>, vector<1x1x16xf32>,
          %get3A_427 = vector.shape_cast %get3A_426 : vector<1x1x16xf32> to vector<16xf32>
          %get3A_428 = arith.constant 0 : i32
          %get3A_429 = arith.index_cast %get3A_428 : i32 to index
          %get3A_430 = arith.index_cast %add3A_395 : i32 to index
          %get3A_431 = arith.constant 32 : index
          %get3A_432 = tpu.vector_load %arg10[%get3A_429, %get3A_430, %get3A_431] {strides = array<i32>} : memref<2x64x128xf32, #tpu.memory_space<vmem>>, vector<1x1x16xf32>,
          %get3A_433 = vector.shape_cast %get3A_432 : vector<1x1x16xf32> to vector<16xf32>
          %mul3A_434 = arith.mulf %get3A_427, %get3A_433 : vector<16xf32>
          %get3A_435 = arith.constant 0 : i32
          %get3A_436 = arith.index_cast %get3A_435 : i32 to index
          %get3A_437 = arith.index_cast %add3A_395 : i32 to index
          %get3A_438 = arith.constant 48 : index
          %get3A_439 = tpu.vector_load %arg9[%get3A_436, %get3A_437, %get3A_438] {strides = array<i32>} : memref<2x64x128xf32, #tpu.memory_space<vmem>>, vector<1x1x16xf32>,
          %get3A_440 = vector.shape_cast %get3A_439 : vector<1x1x16xf32> to vector<16xf32>
          %get3A_441 = arith.constant 0 : i32
          %get3A_442 = arith.index_cast %get3A_441 : i32 to index
          %get3A_443 = arith.index_cast %add3A_395 : i32 to index
          %get3A_444 = arith.constant 48 : index
          %get3A_445 = tpu.vector_load %arg10[%get3A_442, %get3A_443, %get3A_444] {strides = array<i32>} : memref<2x64x128xf32, #tpu.memory_space<vmem>>, vector<1x1x16xf32>,
          %get3A_446 = vector.shape_cast %get3A_445 : vector<1x1x16xf32> to vector<16xf32>
          %mul3A_447 = arith.mulf %get3A_440, %get3A_446 : vector<16xf32>
          %get3A_448 = arith.constant 0 : i32
          %get3A_449 = arith.index_cast %get3A_448 : i32 to index
          %get3A_450 = arith.index_cast %add3A_395 : i32 to index
          %get3A_451 = arith.constant 64 : index
          %get3A_452 = tpu.vector_load %arg9[%get3A_449, %get3A_450, %get3A_451] {strides = array<i32>} : memref<2x64x128xf32, #tpu.memory_space<vmem>>, vector<1x1x16xf32>,
          %get3A_453 = vector.shape_cast %get3A_452 : vector<1x1x16xf32> to vector<16xf32>
          %get3A_454 = arith.constant 0 : i32
          %get3A_455 = arith.index_cast %get3A_454 : i32 to index
          %get3A_456 = arith.index_cast %add3A_395 : i32 to index
          %get3A_457 = arith.constant 64 : index
          %get3A_458 = tpu.vector_load %arg10[%get3A_455, %get3A_456, %get3A_457] {strides = array<i32>} : memref<2x64x128xf32, #tpu.memory_space<vmem>>, vector<1x1x16xf32>,
          %get3A_459 = vector.shape_cast %get3A_458 : vector<1x1x16xf32> to vector<16xf32>
          %mul3A_460 = arith.mulf %get3A_453, %get3A_459 : vector<16xf32>
          %get3A_461 = arith.constant 0 : i32
          %get3A_462 = arith.index_cast %get3A_461 : i32 to index
          %get3A_463 = arith.index_cast %add3A_395 : i32 to index
          %get3A_464 = arith.constant 80 : index
          %get3A_465 = tpu.vector_load %arg9[%get3A_462, %get3A_463, %get3A_464] {strides = array<i32>} : memref<2x64x128xf32, #tpu.memory_space<vmem>>, vector<1x1x16xf32>,
          %get3A_466 = vector.shape_cast %get3A_465 : vector<1x1x16xf32> to vector<16xf32>
          %get3A_467 = arith.constant 0 : i32
          %get3A_468 = arith.index_cast %get3A_467 : i32 to index
          %get3A_469 = arith.index_cast %add3A_395 : i32 to index
          %get3A_470 = arith.constant 80 : index
          %get3A_471 = tpu.vector_load %arg10[%get3A_468, %get3A_469, %get3A_470] {strides = array<i32>} : memref<2x64x128xf32, #tpu.memory_space<vmem>>, vector<1x1x16xf32>,
          %get3A_472 = vector.shape_cast %get3A_471 : vector<1x1x16xf32> to vector<16xf32>
          %mul3A_473 = arith.mulf %get3A_466, %get3A_472 : vector<16xf32>
          %get3A_474 = arith.constant 0 : i32
          %get3A_475 = arith.index_cast %get3A_474 : i32 to index
          %get3A_476 = arith.index_cast %add3A_395 : i32 to index
          %get3A_477 = arith.constant 96 : index
          %get3A_478 = tpu.vector_load %arg9[%get3A_475, %get3A_476, %get3A_477] {strides = array<i32>} : memref<2x64x128xf32, #tpu.memory_space<vmem>>, vector<1x1x16xf32>,
          %get3A_479 = vector.shape_cast %get3A_478 : vector<1x1x16xf32> to vector<16xf32>
          %get3A_480 = arith.constant 0 : i32
          %get3A_481 = arith.index_cast %get3A_480 : i32 to index
          %get3A_482 = arith.index_cast %add3A_395 : i32 to index
          %get3A_483 = arith.constant 96 : index
          %get3A_484 = tpu.vector_load %arg10[%get3A_481, %get3A_482, %get3A_483] {strides = array<i32>} : memref<2x64x128xf32, #tpu.memory_space<vmem>>, vector<1x1x16xf32>,
          %get3A_485 = vector.shape_cast %get3A_484 : vector<1x1x16xf32> to vector<16xf32>
          %mul3A_486 = arith.mulf %get3A_479, %get3A_485 : vector<16xf32>
          %get3A_487 = arith.constant 0 : i32
          %get3A_488 = arith.index_cast %get3A_487 : i32 to index
          %get3A_489 = arith.index_cast %add3A_395 : i32 to index
          %get3A_490 = arith.constant 112 : index
          %get3A_491 = tpu.vector_load %arg9[%get3A_488, %get3A_489, %get3A_490] {strides = array<i32>} : memref<2x64x128xf32, #tpu.memory_space<vmem>>, vector<1x1x16xf32>,
          %get3A_492 = vector.shape_cast %get3A_491 : vector<1x1x16xf32> to vector<16xf32>
          %get3A_493 = arith.constant 0 : i32
          %get3A_494 = arith.index_cast %get3A_493 : i32 to index
          %get3A_495 = arith.index_cast %add3A_395 : i32 to index
          %get3A_496 = arith.constant 112 : index
          %get3A_497 = tpu.vector_load %arg10[%get3A_494, %get3A_495, %get3A_496] {strides = array<i32>} : memref<2x64x128xf32, #tpu.memory_space<vmem>>, vector<1x1x16xf32>,
          %get3A_498 = vector.shape_cast %get3A_497 : vector<1x1x16xf32> to vector<16xf32>
          %mul3A_499 = arith.mulf %get3A_492, %get3A_498 : vector<16xf32>
          %add3A_500 = arith.addf %mul3A_408, %mul3A_421 : vector<16xf32>
          %add3A_501 = arith.addf %mul3A_434, %mul3A_447 : vector<16xf32>
          %add3A_502 = arith.addf %mul3A_460, %mul3A_473 : vector<16xf32>
          %add3A_503 = arith.addf %mul3A_486, %mul3A_499 : vector<16xf32>
          %add3A_504 = arith.addf %add3A_500, %add3A_501 : vector<16xf32>
          %add3A_505 = arith.addf %add3A_502, %add3A_503 : vector<16xf32>
          %add3A_506 = arith.addf %add3A_504, %add3A_505 : vector<16xf32>
          %add3A_507 = arith.constant 2 : i32
          %add3A_508 = arith.addi %add3A_281, %add3A_507 : i32
          %get3A_509 = arith.constant 0 : i32
          %get3A_510 = arith.index_cast %get3A_509 : i32 to index
          %get3A_511 = arith.index_cast %add3A_508 : i32 to index
          %get3A_512 = arith.constant 0 : index
          %get3A_513 = tpu.vector_load %arg9[%get3A_510, %get3A_511, %get3A_512] {strides = array<i32>} : memref<2x64x128xf32, #tpu.memory_space<vmem>>, vector<1x1x16xf32>,
          %get3A_514 = vector.shape_cast %get3A_513 : vector<1x1x16xf32> to vector<16xf32>
          %get3A_515 = arith.constant 0 : i32
          %get3A_516 = arith.index_cast %get3A_515 : i32 to index
          %get3A_517 = arith.index_cast %add3A_508 : i32 to index
          %get3A_518 = arith.constant 0 : index
          %get3A_519 = tpu.vector_load %arg10[%get3A_516, %get3A_517, %get3A_518] {strides = array<i32>} : memref<2x64x128xf32, #tpu.memory_space<vmem>>, vector<1x1x16xf32>,
          %get3A_520 = vector.shape_cast %get3A_519 : vector<1x1x16xf32> to vector<16xf32>
          %mul3A_521 = arith.mulf %get3A_514, %get3A_520 : vector<16xf32>
          %get3A_522 = arith.constant 0 : i32
          %get3A_523 = arith.index_cast %get3A_522 : i32 to index
          %get3A_524 = arith.index_cast %add3A_508 : i32 to index
          %get3A_525 = arith.constant 16 : index
          %get3A_526 = tpu.vector_load %arg9[%get3A_523, %get3A_524, %get3A_525] {strides = array<i32>} : memref<2x64x128xf32, #tpu.memory_space<vmem>>, vector<1x1x16xf32>,
          %get3A_527 = vector.shape_cast %get3A_526 : vector<1x1x16xf32> to vector<16xf32>
          %get3A_528 = arith.constant 0 : i32
          %get3A_529 = arith.index_cast %get3A_528 : i32 to index
          %get3A_530 = arith.index_cast %add3A_508 : i32 to index
          %get3A_531 = arith.constant 16 : index
          %get3A_532 = tpu.vector_load %arg10[%get3A_529, %get3A_530, %get3A_531] {strides = array<i32>} : memref<2x64x128xf32, #tpu.memory_space<vmem>>, vector<1x1x16xf32>,
          %get3A_533 = vector.shape_cast %get3A_532 : vector<1x1x16xf32> to vector<16xf32>
          %mul3A_534 = arith.mulf %get3A_527, %get3A_533 : vector<16xf32>
          %get3A_535 = arith.constant 0 : i32
          %get3A_536 = arith.index_cast %get3A_535 : i32 to index
          %get3A_537 = arith.index_cast %add3A_508 : i32 to index
          %get3A_538 = arith.constant 32 : index
          %get3A_539 = tpu.vector_load %arg9[%get3A_536, %get3A_537, %get3A_538] {strides = array<i32>} : memref<2x64x128xf32, #tpu.memory_space<vmem>>, vector<1x1x16xf32>,
          %get3A_540 = vector.shape_cast %get3A_539 : vector<1x1x16xf32> to vector<16xf32>
          %get3A_541 = arith.constant 0 : i32
          %get3A_542 = arith.index_cast %get3A_541 : i32 to index
          %get3A_543 = arith.index_cast %add3A_508 : i32 to index
          %get3A_544 = arith.constant 32 : index
          %get3A_545 = tpu.vector_load %arg10[%get3A_542, %get3A_543, %get3A_544] {strides = array<i32>} : memref<2x64x128xf32, #tpu.memory_space<vmem>>, vector<1x1x16xf32>,
          %get3A_546 = vector.shape_cast %get3A_545 : vector<1x1x16xf32> to vector<16xf32>
          %mul3A_547 = arith.mulf %get3A_540, %get3A_546 : vector<16xf32>
          %get3A_548 = arith.constant 0 : i32
          %get3A_549 = arith.index_cast %get3A_548 : i32 to index
          %get3A_550 = arith.index_cast %add3A_508 : i32 to index
          %get3A_551 = arith.constant 48 : index
          %get3A_552 = tpu.vector_load %arg9[%get3A_549, %get3A_550, %get3A_551] {strides = array<i32>} : memref<2x64x128xf32, #tpu.memory_space<vmem>>, vector<1x1x16xf32>,
          %get3A_553 = vector.shape_cast %get3A_552 : vector<1x1x16xf32> to vector<16xf32>
          %get3A_554 = arith.constant 0 : i32
          %get3A_555 = arith.index_cast %get3A_554 : i32 to index
          %get3A_556 = arith.index_cast %add3A_508 : i32 to index
          %get3A_557 = arith.constant 48 : index
          %get3A_558 = tpu.vector_load %arg10[%get3A_555, %get3A_556, %get3A_557] {strides = array<i32>} : memref<2x64x128xf32, #tpu.memory_space<vmem>>, vector<1x1x16xf32>,
          %get3A_559 = vector.shape_cast %get3A_558 : vector<1x1x16xf32> to vector<16xf32>
          %mul3A_560 = arith.mulf %get3A_553, %get3A_559 : vector<16xf32>
          %get3A_561 = arith.constant 0 : i32
          %get3A_562 = arith.index_cast %get3A_561 : i32 to index
          %get3A_563 = arith.index_cast %add3A_508 : i32 to index
          %get3A_564 = arith.constant 64 : index
          %get3A_565 = tpu.vector_load %arg9[%get3A_562, %get3A_563, %get3A_564] {strides = array<i32>} : memref<2x64x128xf32, #tpu.memory_space<vmem>>, vector<1x1x16xf32>,
          %get3A_566 = vector.shape_cast %get3A_565 : vector<1x1x16xf32> to vector<16xf32>
          %get3A_567 = arith.constant 0 : i32
          %get3A_568 = arith.index_cast %get3A_567 : i32 to index
          %get3A_569 = arith.index_cast %add3A_508 : i32 to index
          %get3A_570 = arith.constant 64 : index
          %get3A_571 = tpu.vector_load %arg10[%get3A_568, %get3A_569, %get3A_570] {strides = array<i32>} : memref<2x64x128xf32, #tpu.memory_space<vmem>>, vector<1x1x16xf32>,
          %get3A_572 = vector.shape_cast %get3A_571 : vector<1x1x16xf32> to vector<16xf32>
          %mul3A_573 = arith.mulf %get3A_566, %get3A_572 : vector<16xf32>
          %get3A_574 = arith.constant 0 : i32
          %get3A_575 = arith.index_cast %get3A_574 : i32 to index
          %get3A_576 = arith.index_cast %add3A_508 : i32 to index
          %get3A_577 = arith.constant 80 : index
          %get3A_578 = tpu.vector_load %arg9[%get3A_575, %get3A_576, %get3A_577] {strides = array<i32>} : memref<2x64x128xf32, #tpu.memory_space<vmem>>, vector<1x1x16xf32>,
          %get3A_579 = vector.shape_cast %get3A_578 : vector<1x1x16xf32> to vector<16xf32>
          %get3A_580 = arith.constant 0 : i32
          %get3A_581 = arith.index_cast %get3A_580 : i32 to index
          %get3A_582 = arith.index_cast %add3A_508 : i32 to index
          %get3A_583 = arith.constant 80 : index
          %get3A_584 = tpu.vector_load %arg10[%get3A_581, %get3A_582, %get3A_583] {strides = array<i32>} : memref<2x64x128xf32, #tpu.memory_space<vmem>>, vector<1x1x16xf32>,
          %get3A_585 = vector.shape_cast %get3A_584 : vector<1x1x16xf32> to vector<16xf32>
          %mul3A_586 = arith.mulf %get3A_579, %get3A_585 : vector<16xf32>
          %get3A_587 = arith.constant 0 : i32
          %get3A_588 = arith.index_cast %get3A_587 : i32 to index
          %get3A_589 = arith.index_cast %add3A_508 : i32 to index
          %get3A_590 = arith.constant 96 : index
          %get3A_591 = tpu.vector_load %arg9[%get3A_588, %get3A_589, %get3A_590] {strides = array<i32>} : memref<2x64x128xf32, #tpu.memory_space<vmem>>, vector<1x1x16xf32>,
          %get3A_592 = vector.shape_cast %get3A_591 : vector<1x1x16xf32> to vector<16xf32>
          %get3A_593 = arith.constant 0 : i32
          %get3A_594 = arith.index_cast %get3A_593 : i32 to index
          %get3A_595 = arith.index_cast %add3A_508 : i32 to index
          %get3A_596 = arith.constant 96 : index
          %get3A_597 = tpu.vector_load %arg10[%get3A_594, %get3A_595, %get3A_596] {strides = array<i32>} : memref<2x64x128xf32, #tpu.memory_space<vmem>>, vector<1x1x16xf32>,
          %get3A_598 = vector.shape_cast %get3A_597 : vector<1x1x16xf32> to vector<16xf32>
          %mul3A_599 = arith.mulf %get3A_592, %get3A_598 : vector<16xf32>
          %get3A_600 = arith.constant 0 : i32
          %get3A_601 = arith.index_cast %get3A_600 : i32 to index
          %get3A_602 = arith.index_cast %add3A_508 : i32 to index
          %get3A_603 = arith.constant 112 : index
          %get3A_604 = tpu.vector_load %arg9[%get3A_601, %get3A_602, %get3A_603] {strides = array<i32>} : memref<2x64x128xf32, #tpu.memory_space<vmem>>, vector<1x1x16xf32>,
          %get3A_605 = vector.shape_cast %get3A_604 : vector<1x1x16xf32> to vector<16xf32>
          %get3A_606 = arith.constant 0 : i32
          %get3A_607 = arith.index_cast %get3A_606 : i32 to index
          %get3A_608 = arith.index_cast %add3A_508 : i32 to index
          %get3A_609 = arith.constant 112 : index
          %get3A_610 = tpu.vector_load %arg10[%get3A_607, %get3A_608, %get3A_609] {strides = array<i32>} : memref<2x64x128xf32, #tpu.memory_space<vmem>>, vector<1x1x16xf32>,
          %get3A_611 = vector.shape_cast %get3A_610 : vector<1x1x16xf32> to vector<16xf32>
          %mul3A_612 = arith.mulf %get3A_605, %get3A_611 : vector<16xf32>
          %add3A_613 = arith.addf %mul3A_521, %mul3A_534 : vector<16xf32>
          %add3A_614 = arith.addf %mul3A_547, %mul3A_560 : vector<16xf32>
          %add3A_615 = arith.addf %mul3A_573, %mul3A_586 : vector<16xf32>
          %add3A_616 = arith.addf %mul3A_599, %mul3A_612 : vector<16xf32>
          %add3A_617 = arith.addf %add3A_613, %add3A_614 : vector<16xf32>
          %add3A_618 = arith.addf %add3A_615, %add3A_616 : vector<16xf32>
          %add3A_619 = arith.addf %add3A_617, %add3A_618 : vector<16xf32>
          %add3A_620 = arith.constant 3 : i32
          %add3A_621 = arith.addi %add3A_281, %add3A_620 : i32
          %get3A_622 = arith.constant 0 : i32
          %get3A_623 = arith.index_cast %get3A_622 : i32 to index
          %get3A_624 = arith.index_cast %add3A_621 : i32 to index
          %get3A_625 = arith.constant 0 : index
          %get3A_626 = tpu.vector_load %arg9[%get3A_623, %get3A_624, %get3A_625] {strides = array<i32>} : memref<2x64x128xf32, #tpu.memory_space<vmem>>, vector<1x1x16xf32>,
          %get3A_627 = vector.shape_cast %get3A_626 : vector<1x1x16xf32> to vector<16xf32>
          %get3A_628 = arith.constant 0 : i32
          %get3A_629 = arith.index_cast %get3A_628 : i32 to index
          %get3A_630 = arith.index_cast %add3A_621 : i32 to index
          %get3A_631 = arith.constant 0 : index
          %get3A_632 = tpu.vector_load %arg10[%get3A_629, %get3A_630, %get3A_631] {strides = array<i32>} : memref<2x64x128xf32, #tpu.memory_space<vmem>>, vector<1x1x16xf32>,
          %get3A_633 = vector.shape_cast %get3A_632 : vector<1x1x16xf32> to vector<16xf32>
          %mul3A_634 = arith.mulf %get3A_627, %get3A_633 : vector<16xf32>
          %get3A_635 = arith.constant 0 : i32
          %get3A_636 = arith.index_cast %get3A_635 : i32 to index
          %get3A_637 = arith.index_cast %add3A_621 : i32 to index
          %get3A_638 = arith.constant 16 : index
          %get3A_639 = tpu.vector_load %arg9[%get3A_636, %get3A_637, %get3A_638] {strides = array<i32>} : memref<2x64x128xf32, #tpu.memory_space<vmem>>, vector<1x1x16xf32>,
          %get3A_640 = vector.shape_cast %get3A_639 : vector<1x1x16xf32> to vector<16xf32>
          %get3A_641 = arith.constant 0 : i32
          %get3A_642 = arith.index_cast %get3A_641 : i32 to index
          %get3A_643 = arith.index_cast %add3A_621 : i32 to index
          %get3A_644 = arith.constant 16 : index
          %get3A_645 = tpu.vector_load %arg10[%get3A_642, %get3A_643, %get3A_644] {strides = array<i32>} : memref<2x64x128xf32, #tpu.memory_space<vmem>>, vector<1x1x16xf32>,
          %get3A_646 = vector.shape_cast %get3A_645 : vector<1x1x16xf32> to vector<16xf32>
          %mul3A_647 = arith.mulf %get3A_640, %get3A_646 : vector<16xf32>
          %get3A_648 = arith.constant 0 : i32
          %get3A_649 = arith.index_cast %get3A_648 : i32 to index
          %get3A_650 = arith.index_cast %add3A_621 : i32 to index
          %get3A_651 = arith.constant 32 : index
          %get3A_652 = tpu.vector_load %arg9[%get3A_649, %get3A_650, %get3A_651] {strides = array<i32>} : memref<2x64x128xf32, #tpu.memory_space<vmem>>, vector<1x1x16xf32>,
          %get3A_653 = vector.shape_cast %get3A_652 : vector<1x1x16xf32> to vector<16xf32>
          %get3A_654 = arith.constant 0 : i32
          %get3A_655 = arith.index_cast %get3A_654 : i32 to index
          %get3A_656 = arith.index_cast %add3A_621 : i32 to index
          %get3A_657 = arith.constant 32 : index
          %get3A_658 = tpu.vector_load %arg10[%get3A_655, %get3A_656, %get3A_657] {strides = array<i32>} : memref<2x64x128xf32, #tpu.memory_space<vmem>>, vector<1x1x16xf32>,
          %get3A_659 = vector.shape_cast %get3A_658 : vector<1x1x16xf32> to vector<16xf32>
          %mul3A_660 = arith.mulf %get3A_653, %get3A_659 : vector<16xf32>
          %get3A_661 = arith.constant 0 : i32
          %get3A_662 = arith.index_cast %get3A_661 : i32 to index
          %get3A_663 = arith.index_cast %add3A_621 : i32 to index
          %get3A_664 = arith.constant 48 : index
          %get3A_665 = tpu.vector_load %arg9[%get3A_662, %get3A_663, %get3A_664] {strides = array<i32>} : memref<2x64x128xf32, #tpu.memory_space<vmem>>, vector<1x1x16xf32>,
          %get3A_666 = vector.shape_cast %get3A_665 : vector<1x1x16xf32> to vector<16xf32>
          %get3A_667 = arith.constant 0 : i32
          %get3A_668 = arith.index_cast %get3A_667 : i32 to index
          %get3A_669 = arith.index_cast %add3A_621 : i32 to index
          %get3A_670 = arith.constant 48 : index
          %get3A_671 = tpu.vector_load %arg10[%get3A_668, %get3A_669, %get3A_670] {strides = array<i32>} : memref<2x64x128xf32, #tpu.memory_space<vmem>>, vector<1x1x16xf32>,
          %get3A_672 = vector.shape_cast %get3A_671 : vector<1x1x16xf32> to vector<16xf32>
          %mul3A_673 = arith.mulf %get3A_666, %get3A_672 : vector<16xf32>
          %get3A_674 = arith.constant 0 : i32
          %get3A_675 = arith.index_cast %get3A_674 : i32 to index
          %get3A_676 = arith.index_cast %add3A_621 : i32 to index
          %get3A_677 = arith.constant 64 : index
          %get3A_678 = tpu.vector_load %arg9[%get3A_675, %get3A_676, %get3A_677] {strides = array<i32>} : memref<2x64x128xf32, #tpu.memory_space<vmem>>, vector<1x1x16xf32>,
          %get3A_679 = vector.shape_cast %get3A_678 : vector<1x1x16xf32> to vector<16xf32>
          %get3A_680 = arith.constant 0 : i32
          %get3A_681 = arith.index_cast %get3A_680 : i32 to index
          %get3A_682 = arith.index_cast %add3A_621 : i32 to index
          %get3A_683 = arith.constant 64 : index
          %get3A_684 = tpu.vector_load %arg10[%get3A_681, %get3A_682, %get3A_683] {strides = array<i32>} : memref<2x64x128xf32, #tpu.memory_space<vmem>>, vector<1x1x16xf32>,
          %get3A_685 = vector.shape_cast %get3A_684 : vector<1x1x16xf32> to vector<16xf32>
          %mul3A_686 = arith.mulf %get3A_679, %get3A_685 : vector<16xf32>
          %get3A_687 = arith.constant 0 : i32
          %get3A_688 = arith.index_cast %get3A_687 : i32 to index
          %get3A_689 = arith.index_cast %add3A_621 : i32 to index
          %get3A_690 = arith.constant 80 : index
          %get3A_691 = tpu.vector_load %arg9[%get3A_688, %get3A_689, %get3A_690] {strides = array<i32>} : memref<2x64x128xf32, #tpu.memory_space<vmem>>, vector<1x1x16xf32>,
          %get3A_692 = vector.shape_cast %get3A_691 : vector<1x1x16xf32> to vector<16xf32>
          %get3A_693 = arith.constant 0 : i32
          %get3A_694 = arith.index_cast %get3A_693 : i32 to index
          %get3A_695 = arith.index_cast %add3A_621 : i32 to index
          %get3A_696 = arith.constant 80 : index
          %get3A_697 = tpu.vector_load %arg10[%get3A_694, %get3A_695, %get3A_696] {strides = array<i32>} : memref<2x64x128xf32, #tpu.memory_space<vmem>>, vector<1x1x16xf32>,
          %get3A_698 = vector.shape_cast %get3A_697 : vector<1x1x16xf32> to vector<16xf32>
          %mul3A_699 = arith.mulf %get3A_692, %get3A_698 : vector<16xf32>
          %get3A_700 = arith.constant 0 : i32
          %get3A_701 = arith.index_cast %get3A_700 : i32 to index
          %get3A_702 = arith.index_cast %add3A_621 : i32 to index
          %get3A_703 = arith.constant 96 : index
          %get3A_704 = tpu.vector_load %arg9[%get3A_701, %get3A_702, %get3A_703] {strides = array<i32>} : memref<2x64x128xf32, #tpu.memory_space<vmem>>, vector<1x1x16xf32>,
          %get3A_705 = vector.shape_cast %get3A_704 : vector<1x1x16xf32> to vector<16xf32>
          %get3A_706 = arith.constant 0 : i32
          %get3A_707 = arith.index_cast %get3A_706 : i32 to index
          %get3A_708 = arith.index_cast %add3A_621 : i32 to index
          %get3A_709 = arith.constant 96 : index
          %get3A_710 = tpu.vector_load %arg10[%get3A_707, %get3A_708, %get3A_709] {strides = array<i32>} : memref<2x64x128xf32, #tpu.memory_space<vmem>>, vector<1x1x16xf32>,
          %get3A_711 = vector.shape_cast %get3A_710 : vector<1x1x16xf32> to vector<16xf32>
          %mul3A_712 = arith.mulf %get3A_705, %get3A_711 : vector<16xf32>
          %get3A_713 = arith.constant 0 : i32
          %get3A_714 = arith.index_cast %get3A_713 : i32 to index
          %get3A_715 = arith.index_cast %add3A_621 : i32 to index
          %get3A_716 = arith.constant 112 : index
          %get3A_717 = tpu.vector_load %arg9[%get3A_714, %get3A_715, %get3A_716] {strides = array<i32>} : memref<2x64x128xf32, #tpu.memory_space<vmem>>, vector<1x1x16xf32>,
          %get3A_718 = vector.shape_cast %get3A_717 : vector<1x1x16xf32> to vector<16xf32>
          %get3A_719 = arith.constant 0 : i32
          %get3A_720 = arith.index_cast %get3A_719 : i32 to index
          %get3A_721 = arith.index_cast %add3A_621 : i32 to index
          %get3A_722 = arith.constant 112 : index
          %get3A_723 = tpu.vector_load %arg10[%get3A_720, %get3A_721, %get3A_722] {strides = array<i32>} : memref<2x64x128xf32, #tpu.memory_space<vmem>>, vector<1x1x16xf32>,
          %get3A_724 = vector.shape_cast %get3A_723 : vector<1x1x16xf32> to vector<16xf32>
          %mul3A_725 = arith.mulf %get3A_718, %get3A_724 : vector<16xf32>
          %add3A_726 = arith.addf %mul3A_634, %mul3A_647 : vector<16xf32>
          %add3A_727 = arith.addf %mul3A_660, %mul3A_673 : vector<16xf32>
          %add3A_728 = arith.addf %mul3A_686, %mul3A_699 : vector<16xf32>
          %add3A_729 = arith.addf %mul3A_712, %mul3A_725 : vector<16xf32>
          %add3A_730 = arith.addf %add3A_726, %add3A_727 : vector<16xf32>
          %add3A_731 = arith.addf %add3A_728, %add3A_729 : vector<16xf32>
          %add3A_732 = arith.addf %add3A_730, %add3A_731 : vector<16xf32>
          %lt3A = arith.constant 0 : i32
          %lt3A_733 = vector.broadcast %lt3A : i32 to vector<16xi32>
          %lt3A_734 = arith.cmpi slt, %xor3A_10, %lt3A_733 : vector<16xi32>
          %add3A_735 = arith.constant 16 : i32
          %add3A_736 = vector.broadcast %add3A_735 : i32 to vector<16xi32>
          %add3A_737 = arith.addi %xor3A_10, %add3A_736 : vector<16xi32>
          %select_n3A = arith.select %lt3A_734, %add3A_737, %xor3A_10 : vector<16xi1>, vector<16xi32>
          %broadcast_in_dim3A_738 = vector.shape_cast %select_n3A : vector<16xi32> to vector<16x1xi32>
          %gather3A = vector.shape_cast %broadcast_in_dim3A_738 : vector<16x1xi32> to vector<16xi32>
          %gather3A_739 = tpu.dynamic_gather %add3A_393[%gather3A] in [0] : vector<16xf32>, vector<16xi32> -> vector<16xf32>
          %add3A_740 = arith.addf %add3A_393, %gather3A_739 : vector<16xf32>
          %lt3A_741 = arith.constant 0 : i32
          %lt3A_742 = vector.broadcast %lt3A_741 : i32 to vector<16xi32>
          %lt3A_743 = arith.cmpi slt, %xor3A_10, %lt3A_742 : vector<16xi32>
          %add3A_744 = arith.constant 16 : i32
          %add3A_745 = vector.broadcast %add3A_744 : i32 to vector<16xi32>
          %add3A_746 = arith.addi %xor3A_10, %add3A_745 : vector<16xi32>
          %select_n3A_747 = arith.select %lt3A_743, %add3A_746, %xor3A_10 : vector<16xi1>, vector<16xi32>
          %broadcast_in_dim3A_748 = vector.shape_cast %select_n3A_747 : vector<16xi32> to vector<16x1xi32>
          %gather3A_749 = vector.shape_cast %broadcast_in_dim3A_748 : vector<16x1xi32> to vector<16xi32>
          %gather3A_750 = tpu.dynamic_gather %add3A_506[%gather3A_749] in [0] : vector<16xf32>, vector<16xi32> -> vector<16xf32>
          %add3A_751 = arith.addf %add3A_506, %gather3A_750 : vector<16xf32>
          %select_n3A_752 = arith.select %eq3A_23, %add3A_740, %add3A_751 : vector<16xi1>, vector<16xf32>
          %lt3A_753 = arith.constant 0 : i32
          %lt3A_754 = vector.broadcast %lt3A_753 : i32 to vector<16xi32>
          %lt3A_755 = arith.cmpi slt, %xor3A_10, %lt3A_754 : vector<16xi32>
          %add3A_756 = arith.constant 16 : i32
          %add3A_757 = vector.broadcast %add3A_756 : i32 to vector<16xi32>
          %add3A_758 = arith.addi %xor3A_10, %add3A_757 : vector<16xi32>
          %select_n3A_759 = arith.select %lt3A_755, %add3A_758, %xor3A_10 : vector<16xi1>, vector<16xi32>
          %broadcast_in_dim3A_760 = vector.shape_cast %select_n3A_759 : vector<16xi32> to vector<16x1xi32>
          %gather3A_761 = vector.shape_cast %broadcast_in_dim3A_760 : vector<16x1xi32> to vector<16xi32>
          %gather3A_762 = tpu.dynamic_gather %add3A_619[%gather3A_761] in [0] : vector<16xf32>, vector<16xi32> -> vector<16xf32>
          %add3A_763 = arith.addf %add3A_619, %gather3A_762 : vector<16xf32>
          %lt3A_764 = arith.constant 0 : i32
          %lt3A_765 = vector.broadcast %lt3A_764 : i32 to vector<16xi32>
          %lt3A_766 = arith.cmpi slt, %xor3A_10, %lt3A_765 : vector<16xi32>
          %add3A_767 = arith.constant 16 : i32
          %add3A_768 = vector.broadcast %add3A_767 : i32 to vector<16xi32>
          %add3A_769 = arith.addi %xor3A_10, %add3A_768 : vector<16xi32>
          %select_n3A_770 = arith.select %lt3A_766, %add3A_769, %xor3A_10 : vector<16xi1>, vector<16xi32>
          %broadcast_in_dim3A_771 = vector.shape_cast %select_n3A_770 : vector<16xi32> to vector<16x1xi32>
          %gather3A_772 = vector.shape_cast %broadcast_in_dim3A_771 : vector<16x1xi32> to vector<16xi32>
          %gather3A_773 = tpu.dynamic_gather %add3A_732[%gather3A_772] in [0] : vector<16xf32>, vector<16xi32> -> vector<16xf32>
          %add3A_774 = arith.addf %add3A_732, %gather3A_773 : vector<16xf32>
          %select_n3A_775 = arith.select %eq3A_23, %add3A_763, %add3A_774 : vector<16xi1>, vector<16xf32>
          %lt3A_776 = arith.constant 0 : i32
          %lt3A_777 = vector.broadcast %lt3A_776 : i32 to vector<16xi32>
          %lt3A_778 = arith.cmpi slt, %xor3A_13, %lt3A_777 : vector<16xi32>
          %add3A_779 = arith.constant 16 : i32
          %add3A_780 = vector.broadcast %add3A_779 : i32 to vector<16xi32>
          %add3A_781 = arith.addi %xor3A_13, %add3A_780 : vector<16xi32>
          %select_n3A_782 = arith.select %lt3A_778, %add3A_781, %xor3A_13 : vector<16xi1>, vector<16xi32>
          %broadcast_in_dim3A_783 = vector.shape_cast %select_n3A_782 : vector<16xi32> to vector<16x1xi32>
          %gather3A_784 = vector.shape_cast %broadcast_in_dim3A_783 : vector<16x1xi32> to vector<16xi32>
          %gather3A_785 = tpu.dynamic_gather %select_n3A_752[%gather3A_784] in [0] : vector<16xf32>, vector<16xi32> -> vector<16xf32>
          %add3A_786 = arith.addf %select_n3A_752, %gather3A_785 : vector<16xf32>
          %lt3A_787 = arith.constant 0 : i32
          %lt3A_788 = vector.broadcast %lt3A_787 : i32 to vector<16xi32>
          %lt3A_789 = arith.cmpi slt, %xor3A_13, %lt3A_788 : vector<16xi32>
          %add3A_790 = arith.constant 16 : i32
          %add3A_791 = vector.broadcast %add3A_790 : i32 to vector<16xi32>
          %add3A_792 = arith.addi %xor3A_13, %add3A_791 : vector<16xi32>
          %select_n3A_793 = arith.select %lt3A_789, %add3A_792, %xor3A_13 : vector<16xi1>, vector<16xi32>
          %broadcast_in_dim3A_794 = vector.shape_cast %select_n3A_793 : vector<16xi32> to vector<16x1xi32>
          %gather3A_795 = vector.shape_cast %broadcast_in_dim3A_794 : vector<16x1xi32> to vector<16xi32>
          %gather3A_796 = tpu.dynamic_gather %select_n3A_775[%gather3A_795] in [0] : vector<16xf32>, vector<16xi32> -> vector<16xf32>
          %add3A_797 = arith.addf %select_n3A_775, %gather3A_796 : vector<16xf32>
          %select_n3A_798 = arith.select %eq3A_29, %add3A_786, %add3A_797 : vector<16xi1>, vector<16xf32>
          %lt3A_799 = arith.constant 0 : i32
          %lt3A_800 = vector.broadcast %lt3A_799 : i32 to vector<16xi32>
          %lt3A_801 = arith.cmpi slt, %xor3A_16, %lt3A_800 : vector<16xi32>
          %add3A_802 = arith.constant 16 : i32
          %add3A_803 = vector.broadcast %add3A_802 : i32 to vector<16xi32>
          %add3A_804 = arith.addi %xor3A_16, %add3A_803 : vector<16xi32>
          %select_n3A_805 = arith.select %lt3A_801, %add3A_804, %xor3A_16 : vector<16xi1>, vector<16xi32>
          %broadcast_in_dim3A_806 = vector.shape_cast %select_n3A_805 : vector<16xi32> to vector<16x1xi32>
          %gather3A_807 = vector.shape_cast %broadcast_in_dim3A_806 : vector<16x1xi32> to vector<16xi32>
          %gather3A_808 = tpu.dynamic_gather %select_n3A_798[%gather3A_807] in [0] : vector<16xf32>, vector<16xi32> -> vector<16xf32>
          %add3A_809 = arith.addf %select_n3A_798, %gather3A_808 : vector<16xf32>
          %lt3A_810 = arith.constant 0 : i32
          %lt3A_811 = vector.broadcast %lt3A_810 : i32 to vector<16xi32>
          %lt3A_812 = arith.cmpi slt, %xor3A_19, %lt3A_811 : vector<16xi32>
          %add3A_813 = arith.constant 16 : i32
          %add3A_814 = vector.broadcast %add3A_813 : i32 to vector<16xi32>
          %add3A_815 = arith.addi %xor3A_19, %add3A_814 : vector<16xi32>
          %select_n3A_816 = arith.select %lt3A_812, %add3A_815, %xor3A_19 : vector<16xi1>, vector<16xi32>
          %broadcast_in_dim3A_817 = vector.shape_cast %select_n3A_816 : vector<16xi32> to vector<16x1xi32>
          %gather3A_818 = vector.shape_cast %broadcast_in_dim3A_817 : vector<16x1xi32> to vector<16xi32>
          %gather3A_819 = tpu.dynamic_gather %add3A_809[%gather3A_818] in [0] : vector<16xf32>, vector<16xi32> -> vector<16xf32>
          %add3A_820 = arith.addf %add3A_809, %gather3A_819 : vector<16xf32>
          %eq3A_821 = vector.broadcast %add3A_276 : i32 to vector<16xi32>
          %eq3A_822 = arith.cmpi eq, %shift_right_arithmetic3A_43, %eq3A_821 : vector<16xi32>
          %select_n3A_823 = arith.select %eq3A_822, %add3A_820, %scan3A_272 : vector<16xi1>, vector<16xf32>
          scf.yield %select_n3A_823 : vector<16xf32>
        }
        %scan3A_264 = arith.constant 4 : i32
        %mul3A_265 = arith.constant 16 : i32
        %mul3A_266 = arith.muli %add3A_257, %mul3A_265 : i32
        %add3A_267 = arith.addi %mul3A_168, %mul3A_266 : i32
        %swap3A = arith.index_cast %add3A_267 : i32 to index
        %swap3A_268 = tpu.vector_load %arg11[%swap3A] {strides = array<i32>} : memref<512xf32, #tpu.memory_space<vmem>>, vector<16xf32>,
        %swap3A_269 = vector.shape_cast %swap3A_268 : vector<16xf32> to vector<16xf32>
        %swap3A_270 = vector.shape_cast %scan3A_263 : vector<16xf32> to vector<16xf32>
        tpu.vector_store %arg11[%swap3A], %swap3A_270 {strides = array<i32>} : memref<512xf32, #tpu.memory_space<vmem>>, vector<16xf32>,
      }
      %scan3A_173 = arith.constant 4 : i32
      %add3A_174 = arith.constant 2 : i32
      %add3A_175 = arith.addi %add3A_146, %add3A_174 : i32
      %mul3A_176 = arith.constant 64 : i32
      %mul3A_177 = arith.muli %add3A_175, %mul3A_176 : i32
      %dma_start3A_178 = arith.constant 0 : i32
      %dma_start3A_179 = arith.constant 0 : i32
      %dma_start3A_180 = arith.constant 0 : i32
      %dma_start3A_181 = tpu.memref_slice %arg9[%dma_start3A_178, %dma_start3A_179, %dma_start3A_180] : memref<2x64x128xf32, #tpu.memory_space<vmem>> -> memref<1x64x128xf32, #tpu.memory_space<vmem>>
      %dma_start3A_182 = tpu.memref_squeeze %dma_start3A_181 : memref<1x64x128xf32, #tpu.memory_space<vmem>> -> memref<64x128xf32, #tpu.memory_space<vmem>>
      %dma_start3A_183 = tpu.memref_slice %arg7[%mul3A_177] : memref<512xi32, #tpu.memory_space<vmem>> -> memref<64xi32, #tpu.memory_space<vmem>>
      %dma_start3A_184 = arith.constant 0 : i32
      %dma_start3A_185 = arith.constant 0 : i32
      %dma_start3A_186 = tpu.memref_slice %arg4[%dma_start3A_184, %dma_start3A_185] : memref<1000000x128xf32, #tpu.memory_space<hbm>> -> memref<1000000x128xf32, #tpu.memory_space<hbm>>
      tpu.enqueue_indirect_dma source(%dma_start3A_186 : memref<1000000x128xf32, #tpu.memory_space<hbm>>) target(%dma_start3A_182 : memref<64x128xf32, #tpu.memory_space<vmem>>) offsets(%dma_start3A_183 : memref<64xi32, #tpu.memory_space<vmem>>) semaphore(%arg12 : memref<!tpu.dma_semaphore, #tpu.memory_space<semaphore_mem>>)
      %mul3A_187 = arith.constant 64 : i32
      %mul3A_188 = arith.muli %add3A_175, %mul3A_187 : i32
      %dma_start3A_189 = arith.constant 0 : i32
      %dma_start3A_190 = arith.constant 0 : i32
      %dma_start3A_191 = arith.constant 0 : i32
      %dma_start3A_192 = tpu.memref_slice %arg10[%dma_start3A_189, %dma_start3A_190, %dma_start3A_191] : memref<2x64x128xf32, #tpu.memory_space<vmem>> -> memref<1x64x128xf32, #tpu.memory_space<vmem>>
      %dma_start3A_193 = tpu.memref_squeeze %dma_start3A_192 : memref<1x64x128xf32, #tpu.memory_space<vmem>> -> memref<64x128xf32, #tpu.memory_space<vmem>>
      %dma_start3A_194 = tpu.memref_slice %arg8[%mul3A_188] : memref<512xi32, #tpu.memory_space<vmem>> -> memref<64xi32, #tpu.memory_space<vmem>>
      %dma_start3A_195 = arith.constant 0 : i32
      %dma_start3A_196 = arith.constant 0 : i32
      %dma_start3A_197 = tpu.memref_slice %arg5[%dma_start3A_195, %dma_start3A_196] : memref<1000000x128xf32, #tpu.memory_space<hbm>> -> memref<1000000x128xf32, #tpu.memory_space<hbm>>
      tpu.enqueue_indirect_dma source(%dma_start3A_197 : memref<1000000x128xf32, #tpu.memory_space<hbm>>) target(%dma_start3A_193 : memref<64x128xf32, #tpu.memory_space<vmem>>) offsets(%dma_start3A_194 : memref<64xi32, #tpu.memory_space<vmem>>) semaphore(%arg14 : memref<!tpu.dma_semaphore, #tpu.memory_space<semaphore_mem>>)
      %mul3A_198 = arith.constant 2 : i32
      %mul3A_199 = arith.muli %mul3A_198, %add3A_142 : i32
      %add3A_200 = arith.constant 1 : i32
      %add3A_201 = arith.addi %mul3A_199, %add3A_200 : i32
      %dma_wait3A_202 = arith.constant 1 : i32
      %dma_wait3A_203 = arith.constant 0 : i32
      %dma_wait3A_204 = arith.constant 0 : i32
      %dma_wait3A_205 = tpu.memref_slice %arg9[%dma_wait3A_202, %dma_wait3A_203, %dma_wait3A_204] : memref<2x64x128xf32, #tpu.memory_space<vmem>> -> memref<1x64x128xf32, #tpu.memory_space<vmem>>
      %dma_wait3A_206 = tpu.memref_squeeze %dma_wait3A_205 : memref<1x64x128xf32, #tpu.memory_space<vmem>> -> memref<64x128xf32, #tpu.memory_space<vmem>>
      %dma_wait3A_207 = arith.constant 0 : i32
      %dma_wait3A_208 = tpu.memref_slice %arg7[%dma_wait3A_207] : memref<512xi32, #tpu.memory_space<vmem>> -> memref<64xi32, #tpu.memory_space<vmem>>
      %dma_wait3A_209 = arith.constant 0 : i32
      %dma_wait3A_210 = arith.constant 0 : i32
      %dma_wait3A_211 = tpu.memref_slice %arg4[%dma_wait3A_209, %dma_wait3A_210] : memref<1000000x128xf32, #tpu.memory_space<hbm>> -> memref<1000000x128xf32, #tpu.memory_space<hbm>>
      tpu.wait_indirect_dma semaphore(%arg13 : memref<!tpu.dma_semaphore, #tpu.memory_space<semaphore_mem>>) src(%dma_wait3A_211 : memref<1000000x128xf32, #tpu.memory_space<hbm>>) dst(%dma_wait3A_206 : memref<64x128xf32, #tpu.memory_space<vmem>>)
      %dma_wait3A_212 = arith.constant 1 : i32
      %dma_wait3A_213 = arith.constant 0 : i32
      %dma_wait3A_214 = arith.constant 0 : i32
      %dma_wait3A_215 = tpu.memref_slice %arg10[%dma_wait3A_212, %dma_wait3A_213, %dma_wait3A_214] : memref<2x64x128xf32, #tpu.memory_space<vmem>> -> memref<1x64x128xf32, #tpu.memory_space<vmem>>
      %dma_wait3A_216 = tpu.memref_squeeze %dma_wait3A_215 : memref<1x64x128xf32, #tpu.memory_space<vmem>> -> memref<64x128xf32, #tpu.memory_space<vmem>>
      %dma_wait3A_217 = arith.constant 0 : i32
      %dma_wait3A_218 = tpu.memref_slice %arg8[%dma_wait3A_217] : memref<512xi32, #tpu.memory_space<vmem>> -> memref<64xi32, #tpu.memory_space<vmem>>
      %dma_wait3A_219 = arith.constant 0 : i32
      %dma_wait3A_220 = arith.constant 0 : i32
      %dma_wait3A_221 = tpu.memref_slice %arg5[%dma_wait3A_219, %dma_wait3A_220] : memref<1000000x128xf32, #tpu.memory_space<hbm>> -> memref<1000000x128xf32, #tpu.memory_space<hbm>>
      tpu.wait_indirect_dma semaphore(%arg15 : memref<!tpu.dma_semaphore, #tpu.memory_space<semaphore_mem>>) src(%dma_wait3A_221 : memref<1000000x128xf32, #tpu.memory_space<hbm>>) dst(%dma_wait3A_216 : memref<64x128xf32, #tpu.memory_space<vmem>>)
      %mul3A_222 = arith.constant 64 : i32
      %mul3A_223 = arith.muli %add3A_201, %mul3A_222 : i32
      %scan3A_224 = arith.constant 0 : i32
      %scan3A_225 = arith.constant 4 : i32
      %scan3A_226 = arith.addi %scan3A_224, %scan3A_225 : i32
      %scan3A_227 = arith.constant 1 : i32
      scf.for %scan3A_253 = %scan3A_224 to %scan3A_226 step %scan3A_227  : i32 {
        %mul3A_254 = arith.constant 1 : i32
        %mul3A_255 = arith.muli %scan3A_253, %mul3A_254 : i32
        %add3A_256 = arith.constant 0 : i32
        %add3A_257 = arith.addi %add3A_256, %mul3A_255 : i32
        %broadcast_in_dim3A = arith.constant 0.000000e+00 : f32
        %broadcast_in_dim3A_258 = vector.broadcast %broadcast_in_dim3A : f32 to vector<16xf32>
        %scan3A_259 = arith.constant 0 : i32
        %scan3A_260 = arith.constant 4 : i32
        %scan3A_261 = arith.addi %scan3A_259, %scan3A_260 : i32
        %scan3A_262 = arith.constant 1 : i32
        %scan3A_263 = scf.for %scan3A_271 = %scan3A_259 to %scan3A_261 step %scan3A_262 iter_args(%scan3A_272 = %broadcast_in_dim3A_258) -> (vector<16xf32>)  : i32 {
          %mul3A_273 = arith.constant 1 : i32
          %mul3A_274 = arith.muli %scan3A_271, %mul3A_273 : i32
          %add3A_275 = arith.constant 0 : i32
          %add3A_276 = arith.addi %add3A_275, %mul3A_274 : i32
          %mul3A_277 = arith.constant 16 : i32
          %mul3A_278 = arith.muli %add3A_257, %mul3A_277 : i32
          %mul3A_279 = arith.constant 4 : i32
          %mul3A_280 = arith.muli %add3A_276, %mul3A_279 : i32
          %add3A_281 = arith.addi %mul3A_278, %mul3A_280 : i32
          %add3A_282 = arith.constant 0 : i32
          %add3A_283 = arith.addi %add3A_281, %add3A_282 : i32
          %get3A = arith.constant 1 : i32
          %get3A_284 = arith.index_cast %get3A : i32 to index
          %get3A_285 = arith.index_cast %add3A_283 : i32 to index
          %get3A_286 = arith.constant 0 : index
          %get3A_287 = tpu.vector_load %arg9[%get3A_284, %get3A_285, %get3A_286] {strides = array<i32>} : memref<2x64x128xf32, #tpu.memory_space<vmem>>, vector<1x1x16xf32>,
          %get3A_288 = vector.shape_cast %get3A_287 : vector<1x1x16xf32> to vector<16xf32>
          %get3A_289 = arith.constant 1 : i32
          %get3A_290 = arith.index_cast %get3A_289 : i32 to index
          %get3A_291 = arith.index_cast %add3A_283 : i32 to index
          %get3A_292 = arith.constant 0 : index
          %get3A_293 = tpu.vector_load %arg10[%get3A_290, %get3A_291, %get3A_292] {strides = array<i32>} : memref<2x64x128xf32, #tpu.memory_space<vmem>>, vector<1x1x16xf32>,
          %get3A_294 = vector.shape_cast %get3A_293 : vector<1x1x16xf32> to vector<16xf32>
          %mul3A_295 = arith.mulf %get3A_288, %get3A_294 : vector<16xf32>
          %get3A_296 = arith.constant 1 : i32
          %get3A_297 = arith.index_cast %get3A_296 : i32 to index
          %get3A_298 = arith.index_cast %add3A_283 : i32 to index
          %get3A_299 = arith.constant 16 : index
          %get3A_300 = tpu.vector_load %arg9[%get3A_297, %get3A_298, %get3A_299] {strides = array<i32>} : memref<2x64x128xf32, #tpu.memory_space<vmem>>, vector<1x1x16xf32>,
          %get3A_301 = vector.shape_cast %get3A_300 : vector<1x1x16xf32> to vector<16xf32>
          %get3A_302 = arith.constant 1 : i32
          %get3A_303 = arith.index_cast %get3A_302 : i32 to index
          %get3A_304 = arith.index_cast %add3A_283 : i32 to index
          %get3A_305 = arith.constant 16 : index
          %get3A_306 = tpu.vector_load %arg10[%get3A_303, %get3A_304, %get3A_305] {strides = array<i32>} : memref<2x64x128xf32, #tpu.memory_space<vmem>>, vector<1x1x16xf32>,
          %get3A_307 = vector.shape_cast %get3A_306 : vector<1x1x16xf32> to vector<16xf32>
          %mul3A_308 = arith.mulf %get3A_301, %get3A_307 : vector<16xf32>
          %get3A_309 = arith.constant 1 : i32
          %get3A_310 = arith.index_cast %get3A_309 : i32 to index
          %get3A_311 = arith.index_cast %add3A_283 : i32 to index
          %get3A_312 = arith.constant 32 : index
          %get3A_313 = tpu.vector_load %arg9[%get3A_310, %get3A_311, %get3A_312] {strides = array<i32>} : memref<2x64x128xf32, #tpu.memory_space<vmem>>, vector<1x1x16xf32>,
          %get3A_314 = vector.shape_cast %get3A_313 : vector<1x1x16xf32> to vector<16xf32>
          %get3A_315 = arith.constant 1 : i32
          %get3A_316 = arith.index_cast %get3A_315 : i32 to index
          %get3A_317 = arith.index_cast %add3A_283 : i32 to index
          %get3A_318 = arith.constant 32 : index
          %get3A_319 = tpu.vector_load %arg10[%get3A_316, %get3A_317, %get3A_318] {strides = array<i32>} : memref<2x64x128xf32, #tpu.memory_space<vmem>>, vector<1x1x16xf32>,
          %get3A_320 = vector.shape_cast %get3A_319 : vector<1x1x16xf32> to vector<16xf32>
          %mul3A_321 = arith.mulf %get3A_314, %get3A_320 : vector<16xf32>
          %get3A_322 = arith.constant 1 : i32
          %get3A_323 = arith.index_cast %get3A_322 : i32 to index
          %get3A_324 = arith.index_cast %add3A_283 : i32 to index
          %get3A_325 = arith.constant 48 : index
          %get3A_326 = tpu.vector_load %arg9[%get3A_323, %get3A_324, %get3A_325] {strides = array<i32>} : memref<2x64x128xf32, #tpu.memory_space<vmem>>, vector<1x1x16xf32>,
          %get3A_327 = vector.shape_cast %get3A_326 : vector<1x1x16xf32> to vector<16xf32>
          %get3A_328 = arith.constant 1 : i32
          %get3A_329 = arith.index_cast %get3A_328 : i32 to index
          %get3A_330 = arith.index_cast %add3A_283 : i32 to index
          %get3A_331 = arith.constant 48 : index
          %get3A_332 = tpu.vector_load %arg10[%get3A_329, %get3A_330, %get3A_331] {strides = array<i32>} : memref<2x64x128xf32, #tpu.memory_space<vmem>>, vector<1x1x16xf32>,
          %get3A_333 = vector.shape_cast %get3A_332 : vector<1x1x16xf32> to vector<16xf32>
          %mul3A_334 = arith.mulf %get3A_327, %get3A_333 : vector<16xf32>
          %get3A_335 = arith.constant 1 : i32
          %get3A_336 = arith.index_cast %get3A_335 : i32 to index
          %get3A_337 = arith.index_cast %add3A_283 : i32 to index
          %get3A_338 = arith.constant 64 : index
          %get3A_339 = tpu.vector_load %arg9[%get3A_336, %get3A_337, %get3A_338] {strides = array<i32>} : memref<2x64x128xf32, #tpu.memory_space<vmem>>, vector<1x1x16xf32>,
          %get3A_340 = vector.shape_cast %get3A_339 : vector<1x1x16xf32> to vector<16xf32>
          %get3A_341 = arith.constant 1 : i32
          %get3A_342 = arith.index_cast %get3A_341 : i32 to index
          %get3A_343 = arith.index_cast %add3A_283 : i32 to index
          %get3A_344 = arith.constant 64 : index
          %get3A_345 = tpu.vector_load %arg10[%get3A_342, %get3A_343, %get3A_344] {strides = array<i32>} : memref<2x64x128xf32, #tpu.memory_space<vmem>>, vector<1x1x16xf32>,
          %get3A_346 = vector.shape_cast %get3A_345 : vector<1x1x16xf32> to vector<16xf32>
          %mul3A_347 = arith.mulf %get3A_340, %get3A_346 : vector<16xf32>
          %get3A_348 = arith.constant 1 : i32
          %get3A_349 = arith.index_cast %get3A_348 : i32 to index
          %get3A_350 = arith.index_cast %add3A_283 : i32 to index
          %get3A_351 = arith.constant 80 : index
          %get3A_352 = tpu.vector_load %arg9[%get3A_349, %get3A_350, %get3A_351] {strides = array<i32>} : memref<2x64x128xf32, #tpu.memory_space<vmem>>, vector<1x1x16xf32>,
          %get3A_353 = vector.shape_cast %get3A_352 : vector<1x1x16xf32> to vector<16xf32>
          %get3A_354 = arith.constant 1 : i32
          %get3A_355 = arith.index_cast %get3A_354 : i32 to index
          %get3A_356 = arith.index_cast %add3A_283 : i32 to index
          %get3A_357 = arith.constant 80 : index
          %get3A_358 = tpu.vector_load %arg10[%get3A_355, %get3A_356, %get3A_357] {strides = array<i32>} : memref<2x64x128xf32, #tpu.memory_space<vmem>>, vector<1x1x16xf32>,
          %get3A_359 = vector.shape_cast %get3A_358 : vector<1x1x16xf32> to vector<16xf32>
          %mul3A_360 = arith.mulf %get3A_353, %get3A_359 : vector<16xf32>
          %get3A_361 = arith.constant 1 : i32
          %get3A_362 = arith.index_cast %get3A_361 : i32 to index
          %get3A_363 = arith.index_cast %add3A_283 : i32 to index
          %get3A_364 = arith.constant 96 : index
          %get3A_365 = tpu.vector_load %arg9[%get3A_362, %get3A_363, %get3A_364] {strides = array<i32>} : memref<2x64x128xf32, #tpu.memory_space<vmem>>, vector<1x1x16xf32>,
          %get3A_366 = vector.shape_cast %get3A_365 : vector<1x1x16xf32> to vector<16xf32>
          %get3A_367 = arith.constant 1 : i32
          %get3A_368 = arith.index_cast %get3A_367 : i32 to index
          %get3A_369 = arith.index_cast %add3A_283 : i32 to index
          %get3A_370 = arith.constant 96 : index
          %get3A_371 = tpu.vector_load %arg10[%get3A_368, %get3A_369, %get3A_370] {strides = array<i32>} : memref<2x64x128xf32, #tpu.memory_space<vmem>>, vector<1x1x16xf32>,
          %get3A_372 = vector.shape_cast %get3A_371 : vector<1x1x16xf32> to vector<16xf32>
          %mul3A_373 = arith.mulf %get3A_366, %get3A_372 : vector<16xf32>
          %get3A_374 = arith.constant 1 : i32
          %get3A_375 = arith.index_cast %get3A_374 : i32 to index
          %get3A_376 = arith.index_cast %add3A_283 : i32 to index
          %get3A_377 = arith.constant 112 : index
          %get3A_378 = tpu.vector_load %arg9[%get3A_375, %get3A_376, %get3A_377] {strides = array<i32>} : memref<2x64x128xf32, #tpu.memory_space<vmem>>, vector<1x1x16xf32>,
          %get3A_379 = vector.shape_cast %get3A_378 : vector<1x1x16xf32> to vector<16xf32>
          %get3A_380 = arith.constant 1 : i32
          %get3A_381 = arith.index_cast %get3A_380 : i32 to index
          %get3A_382 = arith.index_cast %add3A_283 : i32 to index
          %get3A_383 = arith.constant 112 : index
          %get3A_384 = tpu.vector_load %arg10[%get3A_381, %get3A_382, %get3A_383] {strides = array<i32>} : memref<2x64x128xf32, #tpu.memory_space<vmem>>, vector<1x1x16xf32>,
          %get3A_385 = vector.shape_cast %get3A_384 : vector<1x1x16xf32> to vector<16xf32>
          %mul3A_386 = arith.mulf %get3A_379, %get3A_385 : vector<16xf32>
          %add3A_387 = arith.addf %mul3A_295, %mul3A_308 : vector<16xf32>
          %add3A_388 = arith.addf %mul3A_321, %mul3A_334 : vector<16xf32>
          %add3A_389 = arith.addf %mul3A_347, %mul3A_360 : vector<16xf32>
          %add3A_390 = arith.addf %mul3A_373, %mul3A_386 : vector<16xf32>
          %add3A_391 = arith.addf %add3A_387, %add3A_388 : vector<16xf32>
          %add3A_392 = arith.addf %add3A_389, %add3A_390 : vector<16xf32>
          %add3A_393 = arith.addf %add3A_391, %add3A_392 : vector<16xf32>
          %add3A_394 = arith.constant 1 : i32
          %add3A_395 = arith.addi %add3A_281, %add3A_394 : i32
          %get3A_396 = arith.constant 1 : i32
          %get3A_397 = arith.index_cast %get3A_396 : i32 to index
          %get3A_398 = arith.index_cast %add3A_395 : i32 to index
          %get3A_399 = arith.constant 0 : index
          %get3A_400 = tpu.vector_load %arg9[%get3A_397, %get3A_398, %get3A_399] {strides = array<i32>} : memref<2x64x128xf32, #tpu.memory_space<vmem>>, vector<1x1x16xf32>,
          %get3A_401 = vector.shape_cast %get3A_400 : vector<1x1x16xf32> to vector<16xf32>
          %get3A_402 = arith.constant 1 : i32
          %get3A_403 = arith.index_cast %get3A_402 : i32 to index
          %get3A_404 = arith.index_cast %add3A_395 : i32 to index
          %get3A_405 = arith.constant 0 : index
          %get3A_406 = tpu.vector_load %arg10[%get3A_403, %get3A_404, %get3A_405] {strides = array<i32>} : memref<2x64x128xf32, #tpu.memory_space<vmem>>, vector<1x1x16xf32>,
          %get3A_407 = vector.shape_cast %get3A_406 : vector<1x1x16xf32> to vector<16xf32>
          %mul3A_408 = arith.mulf %get3A_401, %get3A_407 : vector<16xf32>
          %get3A_409 = arith.constant 1 : i32
          %get3A_410 = arith.index_cast %get3A_409 : i32 to index
          %get3A_411 = arith.index_cast %add3A_395 : i32 to index
          %get3A_412 = arith.constant 16 : index
          %get3A_413 = tpu.vector_load %arg9[%get3A_410, %get3A_411, %get3A_412] {strides = array<i32>} : memref<2x64x128xf32, #tpu.memory_space<vmem>>, vector<1x1x16xf32>,
          %get3A_414 = vector.shape_cast %get3A_413 : vector<1x1x16xf32> to vector<16xf32>
          %get3A_415 = arith.constant 1 : i32
          %get3A_416 = arith.index_cast %get3A_415 : i32 to index
          %get3A_417 = arith.index_cast %add3A_395 : i32 to index
          %get3A_418 = arith.constant 16 : index
          %get3A_419 = tpu.vector_load %arg10[%get3A_416, %get3A_417, %get3A_418] {strides = array<i32>} : memref<2x64x128xf32, #tpu.memory_space<vmem>>, vector<1x1x16xf32>,
          %get3A_420 = vector.shape_cast %get3A_419 : vector<1x1x16xf32> to vector<16xf32>
          %mul3A_421 = arith.mulf %get3A_414, %get3A_420 : vector<16xf32>
          %get3A_422 = arith.constant 1 : i32
          %get3A_423 = arith.index_cast %get3A_422 : i32 to index
          %get3A_424 = arith.index_cast %add3A_395 : i32 to index
          %get3A_425 = arith.constant 32 : index
          %get3A_426 = tpu.vector_load %arg9[%get3A_423, %get3A_424, %get3A_425] {strides = array<i32>} : memref<2x64x128xf32, #tpu.memory_space<vmem>>, vector<1x1x16xf32>,
          %get3A_427 = vector.shape_cast %get3A_426 : vector<1x1x16xf32> to vector<16xf32>
          %get3A_428 = arith.constant 1 : i32
          %get3A_429 = arith.index_cast %get3A_428 : i32 to index
          %get3A_430 = arith.index_cast %add3A_395 : i32 to index
          %get3A_431 = arith.constant 32 : index
          %get3A_432 = tpu.vector_load %arg10[%get3A_429, %get3A_430, %get3A_431] {strides = array<i32>} : memref<2x64x128xf32, #tpu.memory_space<vmem>>, vector<1x1x16xf32>,
          %get3A_433 = vector.shape_cast %get3A_432 : vector<1x1x16xf32> to vector<16xf32>
          %mul3A_434 = arith.mulf %get3A_427, %get3A_433 : vector<16xf32>
          %get3A_435 = arith.constant 1 : i32
          %get3A_436 = arith.index_cast %get3A_435 : i32 to index
          %get3A_437 = arith.index_cast %add3A_395 : i32 to index
          %get3A_438 = arith.constant 48 : index
          %get3A_439 = tpu.vector_load %arg9[%get3A_436, %get3A_437, %get3A_438] {strides = array<i32>} : memref<2x64x128xf32, #tpu.memory_space<vmem>>, vector<1x1x16xf32>,
          %get3A_440 = vector.shape_cast %get3A_439 : vector<1x1x16xf32> to vector<16xf32>
          %get3A_441 = arith.constant 1 : i32
          %get3A_442 = arith.index_cast %get3A_441 : i32 to index
          %get3A_443 = arith.index_cast %add3A_395 : i32 to index
          %get3A_444 = arith.constant 48 : index
          %get3A_445 = tpu.vector_load %arg10[%get3A_442, %get3A_443, %get3A_444] {strides = array<i32>} : memref<2x64x128xf32, #tpu.memory_space<vmem>>, vector<1x1x16xf32>,
          %get3A_446 = vector.shape_cast %get3A_445 : vector<1x1x16xf32> to vector<16xf32>
          %mul3A_447 = arith.mulf %get3A_440, %get3A_446 : vector<16xf32>
          %get3A_448 = arith.constant 1 : i32
          %get3A_449 = arith.index_cast %get3A_448 : i32 to index
          %get3A_450 = arith.index_cast %add3A_395 : i32 to index
          %get3A_451 = arith.constant 64 : index
          %get3A_452 = tpu.vector_load %arg9[%get3A_449, %get3A_450, %get3A_451] {strides = array<i32>} : memref<2x64x128xf32, #tpu.memory_space<vmem>>, vector<1x1x16xf32>,
          %get3A_453 = vector.shape_cast %get3A_452 : vector<1x1x16xf32> to vector<16xf32>
          %get3A_454 = arith.constant 1 : i32
          %get3A_455 = arith.index_cast %get3A_454 : i32 to index
          %get3A_456 = arith.index_cast %add3A_395 : i32 to index
          %get3A_457 = arith.constant 64 : index
          %get3A_458 = tpu.vector_load %arg10[%get3A_455, %get3A_456, %get3A_457] {strides = array<i32>} : memref<2x64x128xf32, #tpu.memory_space<vmem>>, vector<1x1x16xf32>,
          %get3A_459 = vector.shape_cast %get3A_458 : vector<1x1x16xf32> to vector<16xf32>
          %mul3A_460 = arith.mulf %get3A_453, %get3A_459 : vector<16xf32>
          %get3A_461 = arith.constant 1 : i32
          %get3A_462 = arith.index_cast %get3A_461 : i32 to index
          %get3A_463 = arith.index_cast %add3A_395 : i32 to index
          %get3A_464 = arith.constant 80 : index
          %get3A_465 = tpu.vector_load %arg9[%get3A_462, %get3A_463, %get3A_464] {strides = array<i32>} : memref<2x64x128xf32, #tpu.memory_space<vmem>>, vector<1x1x16xf32>,
          %get3A_466 = vector.shape_cast %get3A_465 : vector<1x1x16xf32> to vector<16xf32>
          %get3A_467 = arith.constant 1 : i32
          %get3A_468 = arith.index_cast %get3A_467 : i32 to index
          %get3A_469 = arith.index_cast %add3A_395 : i32 to index
          %get3A_470 = arith.constant 80 : index
          %get3A_471 = tpu.vector_load %arg10[%get3A_468, %get3A_469, %get3A_470] {strides = array<i32>} : memref<2x64x128xf32, #tpu.memory_space<vmem>>, vector<1x1x16xf32>,
          %get3A_472 = vector.shape_cast %get3A_471 : vector<1x1x16xf32> to vector<16xf32>
          %mul3A_473 = arith.mulf %get3A_466, %get3A_472 : vector<16xf32>
          %get3A_474 = arith.constant 1 : i32
          %get3A_475 = arith.index_cast %get3A_474 : i32 to index
          %get3A_476 = arith.index_cast %add3A_395 : i32 to index
          %get3A_477 = arith.constant 96 : index
          %get3A_478 = tpu.vector_load %arg9[%get3A_475, %get3A_476, %get3A_477] {strides = array<i32>} : memref<2x64x128xf32, #tpu.memory_space<vmem>>, vector<1x1x16xf32>,
          %get3A_479 = vector.shape_cast %get3A_478 : vector<1x1x16xf32> to vector<16xf32>
          %get3A_480 = arith.constant 1 : i32
          %get3A_481 = arith.index_cast %get3A_480 : i32 to index
          %get3A_482 = arith.index_cast %add3A_395 : i32 to index
          %get3A_483 = arith.constant 96 : index
          %get3A_484 = tpu.vector_load %arg10[%get3A_481, %get3A_482, %get3A_483] {strides = array<i32>} : memref<2x64x128xf32, #tpu.memory_space<vmem>>, vector<1x1x16xf32>,
          %get3A_485 = vector.shape_cast %get3A_484 : vector<1x1x16xf32> to vector<16xf32>
          %mul3A_486 = arith.mulf %get3A_479, %get3A_485 : vector<16xf32>
          %get3A_487 = arith.constant 1 : i32
          %get3A_488 = arith.index_cast %get3A_487 : i32 to index
          %get3A_489 = arith.index_cast %add3A_395 : i32 to index
          %get3A_490 = arith.constant 112 : index
          %get3A_491 = tpu.vector_load %arg9[%get3A_488, %get3A_489, %get3A_490] {strides = array<i32>} : memref<2x64x128xf32, #tpu.memory_space<vmem>>, vector<1x1x16xf32>,
          %get3A_492 = vector.shape_cast %get3A_491 : vector<1x1x16xf32> to vector<16xf32>
          %get3A_493 = arith.constant 1 : i32
          %get3A_494 = arith.index_cast %get3A_493 : i32 to index
          %get3A_495 = arith.index_cast %add3A_395 : i32 to index
          %get3A_496 = arith.constant 112 : index
          %get3A_497 = tpu.vector_load %arg10[%get3A_494, %get3A_495, %get3A_496] {strides = array<i32>} : memref<2x64x128xf32, #tpu.memory_space<vmem>>, vector<1x1x16xf32>,
          %get3A_498 = vector.shape_cast %get3A_497 : vector<1x1x16xf32> to vector<16xf32>
          %mul3A_499 = arith.mulf %get3A_492, %get3A_498 : vector<16xf32>
          %add3A_500 = arith.addf %mul3A_408, %mul3A_421 : vector<16xf32>
          %add3A_501 = arith.addf %mul3A_434, %mul3A_447 : vector<16xf32>
          %add3A_502 = arith.addf %mul3A_460, %mul3A_473 : vector<16xf32>
          %add3A_503 = arith.addf %mul3A_486, %mul3A_499 : vector<16xf32>
          %add3A_504 = arith.addf %add3A_500, %add3A_501 : vector<16xf32>
          %add3A_505 = arith.addf %add3A_502, %add3A_503 : vector<16xf32>
          %add3A_506 = arith.addf %add3A_504, %add3A_505 : vector<16xf32>
          %add3A_507 = arith.constant 2 : i32
          %add3A_508 = arith.addi %add3A_281, %add3A_507 : i32
          %get3A_509 = arith.constant 1 : i32
          %get3A_510 = arith.index_cast %get3A_509 : i32 to index
          %get3A_511 = arith.index_cast %add3A_508 : i32 to index
          %get3A_512 = arith.constant 0 : index
          %get3A_513 = tpu.vector_load %arg9[%get3A_510, %get3A_511, %get3A_512] {strides = array<i32>} : memref<2x64x128xf32, #tpu.memory_space<vmem>>, vector<1x1x16xf32>,
          %get3A_514 = vector.shape_cast %get3A_513 : vector<1x1x16xf32> to vector<16xf32>
          %get3A_515 = arith.constant 1 : i32
          %get3A_516 = arith.index_cast %get3A_515 : i32 to index
          %get3A_517 = arith.index_cast %add3A_508 : i32 to index
          %get3A_518 = arith.constant 0 : index
          %get3A_519 = tpu.vector_load %arg10[%get3A_516, %get3A_517, %get3A_518] {strides = array<i32>} : memref<2x64x128xf32, #tpu.memory_space<vmem>>, vector<1x1x16xf32>,
          %get3A_520 = vector.shape_cast %get3A_519 : vector<1x1x16xf32> to vector<16xf32>
          %mul3A_521 = arith.mulf %get3A_514, %get3A_520 : vector<16xf32>
          %get3A_522 = arith.constant 1 : i32
          %get3A_523 = arith.index_cast %get3A_522 : i32 to index
          %get3A_524 = arith.index_cast %add3A_508 : i32 to index
          %get3A_525 = arith.constant 16 : index
          %get3A_526 = tpu.vector_load %arg9[%get3A_523, %get3A_524, %get3A_525] {strides = array<i32>} : memref<2x64x128xf32, #tpu.memory_space<vmem>>, vector<1x1x16xf32>,
          %get3A_527 = vector.shape_cast %get3A_526 : vector<1x1x16xf32> to vector<16xf32>
          %get3A_528 = arith.constant 1 : i32
          %get3A_529 = arith.index_cast %get3A_528 : i32 to index
          %get3A_530 = arith.index_cast %add3A_508 : i32 to index
          %get3A_531 = arith.constant 16 : index
          %get3A_532 = tpu.vector_load %arg10[%get3A_529, %get3A_530, %get3A_531] {strides = array<i32>} : memref<2x64x128xf32, #tpu.memory_space<vmem>>, vector<1x1x16xf32>,
          %get3A_533 = vector.shape_cast %get3A_532 : vector<1x1x16xf32> to vector<16xf32>
          %mul3A_534 = arith.mulf %get3A_527, %get3A_533 : vector<16xf32>
          %get3A_535 = arith.constant 1 : i32
          %get3A_536 = arith.index_cast %get3A_535 : i32 to index
          %get3A_537 = arith.index_cast %add3A_508 : i32 to index
          %get3A_538 = arith.constant 32 : index
          %get3A_539 = tpu.vector_load %arg9[%get3A_536, %get3A_537, %get3A_538] {strides = array<i32>} : memref<2x64x128xf32, #tpu.memory_space<vmem>>, vector<1x1x16xf32>,
          %get3A_540 = vector.shape_cast %get3A_539 : vector<1x1x16xf32> to vector<16xf32>
          %get3A_541 = arith.constant 1 : i32
          %get3A_542 = arith.index_cast %get3A_541 : i32 to index
          %get3A_543 = arith.index_cast %add3A_508 : i32 to index
          %get3A_544 = arith.constant 32 : index
          %get3A_545 = tpu.vector_load %arg10[%get3A_542, %get3A_543, %get3A_544] {strides = array<i32>} : memref<2x64x128xf32, #tpu.memory_space<vmem>>, vector<1x1x16xf32>,
          %get3A_546 = vector.shape_cast %get3A_545 : vector<1x1x16xf32> to vector<16xf32>
          %mul3A_547 = arith.mulf %get3A_540, %get3A_546 : vector<16xf32>
          %get3A_548 = arith.constant 1 : i32
          %get3A_549 = arith.index_cast %get3A_548 : i32 to index
          %get3A_550 = arith.index_cast %add3A_508 : i32 to index
          %get3A_551 = arith.constant 48 : index
          %get3A_552 = tpu.vector_load %arg9[%get3A_549, %get3A_550, %get3A_551] {strides = array<i32>} : memref<2x64x128xf32, #tpu.memory_space<vmem>>, vector<1x1x16xf32>,
          %get3A_553 = vector.shape_cast %get3A_552 : vector<1x1x16xf32> to vector<16xf32>
          %get3A_554 = arith.constant 1 : i32
          %get3A_555 = arith.index_cast %get3A_554 : i32 to index
          %get3A_556 = arith.index_cast %add3A_508 : i32 to index
          %get3A_557 = arith.constant 48 : index
          %get3A_558 = tpu.vector_load %arg10[%get3A_555, %get3A_556, %get3A_557] {strides = array<i32>} : memref<2x64x128xf32, #tpu.memory_space<vmem>>, vector<1x1x16xf32>,
          %get3A_559 = vector.shape_cast %get3A_558 : vector<1x1x16xf32> to vector<16xf32>
          %mul3A_560 = arith.mulf %get3A_553, %get3A_559 : vector<16xf32>
          %get3A_561 = arith.constant 1 : i32
          %get3A_562 = arith.index_cast %get3A_561 : i32 to index
          %get3A_563 = arith.index_cast %add3A_508 : i32 to index
          %get3A_564 = arith.constant 64 : index
          %get3A_565 = tpu.vector_load %arg9[%get3A_562, %get3A_563, %get3A_564] {strides = array<i32>} : memref<2x64x128xf32, #tpu.memory_space<vmem>>, vector<1x1x16xf32>,
          %get3A_566 = vector.shape_cast %get3A_565 : vector<1x1x16xf32> to vector<16xf32>
          %get3A_567 = arith.constant 1 : i32
          %get3A_568 = arith.index_cast %get3A_567 : i32 to index
          %get3A_569 = arith.index_cast %add3A_508 : i32 to index
          %get3A_570 = arith.constant 64 : index
          %get3A_571 = tpu.vector_load %arg10[%get3A_568, %get3A_569, %get3A_570] {strides = array<i32>} : memref<2x64x128xf32, #tpu.memory_space<vmem>>, vector<1x1x16xf32>,
          %get3A_572 = vector.shape_cast %get3A_571 : vector<1x1x16xf32> to vector<16xf32>
          %mul3A_573 = arith.mulf %get3A_566, %get3A_572 : vector<16xf32>
          %get3A_574 = arith.constant 1 : i32
          %get3A_575 = arith.index_cast %get3A_574 : i32 to index
          %get3A_576 = arith.index_cast %add3A_508 : i32 to index
          %get3A_577 = arith.constant 80 : index
          %get3A_578 = tpu.vector_load %arg9[%get3A_575, %get3A_576, %get3A_577] {strides = array<i32>} : memref<2x64x128xf32, #tpu.memory_space<vmem>>, vector<1x1x16xf32>,
          %get3A_579 = vector.shape_cast %get3A_578 : vector<1x1x16xf32> to vector<16xf32>
          %get3A_580 = arith.constant 1 : i32
          %get3A_581 = arith.index_cast %get3A_580 : i32 to index
          %get3A_582 = arith.index_cast %add3A_508 : i32 to index
          %get3A_583 = arith.constant 80 : index
          %get3A_584 = tpu.vector_load %arg10[%get3A_581, %get3A_582, %get3A_583] {strides = array<i32>} : memref<2x64x128xf32, #tpu.memory_space<vmem>>, vector<1x1x16xf32>,
          %get3A_585 = vector.shape_cast %get3A_584 : vector<1x1x16xf32> to vector<16xf32>
          %mul3A_586 = arith.mulf %get3A_579, %get3A_585 : vector<16xf32>
          %get3A_587 = arith.constant 1 : i32
          %get3A_588 = arith.index_cast %get3A_587 : i32 to index
          %get3A_589 = arith.index_cast %add3A_508 : i32 to index
          %get3A_590 = arith.constant 96 : index
          %get3A_591 = tpu.vector_load %arg9[%get3A_588, %get3A_589, %get3A_590] {strides = array<i32>} : memref<2x64x128xf32, #tpu.memory_space<vmem>>, vector<1x1x16xf32>,
          %get3A_592 = vector.shape_cast %get3A_591 : vector<1x1x16xf32> to vector<16xf32>
          %get3A_593 = arith.constant 1 : i32
          %get3A_594 = arith.index_cast %get3A_593 : i32 to index
          %get3A_595 = arith.index_cast %add3A_508 : i32 to index
          %get3A_596 = arith.constant 96 : index
          %get3A_597 = tpu.vector_load %arg10[%get3A_594, %get3A_595, %get3A_596] {strides = array<i32>} : memref<2x64x128xf32, #tpu.memory_space<vmem>>, vector<1x1x16xf32>,
          %get3A_598 = vector.shape_cast %get3A_597 : vector<1x1x16xf32> to vector<16xf32>
          %mul3A_599 = arith.mulf %get3A_592, %get3A_598 : vector<16xf32>
          %get3A_600 = arith.constant 1 : i32
          %get3A_601 = arith.index_cast %get3A_600 : i32 to index
          %get3A_602 = arith.index_cast %add3A_508 : i32 to index
          %get3A_603 = arith.constant 112 : index
          %get3A_604 = tpu.vector_load %arg9[%get3A_601, %get3A_602, %get3A_603] {strides = array<i32>} : memref<2x64x128xf32, #tpu.memory_space<vmem>>, vector<1x1x16xf32>,
          %get3A_605 = vector.shape_cast %get3A_604 : vector<1x1x16xf32> to vector<16xf32>
          %get3A_606 = arith.constant 1 : i32
          %get3A_607 = arith.index_cast %get3A_606 : i32 to index
          %get3A_608 = arith.index_cast %add3A_508 : i32 to index
          %get3A_609 = arith.constant 112 : index
          %get3A_610 = tpu.vector_load %arg10[%get3A_607, %get3A_608, %get3A_609] {strides = array<i32>} : memref<2x64x128xf32, #tpu.memory_space<vmem>>, vector<1x1x16xf32>,
          %get3A_611 = vector.shape_cast %get3A_610 : vector<1x1x16xf32> to vector<16xf32>
          %mul3A_612 = arith.mulf %get3A_605, %get3A_611 : vector<16xf32>
          %add3A_613 = arith.addf %mul3A_521, %mul3A_534 : vector<16xf32>
          %add3A_614 = arith.addf %mul3A_547, %mul3A_560 : vector<16xf32>
          %add3A_615 = arith.addf %mul3A_573, %mul3A_586 : vector<16xf32>
          %add3A_616 = arith.addf %mul3A_599, %mul3A_612 : vector<16xf32>
          %add3A_617 = arith.addf %add3A_613, %add3A_614 : vector<16xf32>
          %add3A_618 = arith.addf %add3A_615, %add3A_616 : vector<16xf32>
          %add3A_619 = arith.addf %add3A_617, %add3A_618 : vector<16xf32>
          %add3A_620 = arith.constant 3 : i32
          %add3A_621 = arith.addi %add3A_281, %add3A_620 : i32
          %get3A_622 = arith.constant 1 : i32
          %get3A_623 = arith.index_cast %get3A_622 : i32 to index
          %get3A_624 = arith.index_cast %add3A_621 : i32 to index
          %get3A_625 = arith.constant 0 : index
          %get3A_626 = tpu.vector_load %arg9[%get3A_623, %get3A_624, %get3A_625] {strides = array<i32>} : memref<2x64x128xf32, #tpu.memory_space<vmem>>, vector<1x1x16xf32>,
          %get3A_627 = vector.shape_cast %get3A_626 : vector<1x1x16xf32> to vector<16xf32>
          %get3A_628 = arith.constant 1 : i32
          %get3A_629 = arith.index_cast %get3A_628 : i32 to index
          %get3A_630 = arith.index_cast %add3A_621 : i32 to index
          %get3A_631 = arith.constant 0 : index
          %get3A_632 = tpu.vector_load %arg10[%get3A_629, %get3A_630, %get3A_631] {strides = array<i32>} : memref<2x64x128xf32, #tpu.memory_space<vmem>>, vector<1x1x16xf32>,
          %get3A_633 = vector.shape_cast %get3A_632 : vector<1x1x16xf32> to vector<16xf32>
          %mul3A_634 = arith.mulf %get3A_627, %get3A_633 : vector<16xf32>
          %get3A_635 = arith.constant 1 : i32
          %get3A_636 = arith.index_cast %get3A_635 : i32 to index
          %get3A_637 = arith.index_cast %add3A_621 : i32 to index
          %get3A_638 = arith.constant 16 : index
          %get3A_639 = tpu.vector_load %arg9[%get3A_636, %get3A_637, %get3A_638] {strides = array<i32>} : memref<2x64x128xf32, #tpu.memory_space<vmem>>, vector<1x1x16xf32>,
          %get3A_640 = vector.shape_cast %get3A_639 : vector<1x1x16xf32> to vector<16xf32>
          %get3A_641 = arith.constant 1 : i32
          %get3A_642 = arith.index_cast %get3A_641 : i32 to index
          %get3A_643 = arith.index_cast %add3A_621 : i32 to index
          %get3A_644 = arith.constant 16 : index
          %get3A_645 = tpu.vector_load %arg10[%get3A_642, %get3A_643, %get3A_644] {strides = array<i32>} : memref<2x64x128xf32, #tpu.memory_space<vmem>>, vector<1x1x16xf32>,
          %get3A_646 = vector.shape_cast %get3A_645 : vector<1x1x16xf32> to vector<16xf32>
          %mul3A_647 = arith.mulf %get3A_640, %get3A_646 : vector<16xf32>
          %get3A_648 = arith.constant 1 : i32
          %get3A_649 = arith.index_cast %get3A_648 : i32 to index
          %get3A_650 = arith.index_cast %add3A_621 : i32 to index
          %get3A_651 = arith.constant 32 : index
          %get3A_652 = tpu.vector_load %arg9[%get3A_649, %get3A_650, %get3A_651] {strides = array<i32>} : memref<2x64x128xf32, #tpu.memory_space<vmem>>, vector<1x1x16xf32>,
          %get3A_653 = vector.shape_cast %get3A_652 : vector<1x1x16xf32> to vector<16xf32>
          %get3A_654 = arith.constant 1 : i32
          %get3A_655 = arith.index_cast %get3A_654 : i32 to index
          %get3A_656 = arith.index_cast %add3A_621 : i32 to index
          %get3A_657 = arith.constant 32 : index
          %get3A_658 = tpu.vector_load %arg10[%get3A_655, %get3A_656, %get3A_657] {strides = array<i32>} : memref<2x64x128xf32, #tpu.memory_space<vmem>>, vector<1x1x16xf32>,
          %get3A_659 = vector.shape_cast %get3A_658 : vector<1x1x16xf32> to vector<16xf32>
          %mul3A_660 = arith.mulf %get3A_653, %get3A_659 : vector<16xf32>
          %get3A_661 = arith.constant 1 : i32
          %get3A_662 = arith.index_cast %get3A_661 : i32 to index
          %get3A_663 = arith.index_cast %add3A_621 : i32 to index
          %get3A_664 = arith.constant 48 : index
          %get3A_665 = tpu.vector_load %arg9[%get3A_662, %get3A_663, %get3A_664] {strides = array<i32>} : memref<2x64x128xf32, #tpu.memory_space<vmem>>, vector<1x1x16xf32>,
          %get3A_666 = vector.shape_cast %get3A_665 : vector<1x1x16xf32> to vector<16xf32>
          %get3A_667 = arith.constant 1 : i32
          %get3A_668 = arith.index_cast %get3A_667 : i32 to index
          %get3A_669 = arith.index_cast %add3A_621 : i32 to index
          %get3A_670 = arith.constant 48 : index
          %get3A_671 = tpu.vector_load %arg10[%get3A_668, %get3A_669, %get3A_670] {strides = array<i32>} : memref<2x64x128xf32, #tpu.memory_space<vmem>>, vector<1x1x16xf32>,
          %get3A_672 = vector.shape_cast %get3A_671 : vector<1x1x16xf32> to vector<16xf32>
          %mul3A_673 = arith.mulf %get3A_666, %get3A_672 : vector<16xf32>
          %get3A_674 = arith.constant 1 : i32
          %get3A_675 = arith.index_cast %get3A_674 : i32 to index
          %get3A_676 = arith.index_cast %add3A_621 : i32 to index
          %get3A_677 = arith.constant 64 : index
          %get3A_678 = tpu.vector_load %arg9[%get3A_675, %get3A_676, %get3A_677] {strides = array<i32>} : memref<2x64x128xf32, #tpu.memory_space<vmem>>, vector<1x1x16xf32>,
          %get3A_679 = vector.shape_cast %get3A_678 : vector<1x1x16xf32> to vector<16xf32>
          %get3A_680 = arith.constant 1 : i32
          %get3A_681 = arith.index_cast %get3A_680 : i32 to index
          %get3A_682 = arith.index_cast %add3A_621 : i32 to index
          %get3A_683 = arith.constant 64 : index
          %get3A_684 = tpu.vector_load %arg10[%get3A_681, %get3A_682, %get3A_683] {strides = array<i32>} : memref<2x64x128xf32, #tpu.memory_space<vmem>>, vector<1x1x16xf32>,
          %get3A_685 = vector.shape_cast %get3A_684 : vector<1x1x16xf32> to vector<16xf32>
          %mul3A_686 = arith.mulf %get3A_679, %get3A_685 : vector<16xf32>
          %get3A_687 = arith.constant 1 : i32
          %get3A_688 = arith.index_cast %get3A_687 : i32 to index
          %get3A_689 = arith.index_cast %add3A_621 : i32 to index
          %get3A_690 = arith.constant 80 : index
          %get3A_691 = tpu.vector_load %arg9[%get3A_688, %get3A_689, %get3A_690] {strides = array<i32>} : memref<2x64x128xf32, #tpu.memory_space<vmem>>, vector<1x1x16xf32>,
          %get3A_692 = vector.shape_cast %get3A_691 : vector<1x1x16xf32> to vector<16xf32>
          %get3A_693 = arith.constant 1 : i32
          %get3A_694 = arith.index_cast %get3A_693 : i32 to index
          %get3A_695 = arith.index_cast %add3A_621 : i32 to index
          %get3A_696 = arith.constant 80 : index
          %get3A_697 = tpu.vector_load %arg10[%get3A_694, %get3A_695, %get3A_696] {strides = array<i32>} : memref<2x64x128xf32, #tpu.memory_space<vmem>>, vector<1x1x16xf32>,
          %get3A_698 = vector.shape_cast %get3A_697 : vector<1x1x16xf32> to vector<16xf32>
          %mul3A_699 = arith.mulf %get3A_692, %get3A_698 : vector<16xf32>
          %get3A_700 = arith.constant 1 : i32
          %get3A_701 = arith.index_cast %get3A_700 : i32 to index
          %get3A_702 = arith.index_cast %add3A_621 : i32 to index
          %get3A_703 = arith.constant 96 : index
          %get3A_704 = tpu.vector_load %arg9[%get3A_701, %get3A_702, %get3A_703] {strides = array<i32>} : memref<2x64x128xf32, #tpu.memory_space<vmem>>, vector<1x1x16xf32>,
          %get3A_705 = vector.shape_cast %get3A_704 : vector<1x1x16xf32> to vector<16xf32>
          %get3A_706 = arith.constant 1 : i32
          %get3A_707 = arith.index_cast %get3A_706 : i32 to index
          %get3A_708 = arith.index_cast %add3A_621 : i32 to index
          %get3A_709 = arith.constant 96 : index
          %get3A_710 = tpu.vector_load %arg10[%get3A_707, %get3A_708, %get3A_709] {strides = array<i32>} : memref<2x64x128xf32, #tpu.memory_space<vmem>>, vector<1x1x16xf32>,
          %get3A_711 = vector.shape_cast %get3A_710 : vector<1x1x16xf32> to vector<16xf32>
          %mul3A_712 = arith.mulf %get3A_705, %get3A_711 : vector<16xf32>
          %get3A_713 = arith.constant 1 : i32
          %get3A_714 = arith.index_cast %get3A_713 : i32 to index
          %get3A_715 = arith.index_cast %add3A_621 : i32 to index
          %get3A_716 = arith.constant 112 : index
          %get3A_717 = tpu.vector_load %arg9[%get3A_714, %get3A_715, %get3A_716] {strides = array<i32>} : memref<2x64x128xf32, #tpu.memory_space<vmem>>, vector<1x1x16xf32>,
          %get3A_718 = vector.shape_cast %get3A_717 : vector<1x1x16xf32> to vector<16xf32>
          %get3A_719 = arith.constant 1 : i32
          %get3A_720 = arith.index_cast %get3A_719 : i32 to index
          %get3A_721 = arith.index_cast %add3A_621 : i32 to index
          %get3A_722 = arith.constant 112 : index
          %get3A_723 = tpu.vector_load %arg10[%get3A_720, %get3A_721, %get3A_722] {strides = array<i32>} : memref<2x64x128xf32, #tpu.memory_space<vmem>>, vector<1x1x16xf32>,
          %get3A_724 = vector.shape_cast %get3A_723 : vector<1x1x16xf32> to vector<16xf32>
          %mul3A_725 = arith.mulf %get3A_718, %get3A_724 : vector<16xf32>
          %add3A_726 = arith.addf %mul3A_634, %mul3A_647 : vector<16xf32>
          %add3A_727 = arith.addf %mul3A_660, %mul3A_673 : vector<16xf32>
          %add3A_728 = arith.addf %mul3A_686, %mul3A_699 : vector<16xf32>
          %add3A_729 = arith.addf %mul3A_712, %mul3A_725 : vector<16xf32>
          %add3A_730 = arith.addf %add3A_726, %add3A_727 : vector<16xf32>
          %add3A_731 = arith.addf %add3A_728, %add3A_729 : vector<16xf32>
          %add3A_732 = arith.addf %add3A_730, %add3A_731 : vector<16xf32>
          %lt3A = arith.constant 0 : i32
          %lt3A_733 = vector.broadcast %lt3A : i32 to vector<16xi32>
          %lt3A_734 = arith.cmpi slt, %xor3A_10, %lt3A_733 : vector<16xi32>
          %add3A_735 = arith.constant 16 : i32
          %add3A_736 = vector.broadcast %add3A_735 : i32 to vector<16xi32>
          %add3A_737 = arith.addi %xor3A_10, %add3A_736 : vector<16xi32>
          %select_n3A = arith.select %lt3A_734, %add3A_737, %xor3A_10 : vector<16xi1>, vector<16xi32>
          %broadcast_in_dim3A_738 = vector.shape_cast %select_n3A : vector<16xi32> to vector<16x1xi32>
          %gather3A = vector.shape_cast %broadcast_in_dim3A_738 : vector<16x1xi32> to vector<16xi32>
          %gather3A_739 = tpu.dynamic_gather %add3A_393[%gather3A] in [0] : vector<16xf32>, vector<16xi32> -> vector<16xf32>
          %add3A_740 = arith.addf %add3A_393, %gather3A_739 : vector<16xf32>
          %lt3A_741 = arith.constant 0 : i32
          %lt3A_742 = vector.broadcast %lt3A_741 : i32 to vector<16xi32>
          %lt3A_743 = arith.cmpi slt, %xor3A_10, %lt3A_742 : vector<16xi32>
          %add3A_744 = arith.constant 16 : i32
          %add3A_745 = vector.broadcast %add3A_744 : i32 to vector<16xi32>
          %add3A_746 = arith.addi %xor3A_10, %add3A_745 : vector<16xi32>
          %select_n3A_747 = arith.select %lt3A_743, %add3A_746, %xor3A_10 : vector<16xi1>, vector<16xi32>
          %broadcast_in_dim3A_748 = vector.shape_cast %select_n3A_747 : vector<16xi32> to vector<16x1xi32>
          %gather3A_749 = vector.shape_cast %broadcast_in_dim3A_748 : vector<16x1xi32> to vector<16xi32>
          %gather3A_750 = tpu.dynamic_gather %add3A_506[%gather3A_749] in [0] : vector<16xf32>, vector<16xi32> -> vector<16xf32>
          %add3A_751 = arith.addf %add3A_506, %gather3A_750 : vector<16xf32>
          %select_n3A_752 = arith.select %eq3A_23, %add3A_740, %add3A_751 : vector<16xi1>, vector<16xf32>
          %lt3A_753 = arith.constant 0 : i32
          %lt3A_754 = vector.broadcast %lt3A_753 : i32 to vector<16xi32>
          %lt3A_755 = arith.cmpi slt, %xor3A_10, %lt3A_754 : vector<16xi32>
          %add3A_756 = arith.constant 16 : i32
          %add3A_757 = vector.broadcast %add3A_756 : i32 to vector<16xi32>
          %add3A_758 = arith.addi %xor3A_10, %add3A_757 : vector<16xi32>
          %select_n3A_759 = arith.select %lt3A_755, %add3A_758, %xor3A_10 : vector<16xi1>, vector<16xi32>
          %broadcast_in_dim3A_760 = vector.shape_cast %select_n3A_759 : vector<16xi32> to vector<16x1xi32>
          %gather3A_761 = vector.shape_cast %broadcast_in_dim3A_760 : vector<16x1xi32> to vector<16xi32>
          %gather3A_762 = tpu.dynamic_gather %add3A_619[%gather3A_761] in [0] : vector<16xf32>, vector<16xi32> -> vector<16xf32>
          %add3A_763 = arith.addf %add3A_619, %gather3A_762 : vector<16xf32>
          %lt3A_764 = arith.constant 0 : i32
          %lt3A_765 = vector.broadcast %lt3A_764 : i32 to vector<16xi32>
          %lt3A_766 = arith.cmpi slt, %xor3A_10, %lt3A_765 : vector<16xi32>
          %add3A_767 = arith.constant 16 : i32
          %add3A_768 = vector.broadcast %add3A_767 : i32 to vector<16xi32>
          %add3A_769 = arith.addi %xor3A_10, %add3A_768 : vector<16xi32>
          %select_n3A_770 = arith.select %lt3A_766, %add3A_769, %xor3A_10 : vector<16xi1>, vector<16xi32>
          %broadcast_in_dim3A_771 = vector.shape_cast %select_n3A_770 : vector<16xi32> to vector<16x1xi32>
          %gather3A_772 = vector.shape_cast %broadcast_in_dim3A_771 : vector<16x1xi32> to vector<16xi32>
          %gather3A_773 = tpu.dynamic_gather %add3A_732[%gather3A_772] in [0] : vector<16xf32>, vector<16xi32> -> vector<16xf32>
          %add3A_774 = arith.addf %add3A_732, %gather3A_773 : vector<16xf32>
          %select_n3A_775 = arith.select %eq3A_23, %add3A_763, %add3A_774 : vector<16xi1>, vector<16xf32>
          %lt3A_776 = arith.constant 0 : i32
          %lt3A_777 = vector.broadcast %lt3A_776 : i32 to vector<16xi32>
          %lt3A_778 = arith.cmpi slt, %xor3A_13, %lt3A_777 : vector<16xi32>
          %add3A_779 = arith.constant 16 : i32
          %add3A_780 = vector.broadcast %add3A_779 : i32 to vector<16xi32>
          %add3A_781 = arith.addi %xor3A_13, %add3A_780 : vector<16xi32>
          %select_n3A_782 = arith.select %lt3A_778, %add3A_781, %xor3A_13 : vector<16xi1>, vector<16xi32>
          %broadcast_in_dim3A_783 = vector.shape_cast %select_n3A_782 : vector<16xi32> to vector<16x1xi32>
          %gather3A_784 = vector.shape_cast %broadcast_in_dim3A_783 : vector<16x1xi32> to vector<16xi32>
          %gather3A_785 = tpu.dynamic_gather %select_n3A_752[%gather3A_784] in [0] : vector<16xf32>, vector<16xi32> -> vector<16xf32>
          %add3A_786 = arith.addf %select_n3A_752, %gather3A_785 : vector<16xf32>
          %lt3A_787 = arith.constant 0 : i32
          %lt3A_788 = vector.broadcast %lt3A_787 : i32 to vector<16xi32>
          %lt3A_789 = arith.cmpi slt, %xor3A_13, %lt3A_788 : vector<16xi32>
          %add3A_790 = arith.constant 16 : i32
          %add3A_791 = vector.broadcast %add3A_790 : i32 to vector<16xi32>
          %add3A_792 = arith.addi %xor3A_13, %add3A_791 : vector<16xi32>
          %select_n3A_793 = arith.select %lt3A_789, %add3A_792, %xor3A_13 : vector<16xi1>, vector<16xi32>
          %broadcast_in_dim3A_794 = vector.shape_cast %select_n3A_793 : vector<16xi32> to vector<16x1xi32>
          %gather3A_795 = vector.shape_cast %broadcast_in_dim3A_794 : vector<16x1xi32> to vector<16xi32>
          %gather3A_796 = tpu.dynamic_gather %select_n3A_775[%gather3A_795] in [0] : vector<16xf32>, vector<16xi32> -> vector<16xf32>
          %add3A_797 = arith.addf %select_n3A_775, %gather3A_796 : vector<16xf32>
          %select_n3A_798 = arith.select %eq3A_29, %add3A_786, %add3A_797 : vector<16xi1>, vector<16xf32>
          %lt3A_799 = arith.constant 0 : i32
          %lt3A_800 = vector.broadcast %lt3A_799 : i32 to vector<16xi32>
          %lt3A_801 = arith.cmpi slt, %xor3A_16, %lt3A_800 : vector<16xi32>
          %add3A_802 = arith.constant 16 : i32
          %add3A_803 = vector.broadcast %add3A_802 : i32 to vector<16xi32>
          %add3A_804 = arith.addi %xor3A_16, %add3A_803 : vector<16xi32>
          %select_n3A_805 = arith.select %lt3A_801, %add3A_804, %xor3A_16 : vector<16xi1>, vector<16xi32>
          %broadcast_in_dim3A_806 = vector.shape_cast %select_n3A_805 : vector<16xi32> to vector<16x1xi32>
          %gather3A_807 = vector.shape_cast %broadcast_in_dim3A_806 : vector<16x1xi32> to vector<16xi32>
          %gather3A_808 = tpu.dynamic_gather %select_n3A_798[%gather3A_807] in [0] : vector<16xf32>, vector<16xi32> -> vector<16xf32>
          %add3A_809 = arith.addf %select_n3A_798, %gather3A_808 : vector<16xf32>
          %lt3A_810 = arith.constant 0 : i32
          %lt3A_811 = vector.broadcast %lt3A_810 : i32 to vector<16xi32>
          %lt3A_812 = arith.cmpi slt, %xor3A_19, %lt3A_811 : vector<16xi32>
          %add3A_813 = arith.constant 16 : i32
          %add3A_814 = vector.broadcast %add3A_813 : i32 to vector<16xi32>
          %add3A_815 = arith.addi %xor3A_19, %add3A_814 : vector<16xi32>
          %select_n3A_816 = arith.select %lt3A_812, %add3A_815, %xor3A_19 : vector<16xi1>, vector<16xi32>
          %broadcast_in_dim3A_817 = vector.shape_cast %select_n3A_816 : vector<16xi32> to vector<16x1xi32>
          %gather3A_818 = vector.shape_cast %broadcast_in_dim3A_817 : vector<16x1xi32> to vector<16xi32>
          %gather3A_819 = tpu.dynamic_gather %add3A_809[%gather3A_818] in [0] : vector<16xf32>, vector<16xi32> -> vector<16xf32>
          %add3A_820 = arith.addf %add3A_809, %gather3A_819 : vector<16xf32>
          %eq3A_821 = vector.broadcast %add3A_276 : i32 to vector<16xi32>
          %eq3A_822 = arith.cmpi eq, %shift_right_arithmetic3A_43, %eq3A_821 : vector<16xi32>
          %select_n3A_823 = arith.select %eq3A_822, %add3A_820, %scan3A_272 : vector<16xi1>, vector<16xf32>
          scf.yield %select_n3A_823 : vector<16xf32>
        }
        %scan3A_264 = arith.constant 4 : i32
        %mul3A_265 = arith.constant 16 : i32
        %mul3A_266 = arith.muli %add3A_257, %mul3A_265 : i32
        %add3A_267 = arith.addi %mul3A_223, %mul3A_266 : i32
        %swap3A = arith.index_cast %add3A_267 : i32 to index
        %swap3A_268 = tpu.vector_load %arg11[%swap3A] {strides = array<i32>} : memref<512xf32, #tpu.memory_space<vmem>>, vector<16xf32>,
        %swap3A_269 = vector.shape_cast %swap3A_268 : vector<16xf32> to vector<16xf32>
        %swap3A_270 = vector.shape_cast %scan3A_263 : vector<16xf32> to vector<16xf32>
        tpu.vector_store %arg11[%swap3A], %swap3A_270 {strides = array<i32>} : memref<512xf32, #tpu.memory_space<vmem>>, vector<16xf32>,
      }
      %scan3A_228 = arith.constant 4 : i32
      %add3A_229 = arith.constant 2 : i32
      %add3A_230 = arith.addi %add3A_201, %add3A_229 : i32
      %mul3A_231 = arith.constant 64 : i32
      %mul3A_232 = arith.muli %add3A_230, %mul3A_231 : i32
      %dma_start3A_233 = arith.constant 1 : i32
      %dma_start3A_234 = arith.constant 0 : i32
      %dma_start3A_235 = arith.constant 0 : i32
      %dma_start3A_236 = tpu.memref_slice %arg9[%dma_start3A_233, %dma_start3A_234, %dma_start3A_235] : memref<2x64x128xf32, #tpu.memory_space<vmem>> -> memref<1x64x128xf32, #tpu.memory_space<vmem>>
      %dma_start3A_237 = tpu.memref_squeeze %dma_start3A_236 : memref<1x64x128xf32, #tpu.memory_space<vmem>> -> memref<64x128xf32, #tpu.memory_space<vmem>>
      %dma_start3A_238 = tpu.memref_slice %arg7[%mul3A_232] : memref<512xi32, #tpu.memory_space<vmem>> -> memref<64xi32, #tpu.memory_space<vmem>>
      %dma_start3A_239 = arith.constant 0 : i32
      %dma_start3A_240 = arith.constant 0 : i32
      %dma_start3A_241 = tpu.memref_slice %arg4[%dma_start3A_239, %dma_start3A_240] : memref<1000000x128xf32, #tpu.memory_space<hbm>> -> memref<1000000x128xf32, #tpu.memory_space<hbm>>
      tpu.enqueue_indirect_dma source(%dma_start3A_241 : memref<1000000x128xf32, #tpu.memory_space<hbm>>) target(%dma_start3A_237 : memref<64x128xf32, #tpu.memory_space<vmem>>) offsets(%dma_start3A_238 : memref<64xi32, #tpu.memory_space<vmem>>) semaphore(%arg13 : memref<!tpu.dma_semaphore, #tpu.memory_space<semaphore_mem>>)
      %mul3A_242 = arith.constant 64 : i32
      %mul3A_243 = arith.muli %add3A_230, %mul3A_242 : i32
      %dma_start3A_244 = arith.constant 1 : i32
      %dma_start3A_245 = arith.constant 0 : i32
      %dma_start3A_246 = arith.constant 0 : i32
      %dma_start3A_247 = tpu.memref_slice %arg10[%dma_start3A_244, %dma_start3A_245, %dma_start3A_246] : memref<2x64x128xf32, #tpu.memory_space<vmem>> -> memref<1x64x128xf32, #tpu.memory_space<vmem>>
      %dma_start3A_248 = tpu.memref_squeeze %dma_start3A_247 : memref<1x64x128xf32, #tpu.memory_space<vmem>> -> memref<64x128xf32, #tpu.memory_space<vmem>>
      %dma_start3A_249 = tpu.memref_slice %arg8[%mul3A_243] : memref<512xi32, #tpu.memory_space<vmem>> -> memref<64xi32, #tpu.memory_space<vmem>>
      %dma_start3A_250 = arith.constant 0 : i32
      %dma_start3A_251 = arith.constant 0 : i32
      %dma_start3A_252 = tpu.memref_slice %arg5[%dma_start3A_250, %dma_start3A_251] : memref<1000000x128xf32, #tpu.memory_space<hbm>> -> memref<1000000x128xf32, #tpu.memory_space<hbm>>
      tpu.enqueue_indirect_dma source(%dma_start3A_252 : memref<1000000x128xf32, #tpu.memory_space<hbm>>) target(%dma_start3A_248 : memref<64x128xf32, #tpu.memory_space<vmem>>) offsets(%dma_start3A_249 : memref<64xi32, #tpu.memory_space<vmem>>) semaphore(%arg15 : memref<!tpu.dma_semaphore, #tpu.memory_space<semaphore_mem>>)
    }
    %scan3A_87 = arith.constant 3 : i32
    %dma_wait3A_88 = arith.constant 0 : i32
    %dma_wait3A_89 = arith.constant 0 : i32
    %dma_wait3A_90 = arith.constant 0 : i32
    %dma_wait3A_91 = tpu.memref_slice %arg9[%dma_wait3A_88, %dma_wait3A_89, %dma_wait3A_90] : memref<2x64x128xf32, #tpu.memory_space<vmem>> -> memref<1x64x128xf32, #tpu.memory_space<vmem>>
    %dma_wait3A_92 = tpu.memref_squeeze %dma_wait3A_91 : memref<1x64x128xf32, #tpu.memory_space<vmem>> -> memref<64x128xf32, #tpu.memory_space<vmem>>
    %dma_wait3A_93 = arith.constant 0 : i32
    %dma_wait3A_94 = tpu.memref_slice %arg7[%dma_wait3A_93] : memref<512xi32, #tpu.memory_space<vmem>> -> memref<64xi32, #tpu.memory_space<vmem>>
    %dma_wait3A_95 = arith.constant 0 : i32
    %dma_wait3A_96 = arith.constant 0 : i32
    %dma_wait3A_97 = tpu.memref_slice %arg4[%dma_wait3A_95, %dma_wait3A_96] : memref<1000000x128xf32, #tpu.memory_space<hbm>> -> memref<1000000x128xf32, #tpu.memory_space<hbm>>
    tpu.wait_indirect_dma semaphore(%arg12 : memref<!tpu.dma_semaphore, #tpu.memory_space<semaphore_mem>>) src(%dma_wait3A_97 : memref<1000000x128xf32, #tpu.memory_space<hbm>>) dst(%dma_wait3A_92 : memref<64x128xf32, #tpu.memory_space<vmem>>)
    %dma_wait3A_98 = arith.constant 0 : i32
    %dma_wait3A_99 = arith.constant 0 : i32
    %dma_wait3A_100 = arith.constant 0 : i32
    %dma_wait3A_101 = tpu.memref_slice %arg10[%dma_wait3A_98, %dma_wait3A_99, %dma_wait3A_100] : memref<2x64x128xf32, #tpu.memory_space<vmem>> -> memref<1x64x128xf32, #tpu.memory_space<vmem>>
    %dma_wait3A_102 = tpu.memref_squeeze %dma_wait3A_101 : memref<1x64x128xf32, #tpu.memory_space<vmem>> -> memref<64x128xf32, #tpu.memory_space<vmem>>
    %dma_wait3A_103 = arith.constant 0 : i32
    %dma_wait3A_104 = tpu.memref_slice %arg8[%dma_wait3A_103] : memref<512xi32, #tpu.memory_space<vmem>> -> memref<64xi32, #tpu.memory_space<vmem>>
    %dma_wait3A_105 = arith.constant 0 : i32
    %dma_wait3A_106 = arith.constant 0 : i32
    %dma_wait3A_107 = tpu.memref_slice %arg5[%dma_wait3A_105, %dma_wait3A_106] : memref<1000000x128xf32, #tpu.memory_space<hbm>> -> memref<1000000x128xf32, #tpu.memory_space<hbm>>
    tpu.wait_indirect_dma semaphore(%arg14 : memref<!tpu.dma_semaphore, #tpu.memory_space<semaphore_mem>>) src(%dma_wait3A_107 : memref<1000000x128xf32, #tpu.memory_space<hbm>>) dst(%dma_wait3A_102 : memref<64x128xf32, #tpu.memory_space<vmem>>)
    %scan3A_108 = arith.constant 0 : i32
    %scan3A_109 = arith.constant 4 : i32
    %scan3A_110 = arith.addi %scan3A_108, %scan3A_109 : i32
    %scan3A_111 = arith.constant 1 : i32
    scf.for %scan3A_138 = %scan3A_108 to %scan3A_110 step %scan3A_111  : i32 {
      %mul3A_139 = arith.constant 1 : i32
      %mul3A_140 = arith.muli %scan3A_138, %mul3A_139 : i32
      %add3A_141 = arith.constant 0 : i32
      %add3A_142 = arith.addi %add3A_141, %mul3A_140 : i32
      %broadcast_in_dim3A = arith.constant 0.000000e+00 : f32
      %broadcast_in_dim3A_143 = vector.broadcast %broadcast_in_dim3A : f32 to vector<16xf32>
      %scan3A_144 = arith.constant 0 : i32
      %scan3A_145 = arith.constant 4 : i32
      %scan3A_146 = arith.addi %scan3A_144, %scan3A_145 : i32
      %scan3A_147 = arith.constant 1 : i32
      %scan3A_148 = scf.for %scan3A_157 = %scan3A_144 to %scan3A_146 step %scan3A_147 iter_args(%scan3A_158 = %broadcast_in_dim3A_143) -> (vector<16xf32>)  : i32 {
        %mul3A_159 = arith.constant 1 : i32
        %mul3A_160 = arith.muli %scan3A_157, %mul3A_159 : i32
        %add3A_161 = arith.constant 0 : i32
        %add3A_162 = arith.addi %add3A_161, %mul3A_160 : i32
        %mul3A_163 = arith.constant 16 : i32
        %mul3A_164 = arith.muli %add3A_142, %mul3A_163 : i32
        %mul3A_165 = arith.constant 4 : i32
        %mul3A_166 = arith.muli %add3A_162, %mul3A_165 : i32
        %add3A_167 = arith.addi %mul3A_164, %mul3A_166 : i32
        %add3A_168 = arith.constant 0 : i32
        %add3A_169 = arith.addi %add3A_167, %add3A_168 : i32
        %get3A = arith.constant 0 : i32
        %get3A_170 = arith.index_cast %get3A : i32 to index
        %get3A_171 = arith.index_cast %add3A_169 : i32 to index
        %get3A_172 = arith.constant 0 : index
        %get3A_173 = tpu.vector_load %arg9[%get3A_170, %get3A_171, %get3A_172] {strides = array<i32>} : memref<2x64x128xf32, #tpu.memory_space<vmem>>, vector<1x1x16xf32>,
        %get3A_174 = vector.shape_cast %get3A_173 : vector<1x1x16xf32> to vector<16xf32>
        %get3A_175 = arith.constant 0 : i32
        %get3A_176 = arith.index_cast %get3A_175 : i32 to index
        %get3A_177 = arith.index_cast %add3A_169 : i32 to index
        %get3A_178 = arith.constant 0 : index
        %get3A_179 = tpu.vector_load %arg10[%get3A_176, %get3A_177, %get3A_178] {strides = array<i32>} : memref<2x64x128xf32, #tpu.memory_space<vmem>>, vector<1x1x16xf32>,
        %get3A_180 = vector.shape_cast %get3A_179 : vector<1x1x16xf32> to vector<16xf32>
        %mul3A_181 = arith.mulf %get3A_174, %get3A_180 : vector<16xf32>
        %get3A_182 = arith.constant 0 : i32
        %get3A_183 = arith.index_cast %get3A_182 : i32 to index
        %get3A_184 = arith.index_cast %add3A_169 : i32 to index
        %get3A_185 = arith.constant 16 : index
        %get3A_186 = tpu.vector_load %arg9[%get3A_183, %get3A_184, %get3A_185] {strides = array<i32>} : memref<2x64x128xf32, #tpu.memory_space<vmem>>, vector<1x1x16xf32>,
        %get3A_187 = vector.shape_cast %get3A_186 : vector<1x1x16xf32> to vector<16xf32>
        %get3A_188 = arith.constant 0 : i32
        %get3A_189 = arith.index_cast %get3A_188 : i32 to index
        %get3A_190 = arith.index_cast %add3A_169 : i32 to index
        %get3A_191 = arith.constant 16 : index
        %get3A_192 = tpu.vector_load %arg10[%get3A_189, %get3A_190, %get3A_191] {strides = array<i32>} : memref<2x64x128xf32, #tpu.memory_space<vmem>>, vector<1x1x16xf32>,
        %get3A_193 = vector.shape_cast %get3A_192 : vector<1x1x16xf32> to vector<16xf32>
        %mul3A_194 = arith.mulf %get3A_187, %get3A_193 : vector<16xf32>
        %get3A_195 = arith.constant 0 : i32
        %get3A_196 = arith.index_cast %get3A_195 : i32 to index
        %get3A_197 = arith.index_cast %add3A_169 : i32 to index
        %get3A_198 = arith.constant 32 : index
        %get3A_199 = tpu.vector_load %arg9[%get3A_196, %get3A_197, %get3A_198] {strides = array<i32>} : memref<2x64x128xf32, #tpu.memory_space<vmem>>, vector<1x1x16xf32>,
        %get3A_200 = vector.shape_cast %get3A_199 : vector<1x1x16xf32> to vector<16xf32>
        %get3A_201 = arith.constant 0 : i32
        %get3A_202 = arith.index_cast %get3A_201 : i32 to index
        %get3A_203 = arith.index_cast %add3A_169 : i32 to index
        %get3A_204 = arith.constant 32 : index
        %get3A_205 = tpu.vector_load %arg10[%get3A_202, %get3A_203, %get3A_204] {strides = array<i32>} : memref<2x64x128xf32, #tpu.memory_space<vmem>>, vector<1x1x16xf32>,
        %get3A_206 = vector.shape_cast %get3A_205 : vector<1x1x16xf32> to vector<16xf32>
        %mul3A_207 = arith.mulf %get3A_200, %get3A_206 : vector<16xf32>
        %get3A_208 = arith.constant 0 : i32
        %get3A_209 = arith.index_cast %get3A_208 : i32 to index
        %get3A_210 = arith.index_cast %add3A_169 : i32 to index
        %get3A_211 = arith.constant 48 : index
        %get3A_212 = tpu.vector_load %arg9[%get3A_209, %get3A_210, %get3A_211] {strides = array<i32>} : memref<2x64x128xf32, #tpu.memory_space<vmem>>, vector<1x1x16xf32>,
        %get3A_213 = vector.shape_cast %get3A_212 : vector<1x1x16xf32> to vector<16xf32>
        %get3A_214 = arith.constant 0 : i32
        %get3A_215 = arith.index_cast %get3A_214 : i32 to index
        %get3A_216 = arith.index_cast %add3A_169 : i32 to index
        %get3A_217 = arith.constant 48 : index
        %get3A_218 = tpu.vector_load %arg10[%get3A_215, %get3A_216, %get3A_217] {strides = array<i32>} : memref<2x64x128xf32, #tpu.memory_space<vmem>>, vector<1x1x16xf32>,
        %get3A_219 = vector.shape_cast %get3A_218 : vector<1x1x16xf32> to vector<16xf32>
        %mul3A_220 = arith.mulf %get3A_213, %get3A_219 : vector<16xf32>
        %get3A_221 = arith.constant 0 : i32
        %get3A_222 = arith.index_cast %get3A_221 : i32 to index
        %get3A_223 = arith.index_cast %add3A_169 : i32 to index
        %get3A_224 = arith.constant 64 : index
        %get3A_225 = tpu.vector_load %arg9[%get3A_222, %get3A_223, %get3A_224] {strides = array<i32>} : memref<2x64x128xf32, #tpu.memory_space<vmem>>, vector<1x1x16xf32>,
        %get3A_226 = vector.shape_cast %get3A_225 : vector<1x1x16xf32> to vector<16xf32>
        %get3A_227 = arith.constant 0 : i32
        %get3A_228 = arith.index_cast %get3A_227 : i32 to index
        %get3A_229 = arith.index_cast %add3A_169 : i32 to index
        %get3A_230 = arith.constant 64 : index
        %get3A_231 = tpu.vector_load %arg10[%get3A_228, %get3A_229, %get3A_230] {strides = array<i32>} : memref<2x64x128xf32, #tpu.memory_space<vmem>>, vector<1x1x16xf32>,
        %get3A_232 = vector.shape_cast %get3A_231 : vector<1x1x16xf32> to vector<16xf32>
        %mul3A_233 = arith.mulf %get3A_226, %get3A_232 : vector<16xf32>
        %get3A_234 = arith.constant 0 : i32
        %get3A_235 = arith.index_cast %get3A_234 : i32 to index
        %get3A_236 = arith.index_cast %add3A_169 : i32 to index
        %get3A_237 = arith.constant 80 : index
        %get3A_238 = tpu.vector_load %arg9[%get3A_235, %get3A_236, %get3A_237] {strides = array<i32>} : memref<2x64x128xf32, #tpu.memory_space<vmem>>, vector<1x1x16xf32>,
        %get3A_239 = vector.shape_cast %get3A_238 : vector<1x1x16xf32> to vector<16xf32>
        %get3A_240 = arith.constant 0 : i32
        %get3A_241 = arith.index_cast %get3A_240 : i32 to index
        %get3A_242 = arith.index_cast %add3A_169 : i32 to index
        %get3A_243 = arith.constant 80 : index
        %get3A_244 = tpu.vector_load %arg10[%get3A_241, %get3A_242, %get3A_243] {strides = array<i32>} : memref<2x64x128xf32, #tpu.memory_space<vmem>>, vector<1x1x16xf32>,
        %get3A_245 = vector.shape_cast %get3A_244 : vector<1x1x16xf32> to vector<16xf32>
        %mul3A_246 = arith.mulf %get3A_239, %get3A_245 : vector<16xf32>
        %get3A_247 = arith.constant 0 : i32
        %get3A_248 = arith.index_cast %get3A_247 : i32 to index
        %get3A_249 = arith.index_cast %add3A_169 : i32 to index
        %get3A_250 = arith.constant 96 : index
        %get3A_251 = tpu.vector_load %arg9[%get3A_248, %get3A_249, %get3A_250] {strides = array<i32>} : memref<2x64x128xf32, #tpu.memory_space<vmem>>, vector<1x1x16xf32>,
        %get3A_252 = vector.shape_cast %get3A_251 : vector<1x1x16xf32> to vector<16xf32>
        %get3A_253 = arith.constant 0 : i32
        %get3A_254 = arith.index_cast %get3A_253 : i32 to index
        %get3A_255 = arith.index_cast %add3A_169 : i32 to index
        %get3A_256 = arith.constant 96 : index
        %get3A_257 = tpu.vector_load %arg10[%get3A_254, %get3A_255, %get3A_256] {strides = array<i32>} : memref<2x64x128xf32, #tpu.memory_space<vmem>>, vector<1x1x16xf32>,
        %get3A_258 = vector.shape_cast %get3A_257 : vector<1x1x16xf32> to vector<16xf32>
        %mul3A_259 = arith.mulf %get3A_252, %get3A_258 : vector<16xf32>
        %get3A_260 = arith.constant 0 : i32
        %get3A_261 = arith.index_cast %get3A_260 : i32 to index
        %get3A_262 = arith.index_cast %add3A_169 : i32 to index
        %get3A_263 = arith.constant 112 : index
        %get3A_264 = tpu.vector_load %arg9[%get3A_261, %get3A_262, %get3A_263] {strides = array<i32>} : memref<2x64x128xf32, #tpu.memory_space<vmem>>, vector<1x1x16xf32>,
        %get3A_265 = vector.shape_cast %get3A_264 : vector<1x1x16xf32> to vector<16xf32>
        %get3A_266 = arith.constant 0 : i32
        %get3A_267 = arith.index_cast %get3A_266 : i32 to index
        %get3A_268 = arith.index_cast %add3A_169 : i32 to index
        %get3A_269 = arith.constant 112 : index
        %get3A_270 = tpu.vector_load %arg10[%get3A_267, %get3A_268, %get3A_269] {strides = array<i32>} : memref<2x64x128xf32, #tpu.memory_space<vmem>>, vector<1x1x16xf32>,
        %get3A_271 = vector.shape_cast %get3A_270 : vector<1x1x16xf32> to vector<16xf32>
        %mul3A_272 = arith.mulf %get3A_265, %get3A_271 : vector<16xf32>
        %add3A_273 = arith.addf %mul3A_181, %mul3A_194 : vector<16xf32>
        %add3A_274 = arith.addf %mul3A_207, %mul3A_220 : vector<16xf32>
        %add3A_275 = arith.addf %mul3A_233, %mul3A_246 : vector<16xf32>
        %add3A_276 = arith.addf %mul3A_259, %mul3A_272 : vector<16xf32>
        %add3A_277 = arith.addf %add3A_273, %add3A_274 : vector<16xf32>
        %add3A_278 = arith.addf %add3A_275, %add3A_276 : vector<16xf32>
        %add3A_279 = arith.addf %add3A_277, %add3A_278 : vector<16xf32>
        %add3A_280 = arith.constant 1 : i32
        %add3A_281 = arith.addi %add3A_167, %add3A_280 : i32
        %get3A_282 = arith.constant 0 : i32
        %get3A_283 = arith.index_cast %get3A_282 : i32 to index
        %get3A_284 = arith.index_cast %add3A_281 : i32 to index
        %get3A_285 = arith.constant 0 : index
        %get3A_286 = tpu.vector_load %arg9[%get3A_283, %get3A_284, %get3A_285] {strides = array<i32>} : memref<2x64x128xf32, #tpu.memory_space<vmem>>, vector<1x1x16xf32>,
        %get3A_287 = vector.shape_cast %get3A_286 : vector<1x1x16xf32> to vector<16xf32>
        %get3A_288 = arith.constant 0 : i32
        %get3A_289 = arith.index_cast %get3A_288 : i32 to index
        %get3A_290 = arith.index_cast %add3A_281 : i32 to index
        %get3A_291 = arith.constant 0 : index
        %get3A_292 = tpu.vector_load %arg10[%get3A_289, %get3A_290, %get3A_291] {strides = array<i32>} : memref<2x64x128xf32, #tpu.memory_space<vmem>>, vector<1x1x16xf32>,
        %get3A_293 = vector.shape_cast %get3A_292 : vector<1x1x16xf32> to vector<16xf32>
        %mul3A_294 = arith.mulf %get3A_287, %get3A_293 : vector<16xf32>
        %get3A_295 = arith.constant 0 : i32
        %get3A_296 = arith.index_cast %get3A_295 : i32 to index
        %get3A_297 = arith.index_cast %add3A_281 : i32 to index
        %get3A_298 = arith.constant 16 : index
        %get3A_299 = tpu.vector_load %arg9[%get3A_296, %get3A_297, %get3A_298] {strides = array<i32>} : memref<2x64x128xf32, #tpu.memory_space<vmem>>, vector<1x1x16xf32>,
        %get3A_300 = vector.shape_cast %get3A_299 : vector<1x1x16xf32> to vector<16xf32>
        %get3A_301 = arith.constant 0 : i32
        %get3A_302 = arith.index_cast %get3A_301 : i32 to index
        %get3A_303 = arith.index_cast %add3A_281 : i32 to index
        %get3A_304 = arith.constant 16 : index
        %get3A_305 = tpu.vector_load %arg10[%get3A_302, %get3A_303, %get3A_304] {strides = array<i32>} : memref<2x64x128xf32, #tpu.memory_space<vmem>>, vector<1x1x16xf32>,
        %get3A_306 = vector.shape_cast %get3A_305 : vector<1x1x16xf32> to vector<16xf32>
        %mul3A_307 = arith.mulf %get3A_300, %get3A_306 : vector<16xf32>
        %get3A_308 = arith.constant 0 : i32
        %get3A_309 = arith.index_cast %get3A_308 : i32 to index
        %get3A_310 = arith.index_cast %add3A_281 : i32 to index
        %get3A_311 = arith.constant 32 : index
        %get3A_312 = tpu.vector_load %arg9[%get3A_309, %get3A_310, %get3A_311] {strides = array<i32>} : memref<2x64x128xf32, #tpu.memory_space<vmem>>, vector<1x1x16xf32>,
        %get3A_313 = vector.shape_cast %get3A_312 : vector<1x1x16xf32> to vector<16xf32>
        %get3A_314 = arith.constant 0 : i32
        %get3A_315 = arith.index_cast %get3A_314 : i32 to index
        %get3A_316 = arith.index_cast %add3A_281 : i32 to index
        %get3A_317 = arith.constant 32 : index
        %get3A_318 = tpu.vector_load %arg10[%get3A_315, %get3A_316, %get3A_317] {strides = array<i32>} : memref<2x64x128xf32, #tpu.memory_space<vmem>>, vector<1x1x16xf32>,
        %get3A_319 = vector.shape_cast %get3A_318 : vector<1x1x16xf32> to vector<16xf32>
        %mul3A_320 = arith.mulf %get3A_313, %get3A_319 : vector<16xf32>
        %get3A_321 = arith.constant 0 : i32
        %get3A_322 = arith.index_cast %get3A_321 : i32 to index
        %get3A_323 = arith.index_cast %add3A_281 : i32 to index
        %get3A_324 = arith.constant 48 : index
        %get3A_325 = tpu.vector_load %arg9[%get3A_322, %get3A_323, %get3A_324] {strides = array<i32>} : memref<2x64x128xf32, #tpu.memory_space<vmem>>, vector<1x1x16xf32>,
        %get3A_326 = vector.shape_cast %get3A_325 : vector<1x1x16xf32> to vector<16xf32>
        %get3A_327 = arith.constant 0 : i32
        %get3A_328 = arith.index_cast %get3A_327 : i32 to index
        %get3A_329 = arith.index_cast %add3A_281 : i32 to index
        %get3A_330 = arith.constant 48 : index
        %get3A_331 = tpu.vector_load %arg10[%get3A_328, %get3A_329, %get3A_330] {strides = array<i32>} : memref<2x64x128xf32, #tpu.memory_space<vmem>>, vector<1x1x16xf32>,
        %get3A_332 = vector.shape_cast %get3A_331 : vector<1x1x16xf32> to vector<16xf32>
        %mul3A_333 = arith.mulf %get3A_326, %get3A_332 : vector<16xf32>
        %get3A_334 = arith.constant 0 : i32
        %get3A_335 = arith.index_cast %get3A_334 : i32 to index
        %get3A_336 = arith.index_cast %add3A_281 : i32 to index
        %get3A_337 = arith.constant 64 : index
        %get3A_338 = tpu.vector_load %arg9[%get3A_335, %get3A_336, %get3A_337] {strides = array<i32>} : memref<2x64x128xf32, #tpu.memory_space<vmem>>, vector<1x1x16xf32>,
        %get3A_339 = vector.shape_cast %get3A_338 : vector<1x1x16xf32> to vector<16xf32>
        %get3A_340 = arith.constant 0 : i32
        %get3A_341 = arith.index_cast %get3A_340 : i32 to index
        %get3A_342 = arith.index_cast %add3A_281 : i32 to index
        %get3A_343 = arith.constant 64 : index
        %get3A_344 = tpu.vector_load %arg10[%get3A_341, %get3A_342, %get3A_343] {strides = array<i32>} : memref<2x64x128xf32, #tpu.memory_space<vmem>>, vector<1x1x16xf32>,
        %get3A_345 = vector.shape_cast %get3A_344 : vector<1x1x16xf32> to vector<16xf32>
        %mul3A_346 = arith.mulf %get3A_339, %get3A_345 : vector<16xf32>
        %get3A_347 = arith.constant 0 : i32
        %get3A_348 = arith.index_cast %get3A_347 : i32 to index
        %get3A_349 = arith.index_cast %add3A_281 : i32 to index
        %get3A_350 = arith.constant 80 : index
        %get3A_351 = tpu.vector_load %arg9[%get3A_348, %get3A_349, %get3A_350] {strides = array<i32>} : memref<2x64x128xf32, #tpu.memory_space<vmem>>, vector<1x1x16xf32>,
        %get3A_352 = vector.shape_cast %get3A_351 : vector<1x1x16xf32> to vector<16xf32>
        %get3A_353 = arith.constant 0 : i32
        %get3A_354 = arith.index_cast %get3A_353 : i32 to index
        %get3A_355 = arith.index_cast %add3A_281 : i32 to index
        %get3A_356 = arith.constant 80 : index
        %get3A_357 = tpu.vector_load %arg10[%get3A_354, %get3A_355, %get3A_356] {strides = array<i32>} : memref<2x64x128xf32, #tpu.memory_space<vmem>>, vector<1x1x16xf32>,
        %get3A_358 = vector.shape_cast %get3A_357 : vector<1x1x16xf32> to vector<16xf32>
        %mul3A_359 = arith.mulf %get3A_352, %get3A_358 : vector<16xf32>
        %get3A_360 = arith.constant 0 : i32
        %get3A_361 = arith.index_cast %get3A_360 : i32 to index
        %get3A_362 = arith.index_cast %add3A_281 : i32 to index
        %get3A_363 = arith.constant 96 : index
        %get3A_364 = tpu.vector_load %arg9[%get3A_361, %get3A_362, %get3A_363] {strides = array<i32>} : memref<2x64x128xf32, #tpu.memory_space<vmem>>, vector<1x1x16xf32>,
        %get3A_365 = vector.shape_cast %get3A_364 : vector<1x1x16xf32> to vector<16xf32>
        %get3A_366 = arith.constant 0 : i32
        %get3A_367 = arith.index_cast %get3A_366 : i32 to index
        %get3A_368 = arith.index_cast %add3A_281 : i32 to index
        %get3A_369 = arith.constant 96 : index
        %get3A_370 = tpu.vector_load %arg10[%get3A_367, %get3A_368, %get3A_369] {strides = array<i32>} : memref<2x64x128xf32, #tpu.memory_space<vmem>>, vector<1x1x16xf32>,
        %get3A_371 = vector.shape_cast %get3A_370 : vector<1x1x16xf32> to vector<16xf32>
        %mul3A_372 = arith.mulf %get3A_365, %get3A_371 : vector<16xf32>
        %get3A_373 = arith.constant 0 : i32
        %get3A_374 = arith.index_cast %get3A_373 : i32 to index
        %get3A_375 = arith.index_cast %add3A_281 : i32 to index
        %get3A_376 = arith.constant 112 : index
        %get3A_377 = tpu.vector_load %arg9[%get3A_374, %get3A_375, %get3A_376] {strides = array<i32>} : memref<2x64x128xf32, #tpu.memory_space<vmem>>, vector<1x1x16xf32>,
        %get3A_378 = vector.shape_cast %get3A_377 : vector<1x1x16xf32> to vector<16xf32>
        %get3A_379 = arith.constant 0 : i32
        %get3A_380 = arith.index_cast %get3A_379 : i32 to index
        %get3A_381 = arith.index_cast %add3A_281 : i32 to index
        %get3A_382 = arith.constant 112 : index
        %get3A_383 = tpu.vector_load %arg10[%get3A_380, %get3A_381, %get3A_382] {strides = array<i32>} : memref<2x64x128xf32, #tpu.memory_space<vmem>>, vector<1x1x16xf32>,
        %get3A_384 = vector.shape_cast %get3A_383 : vector<1x1x16xf32> to vector<16xf32>
        %mul3A_385 = arith.mulf %get3A_378, %get3A_384 : vector<16xf32>
        %add3A_386 = arith.addf %mul3A_294, %mul3A_307 : vector<16xf32>
        %add3A_387 = arith.addf %mul3A_320, %mul3A_333 : vector<16xf32>
        %add3A_388 = arith.addf %mul3A_346, %mul3A_359 : vector<16xf32>
        %add3A_389 = arith.addf %mul3A_372, %mul3A_385 : vector<16xf32>
        %add3A_390 = arith.addf %add3A_386, %add3A_387 : vector<16xf32>
        %add3A_391 = arith.addf %add3A_388, %add3A_389 : vector<16xf32>
        %add3A_392 = arith.addf %add3A_390, %add3A_391 : vector<16xf32>
        %add3A_393 = arith.constant 2 : i32
        %add3A_394 = arith.addi %add3A_167, %add3A_393 : i32
        %get3A_395 = arith.constant 0 : i32
        %get3A_396 = arith.index_cast %get3A_395 : i32 to index
        %get3A_397 = arith.index_cast %add3A_394 : i32 to index
        %get3A_398 = arith.constant 0 : index
        %get3A_399 = tpu.vector_load %arg9[%get3A_396, %get3A_397, %get3A_398] {strides = array<i32>} : memref<2x64x128xf32, #tpu.memory_space<vmem>>, vector<1x1x16xf32>,
        %get3A_400 = vector.shape_cast %get3A_399 : vector<1x1x16xf32> to vector<16xf32>
        %get3A_401 = arith.constant 0 : i32
        %get3A_402 = arith.index_cast %get3A_401 : i32 to index
        %get3A_403 = arith.index_cast %add3A_394 : i32 to index
        %get3A_404 = arith.constant 0 : index
        %get3A_405 = tpu.vector_load %arg10[%get3A_402, %get3A_403, %get3A_404] {strides = array<i32>} : memref<2x64x128xf32, #tpu.memory_space<vmem>>, vector<1x1x16xf32>,
        %get3A_406 = vector.shape_cast %get3A_405 : vector<1x1x16xf32> to vector<16xf32>
        %mul3A_407 = arith.mulf %get3A_400, %get3A_406 : vector<16xf32>
        %get3A_408 = arith.constant 0 : i32
        %get3A_409 = arith.index_cast %get3A_408 : i32 to index
        %get3A_410 = arith.index_cast %add3A_394 : i32 to index
        %get3A_411 = arith.constant 16 : index
        %get3A_412 = tpu.vector_load %arg9[%get3A_409, %get3A_410, %get3A_411] {strides = array<i32>} : memref<2x64x128xf32, #tpu.memory_space<vmem>>, vector<1x1x16xf32>,
        %get3A_413 = vector.shape_cast %get3A_412 : vector<1x1x16xf32> to vector<16xf32>
        %get3A_414 = arith.constant 0 : i32
        %get3A_415 = arith.index_cast %get3A_414 : i32 to index
        %get3A_416 = arith.index_cast %add3A_394 : i32 to index
        %get3A_417 = arith.constant 16 : index
        %get3A_418 = tpu.vector_load %arg10[%get3A_415, %get3A_416, %get3A_417] {strides = array<i32>} : memref<2x64x128xf32, #tpu.memory_space<vmem>>, vector<1x1x16xf32>,
        %get3A_419 = vector.shape_cast %get3A_418 : vector<1x1x16xf32> to vector<16xf32>
        %mul3A_420 = arith.mulf %get3A_413, %get3A_419 : vector<16xf32>
        %get3A_421 = arith.constant 0 : i32
        %get3A_422 = arith.index_cast %get3A_421 : i32 to index
        %get3A_423 = arith.index_cast %add3A_394 : i32 to index
        %get3A_424 = arith.constant 32 : index
        %get3A_425 = tpu.vector_load %arg9[%get3A_422, %get3A_423, %get3A_424] {strides = array<i32>} : memref<2x64x128xf32, #tpu.memory_space<vmem>>, vector<1x1x16xf32>,
        %get3A_426 = vector.shape_cast %get3A_425 : vector<1x1x16xf32> to vector<16xf32>
        %get3A_427 = arith.constant 0 : i32
        %get3A_428 = arith.index_cast %get3A_427 : i32 to index
        %get3A_429 = arith.index_cast %add3A_394 : i32 to index
        %get3A_430 = arith.constant 32 : index
        %get3A_431 = tpu.vector_load %arg10[%get3A_428, %get3A_429, %get3A_430] {strides = array<i32>} : memref<2x64x128xf32, #tpu.memory_space<vmem>>, vector<1x1x16xf32>,
        %get3A_432 = vector.shape_cast %get3A_431 : vector<1x1x16xf32> to vector<16xf32>
        %mul3A_433 = arith.mulf %get3A_426, %get3A_432 : vector<16xf32>
        %get3A_434 = arith.constant 0 : i32
        %get3A_435 = arith.index_cast %get3A_434 : i32 to index
        %get3A_436 = arith.index_cast %add3A_394 : i32 to index
        %get3A_437 = arith.constant 48 : index
        %get3A_438 = tpu.vector_load %arg9[%get3A_435, %get3A_436, %get3A_437] {strides = array<i32>} : memref<2x64x128xf32, #tpu.memory_space<vmem>>, vector<1x1x16xf32>,
        %get3A_439 = vector.shape_cast %get3A_438 : vector<1x1x16xf32> to vector<16xf32>
        %get3A_440 = arith.constant 0 : i32
        %get3A_441 = arith.index_cast %get3A_440 : i32 to index
        %get3A_442 = arith.index_cast %add3A_394 : i32 to index
        %get3A_443 = arith.constant 48 : index
        %get3A_444 = tpu.vector_load %arg10[%get3A_441, %get3A_442, %get3A_443] {strides = array<i32>} : memref<2x64x128xf32, #tpu.memory_space<vmem>>, vector<1x1x16xf32>,
        %get3A_445 = vector.shape_cast %get3A_444 : vector<1x1x16xf32> to vector<16xf32>
        %mul3A_446 = arith.mulf %get3A_439, %get3A_445 : vector<16xf32>
        %get3A_447 = arith.constant 0 : i32
        %get3A_448 = arith.index_cast %get3A_447 : i32 to index
        %get3A_449 = arith.index_cast %add3A_394 : i32 to index
        %get3A_450 = arith.constant 64 : index
        %get3A_451 = tpu.vector_load %arg9[%get3A_448, %get3A_449, %get3A_450] {strides = array<i32>} : memref<2x64x128xf32, #tpu.memory_space<vmem>>, vector<1x1x16xf32>,
        %get3A_452 = vector.shape_cast %get3A_451 : vector<1x1x16xf32> to vector<16xf32>
        %get3A_453 = arith.constant 0 : i32
        %get3A_454 = arith.index_cast %get3A_453 : i32 to index
        %get3A_455 = arith.index_cast %add3A_394 : i32 to index
        %get3A_456 = arith.constant 64 : index
        %get3A_457 = tpu.vector_load %arg10[%get3A_454, %get3A_455, %get3A_456] {strides = array<i32>} : memref<2x64x128xf32, #tpu.memory_space<vmem>>, vector<1x1x16xf32>,
        %get3A_458 = vector.shape_cast %get3A_457 : vector<1x1x16xf32> to vector<16xf32>
        %mul3A_459 = arith.mulf %get3A_452, %get3A_458 : vector<16xf32>
        %get3A_460 = arith.constant 0 : i32
        %get3A_461 = arith.index_cast %get3A_460 : i32 to index
        %get3A_462 = arith.index_cast %add3A_394 : i32 to index
        %get3A_463 = arith.constant 80 : index
        %get3A_464 = tpu.vector_load %arg9[%get3A_461, %get3A_462, %get3A_463] {strides = array<i32>} : memref<2x64x128xf32, #tpu.memory_space<vmem>>, vector<1x1x16xf32>,
        %get3A_465 = vector.shape_cast %get3A_464 : vector<1x1x16xf32> to vector<16xf32>
        %get3A_466 = arith.constant 0 : i32
        %get3A_467 = arith.index_cast %get3A_466 : i32 to index
        %get3A_468 = arith.index_cast %add3A_394 : i32 to index
        %get3A_469 = arith.constant 80 : index
        %get3A_470 = tpu.vector_load %arg10[%get3A_467, %get3A_468, %get3A_469] {strides = array<i32>} : memref<2x64x128xf32, #tpu.memory_space<vmem>>, vector<1x1x16xf32>,
        %get3A_471 = vector.shape_cast %get3A_470 : vector<1x1x16xf32> to vector<16xf32>
        %mul3A_472 = arith.mulf %get3A_465, %get3A_471 : vector<16xf32>
        %get3A_473 = arith.constant 0 : i32
        %get3A_474 = arith.index_cast %get3A_473 : i32 to index
        %get3A_475 = arith.index_cast %add3A_394 : i32 to index
        %get3A_476 = arith.constant 96 : index
        %get3A_477 = tpu.vector_load %arg9[%get3A_474, %get3A_475, %get3A_476] {strides = array<i32>} : memref<2x64x128xf32, #tpu.memory_space<vmem>>, vector<1x1x16xf32>,
        %get3A_478 = vector.shape_cast %get3A_477 : vector<1x1x16xf32> to vector<16xf32>
        %get3A_479 = arith.constant 0 : i32
        %get3A_480 = arith.index_cast %get3A_479 : i32 to index
        %get3A_481 = arith.index_cast %add3A_394 : i32 to index
        %get3A_482 = arith.constant 96 : index
        %get3A_483 = tpu.vector_load %arg10[%get3A_480, %get3A_481, %get3A_482] {strides = array<i32>} : memref<2x64x128xf32, #tpu.memory_space<vmem>>, vector<1x1x16xf32>,
        %get3A_484 = vector.shape_cast %get3A_483 : vector<1x1x16xf32> to vector<16xf32>
        %mul3A_485 = arith.mulf %get3A_478, %get3A_484 : vector<16xf32>
        %get3A_486 = arith.constant 0 : i32
        %get3A_487 = arith.index_cast %get3A_486 : i32 to index
        %get3A_488 = arith.index_cast %add3A_394 : i32 to index
        %get3A_489 = arith.constant 112 : index
        %get3A_490 = tpu.vector_load %arg9[%get3A_487, %get3A_488, %get3A_489] {strides = array<i32>} : memref<2x64x128xf32, #tpu.memory_space<vmem>>, vector<1x1x16xf32>,
        %get3A_491 = vector.shape_cast %get3A_490 : vector<1x1x16xf32> to vector<16xf32>
        %get3A_492 = arith.constant 0 : i32
        %get3A_493 = arith.index_cast %get3A_492 : i32 to index
        %get3A_494 = arith.index_cast %add3A_394 : i32 to index
        %get3A_495 = arith.constant 112 : index
        %get3A_496 = tpu.vector_load %arg10[%get3A_493, %get3A_494, %get3A_495] {strides = array<i32>} : memref<2x64x128xf32, #tpu.memory_space<vmem>>, vector<1x1x16xf32>,
        %get3A_497 = vector.shape_cast %get3A_496 : vector<1x1x16xf32> to vector<16xf32>
        %mul3A_498 = arith.mulf %get3A_491, %get3A_497 : vector<16xf32>
        %add3A_499 = arith.addf %mul3A_407, %mul3A_420 : vector<16xf32>
        %add3A_500 = arith.addf %mul3A_433, %mul3A_446 : vector<16xf32>
        %add3A_501 = arith.addf %mul3A_459, %mul3A_472 : vector<16xf32>
        %add3A_502 = arith.addf %mul3A_485, %mul3A_498 : vector<16xf32>
        %add3A_503 = arith.addf %add3A_499, %add3A_500 : vector<16xf32>
        %add3A_504 = arith.addf %add3A_501, %add3A_502 : vector<16xf32>
        %add3A_505 = arith.addf %add3A_503, %add3A_504 : vector<16xf32>
        %add3A_506 = arith.constant 3 : i32
        %add3A_507 = arith.addi %add3A_167, %add3A_506 : i32
        %get3A_508 = arith.constant 0 : i32
        %get3A_509 = arith.index_cast %get3A_508 : i32 to index
        %get3A_510 = arith.index_cast %add3A_507 : i32 to index
        %get3A_511 = arith.constant 0 : index
        %get3A_512 = tpu.vector_load %arg9[%get3A_509, %get3A_510, %get3A_511] {strides = array<i32>} : memref<2x64x128xf32, #tpu.memory_space<vmem>>, vector<1x1x16xf32>,
        %get3A_513 = vector.shape_cast %get3A_512 : vector<1x1x16xf32> to vector<16xf32>
        %get3A_514 = arith.constant 0 : i32
        %get3A_515 = arith.index_cast %get3A_514 : i32 to index
        %get3A_516 = arith.index_cast %add3A_507 : i32 to index
        %get3A_517 = arith.constant 0 : index
        %get3A_518 = tpu.vector_load %arg10[%get3A_515, %get3A_516, %get3A_517] {strides = array<i32>} : memref<2x64x128xf32, #tpu.memory_space<vmem>>, vector<1x1x16xf32>,
        %get3A_519 = vector.shape_cast %get3A_518 : vector<1x1x16xf32> to vector<16xf32>
        %mul3A_520 = arith.mulf %get3A_513, %get3A_519 : vector<16xf32>
        %get3A_521 = arith.constant 0 : i32
        %get3A_522 = arith.index_cast %get3A_521 : i32 to index
        %get3A_523 = arith.index_cast %add3A_507 : i32 to index
        %get3A_524 = arith.constant 16 : index
        %get3A_525 = tpu.vector_load %arg9[%get3A_522, %get3A_523, %get3A_524] {strides = array<i32>} : memref<2x64x128xf32, #tpu.memory_space<vmem>>, vector<1x1x16xf32>,
        %get3A_526 = vector.shape_cast %get3A_525 : vector<1x1x16xf32> to vector<16xf32>
        %get3A_527 = arith.constant 0 : i32
        %get3A_528 = arith.index_cast %get3A_527 : i32 to index
        %get3A_529 = arith.index_cast %add3A_507 : i32 to index
        %get3A_530 = arith.constant 16 : index
        %get3A_531 = tpu.vector_load %arg10[%get3A_528, %get3A_529, %get3A_530] {strides = array<i32>} : memref<2x64x128xf32, #tpu.memory_space<vmem>>, vector<1x1x16xf32>,
        %get3A_532 = vector.shape_cast %get3A_531 : vector<1x1x16xf32> to vector<16xf32>
        %mul3A_533 = arith.mulf %get3A_526, %get3A_532 : vector<16xf32>
        %get3A_534 = arith.constant 0 : i32
        %get3A_535 = arith.index_cast %get3A_534 : i32 to index
        %get3A_536 = arith.index_cast %add3A_507 : i32 to index
        %get3A_537 = arith.constant 32 : index
        %get3A_538 = tpu.vector_load %arg9[%get3A_535, %get3A_536, %get3A_537] {strides = array<i32>} : memref<2x64x128xf32, #tpu.memory_space<vmem>>, vector<1x1x16xf32>,
        %get3A_539 = vector.shape_cast %get3A_538 : vector<1x1x16xf32> to vector<16xf32>
        %get3A_540 = arith.constant 0 : i32
        %get3A_541 = arith.index_cast %get3A_540 : i32 to index
        %get3A_542 = arith.index_cast %add3A_507 : i32 to index
        %get3A_543 = arith.constant 32 : index
        %get3A_544 = tpu.vector_load %arg10[%get3A_541, %get3A_542, %get3A_543] {strides = array<i32>} : memref<2x64x128xf32, #tpu.memory_space<vmem>>, vector<1x1x16xf32>,
        %get3A_545 = vector.shape_cast %get3A_544 : vector<1x1x16xf32> to vector<16xf32>
        %mul3A_546 = arith.mulf %get3A_539, %get3A_545 : vector<16xf32>
        %get3A_547 = arith.constant 0 : i32
        %get3A_548 = arith.index_cast %get3A_547 : i32 to index
        %get3A_549 = arith.index_cast %add3A_507 : i32 to index
        %get3A_550 = arith.constant 48 : index
        %get3A_551 = tpu.vector_load %arg9[%get3A_548, %get3A_549, %get3A_550] {strides = array<i32>} : memref<2x64x128xf32, #tpu.memory_space<vmem>>, vector<1x1x16xf32>,
        %get3A_552 = vector.shape_cast %get3A_551 : vector<1x1x16xf32> to vector<16xf32>
        %get3A_553 = arith.constant 0 : i32
        %get3A_554 = arith.index_cast %get3A_553 : i32 to index
        %get3A_555 = arith.index_cast %add3A_507 : i32 to index
        %get3A_556 = arith.constant 48 : index
        %get3A_557 = tpu.vector_load %arg10[%get3A_554, %get3A_555, %get3A_556] {strides = array<i32>} : memref<2x64x128xf32, #tpu.memory_space<vmem>>, vector<1x1x16xf32>,
        %get3A_558 = vector.shape_cast %get3A_557 : vector<1x1x16xf32> to vector<16xf32>
        %mul3A_559 = arith.mulf %get3A_552, %get3A_558 : vector<16xf32>
        %get3A_560 = arith.constant 0 : i32
        %get3A_561 = arith.index_cast %get3A_560 : i32 to index
        %get3A_562 = arith.index_cast %add3A_507 : i32 to index
        %get3A_563 = arith.constant 64 : index
        %get3A_564 = tpu.vector_load %arg9[%get3A_561, %get3A_562, %get3A_563] {strides = array<i32>} : memref<2x64x128xf32, #tpu.memory_space<vmem>>, vector<1x1x16xf32>,
        %get3A_565 = vector.shape_cast %get3A_564 : vector<1x1x16xf32> to vector<16xf32>
        %get3A_566 = arith.constant 0 : i32
        %get3A_567 = arith.index_cast %get3A_566 : i32 to index
        %get3A_568 = arith.index_cast %add3A_507 : i32 to index
        %get3A_569 = arith.constant 64 : index
        %get3A_570 = tpu.vector_load %arg10[%get3A_567, %get3A_568, %get3A_569] {strides = array<i32>} : memref<2x64x128xf32, #tpu.memory_space<vmem>>, vector<1x1x16xf32>,
        %get3A_571 = vector.shape_cast %get3A_570 : vector<1x1x16xf32> to vector<16xf32>
        %mul3A_572 = arith.mulf %get3A_565, %get3A_571 : vector<16xf32>
        %get3A_573 = arith.constant 0 : i32
        %get3A_574 = arith.index_cast %get3A_573 : i32 to index
        %get3A_575 = arith.index_cast %add3A_507 : i32 to index
        %get3A_576 = arith.constant 80 : index
        %get3A_577 = tpu.vector_load %arg9[%get3A_574, %get3A_575, %get3A_576] {strides = array<i32>} : memref<2x64x128xf32, #tpu.memory_space<vmem>>, vector<1x1x16xf32>,
        %get3A_578 = vector.shape_cast %get3A_577 : vector<1x1x16xf32> to vector<16xf32>
        %get3A_579 = arith.constant 0 : i32
        %get3A_580 = arith.index_cast %get3A_579 : i32 to index
        %get3A_581 = arith.index_cast %add3A_507 : i32 to index
        %get3A_582 = arith.constant 80 : index
        %get3A_583 = tpu.vector_load %arg10[%get3A_580, %get3A_581, %get3A_582] {strides = array<i32>} : memref<2x64x128xf32, #tpu.memory_space<vmem>>, vector<1x1x16xf32>,
        %get3A_584 = vector.shape_cast %get3A_583 : vector<1x1x16xf32> to vector<16xf32>
        %mul3A_585 = arith.mulf %get3A_578, %get3A_584 : vector<16xf32>
        %get3A_586 = arith.constant 0 : i32
        %get3A_587 = arith.index_cast %get3A_586 : i32 to index
        %get3A_588 = arith.index_cast %add3A_507 : i32 to index
        %get3A_589 = arith.constant 96 : index
        %get3A_590 = tpu.vector_load %arg9[%get3A_587, %get3A_588, %get3A_589] {strides = array<i32>} : memref<2x64x128xf32, #tpu.memory_space<vmem>>, vector<1x1x16xf32>,
        %get3A_591 = vector.shape_cast %get3A_590 : vector<1x1x16xf32> to vector<16xf32>
        %get3A_592 = arith.constant 0 : i32
        %get3A_593 = arith.index_cast %get3A_592 : i32 to index
        %get3A_594 = arith.index_cast %add3A_507 : i32 to index
        %get3A_595 = arith.constant 96 : index
        %get3A_596 = tpu.vector_load %arg10[%get3A_593, %get3A_594, %get3A_595] {strides = array<i32>} : memref<2x64x128xf32, #tpu.memory_space<vmem>>, vector<1x1x16xf32>,
        %get3A_597 = vector.shape_cast %get3A_596 : vector<1x1x16xf32> to vector<16xf32>
        %mul3A_598 = arith.mulf %get3A_591, %get3A_597 : vector<16xf32>
        %get3A_599 = arith.constant 0 : i32
        %get3A_600 = arith.index_cast %get3A_599 : i32 to index
        %get3A_601 = arith.index_cast %add3A_507 : i32 to index
        %get3A_602 = arith.constant 112 : index
        %get3A_603 = tpu.vector_load %arg9[%get3A_600, %get3A_601, %get3A_602] {strides = array<i32>} : memref<2x64x128xf32, #tpu.memory_space<vmem>>, vector<1x1x16xf32>,
        %get3A_604 = vector.shape_cast %get3A_603 : vector<1x1x16xf32> to vector<16xf32>
        %get3A_605 = arith.constant 0 : i32
        %get3A_606 = arith.index_cast %get3A_605 : i32 to index
        %get3A_607 = arith.index_cast %add3A_507 : i32 to index
        %get3A_608 = arith.constant 112 : index
        %get3A_609 = tpu.vector_load %arg10[%get3A_606, %get3A_607, %get3A_608] {strides = array<i32>} : memref<2x64x128xf32, #tpu.memory_space<vmem>>, vector<1x1x16xf32>,
        %get3A_610 = vector.shape_cast %get3A_609 : vector<1x1x16xf32> to vector<16xf32>
        %mul3A_611 = arith.mulf %get3A_604, %get3A_610 : vector<16xf32>
        %add3A_612 = arith.addf %mul3A_520, %mul3A_533 : vector<16xf32>
        %add3A_613 = arith.addf %mul3A_546, %mul3A_559 : vector<16xf32>
        %add3A_614 = arith.addf %mul3A_572, %mul3A_585 : vector<16xf32>
        %add3A_615 = arith.addf %mul3A_598, %mul3A_611 : vector<16xf32>
        %add3A_616 = arith.addf %add3A_612, %add3A_613 : vector<16xf32>
        %add3A_617 = arith.addf %add3A_614, %add3A_615 : vector<16xf32>
        %add3A_618 = arith.addf %add3A_616, %add3A_617 : vector<16xf32>
        %lt3A = arith.constant 0 : i32
        %lt3A_619 = vector.broadcast %lt3A : i32 to vector<16xi32>
        %lt3A_620 = arith.cmpi slt, %xor3A_10, %lt3A_619 : vector<16xi32>
        %add3A_621 = arith.constant 16 : i32
        %add3A_622 = vector.broadcast %add3A_621 : i32 to vector<16xi32>
        %add3A_623 = arith.addi %xor3A_10, %add3A_622 : vector<16xi32>
        %select_n3A = arith.select %lt3A_620, %add3A_623, %xor3A_10 : vector<16xi1>, vector<16xi32>
        %broadcast_in_dim3A_624 = vector.shape_cast %select_n3A : vector<16xi32> to vector<16x1xi32>
        %gather3A = vector.shape_cast %broadcast_in_dim3A_624 : vector<16x1xi32> to vector<16xi32>
        %gather3A_625 = tpu.dynamic_gather %add3A_279[%gather3A] in [0] : vector<16xf32>, vector<16xi32> -> vector<16xf32>
        %add3A_626 = arith.addf %add3A_279, %gather3A_625 : vector<16xf32>
        %lt3A_627 = arith.constant 0 : i32
        %lt3A_628 = vector.broadcast %lt3A_627 : i32 to vector<16xi32>
        %lt3A_629 = arith.cmpi slt, %xor3A_10, %lt3A_628 : vector<16xi32>
        %add3A_630 = arith.constant 16 : i32
        %add3A_631 = vector.broadcast %add3A_630 : i32 to vector<16xi32>
        %add3A_632 = arith.addi %xor3A_10, %add3A_631 : vector<16xi32>
        %select_n3A_633 = arith.select %lt3A_629, %add3A_632, %xor3A_10 : vector<16xi1>, vector<16xi32>
        %broadcast_in_dim3A_634 = vector.shape_cast %select_n3A_633 : vector<16xi32> to vector<16x1xi32>
        %gather3A_635 = vector.shape_cast %broadcast_in_dim3A_634 : vector<16x1xi32> to vector<16xi32>
        %gather3A_636 = tpu.dynamic_gather %add3A_392[%gather3A_635] in [0] : vector<16xf32>, vector<16xi32> -> vector<16xf32>
        %add3A_637 = arith.addf %add3A_392, %gather3A_636 : vector<16xf32>
        %select_n3A_638 = arith.select %eq3A_23, %add3A_626, %add3A_637 : vector<16xi1>, vector<16xf32>
        %lt3A_639 = arith.constant 0 : i32
        %lt3A_640 = vector.broadcast %lt3A_639 : i32 to vector<16xi32>
        %lt3A_641 = arith.cmpi slt, %xor3A_10, %lt3A_640 : vector<16xi32>
        %add3A_642 = arith.constant 16 : i32
        %add3A_643 = vector.broadcast %add3A_642 : i32 to vector<16xi32>
        %add3A_644 = arith.addi %xor3A_10, %add3A_643 : vector<16xi32>
        %select_n3A_645 = arith.select %lt3A_641, %add3A_644, %xor3A_10 : vector<16xi1>, vector<16xi32>
        %broadcast_in_dim3A_646 = vector.shape_cast %select_n3A_645 : vector<16xi32> to vector<16x1xi32>
        %gather3A_647 = vector.shape_cast %broadcast_in_dim3A_646 : vector<16x1xi32> to vector<16xi32>
        %gather3A_648 = tpu.dynamic_gather %add3A_505[%gather3A_647] in [0] : vector<16xf32>, vector<16xi32> -> vector<16xf32>
        %add3A_649 = arith.addf %add3A_505, %gather3A_648 : vector<16xf32>
        %lt3A_650 = arith.constant 0 : i32
        %lt3A_651 = vector.broadcast %lt3A_650 : i32 to vector<16xi32>
        %lt3A_652 = arith.cmpi slt, %xor3A_10, %lt3A_651 : vector<16xi32>
        %add3A_653 = arith.constant 16 : i32
        %add3A_654 = vector.broadcast %add3A_653 : i32 to vector<16xi32>
        %add3A_655 = arith.addi %xor3A_10, %add3A_654 : vector<16xi32>
        %select_n3A_656 = arith.select %lt3A_652, %add3A_655, %xor3A_10 : vector<16xi1>, vector<16xi32>
        %broadcast_in_dim3A_657 = vector.shape_cast %select_n3A_656 : vector<16xi32> to vector<16x1xi32>
        %gather3A_658 = vector.shape_cast %broadcast_in_dim3A_657 : vector<16x1xi32> to vector<16xi32>
        %gather3A_659 = tpu.dynamic_gather %add3A_618[%gather3A_658] in [0] : vector<16xf32>, vector<16xi32> -> vector<16xf32>
        %add3A_660 = arith.addf %add3A_618, %gather3A_659 : vector<16xf32>
        %select_n3A_661 = arith.select %eq3A_23, %add3A_649, %add3A_660 : vector<16xi1>, vector<16xf32>
        %lt3A_662 = arith.constant 0 : i32
        %lt3A_663 = vector.broadcast %lt3A_662 : i32 to vector<16xi32>
        %lt3A_664 = arith.cmpi slt, %xor3A_13, %lt3A_663 : vector<16xi32>
        %add3A_665 = arith.constant 16 : i32
        %add3A_666 = vector.broadcast %add3A_665 : i32 to vector<16xi32>
        %add3A_667 = arith.addi %xor3A_13, %add3A_666 : vector<16xi32>
        %select_n3A_668 = arith.select %lt3A_664, %add3A_667, %xor3A_13 : vector<16xi1>, vector<16xi32>
        %broadcast_in_dim3A_669 = vector.shape_cast %select_n3A_668 : vector<16xi32> to vector<16x1xi32>
        %gather3A_670 = vector.shape_cast %broadcast_in_dim3A_669 : vector<16x1xi32> to vector<16xi32>
        %gather3A_671 = tpu.dynamic_gather %select_n3A_638[%gather3A_670] in [0] : vector<16xf32>, vector<16xi32> -> vector<16xf32>
        %add3A_672 = arith.addf %select_n3A_638, %gather3A_671 : vector<16xf32>
        %lt3A_673 = arith.constant 0 : i32
        %lt3A_674 = vector.broadcast %lt3A_673 : i32 to vector<16xi32>
        %lt3A_675 = arith.cmpi slt, %xor3A_13, %lt3A_674 : vector<16xi32>
        %add3A_676 = arith.constant 16 : i32
        %add3A_677 = vector.broadcast %add3A_676 : i32 to vector<16xi32>
        %add3A_678 = arith.addi %xor3A_13, %add3A_677 : vector<16xi32>
        %select_n3A_679 = arith.select %lt3A_675, %add3A_678, %xor3A_13 : vector<16xi1>, vector<16xi32>
        %broadcast_in_dim3A_680 = vector.shape_cast %select_n3A_679 : vector<16xi32> to vector<16x1xi32>
        %gather3A_681 = vector.shape_cast %broadcast_in_dim3A_680 : vector<16x1xi32> to vector<16xi32>
        %gather3A_682 = tpu.dynamic_gather %select_n3A_661[%gather3A_681] in [0] : vector<16xf32>, vector<16xi32> -> vector<16xf32>
        %add3A_683 = arith.addf %select_n3A_661, %gather3A_682 : vector<16xf32>
        %select_n3A_684 = arith.select %eq3A_29, %add3A_672, %add3A_683 : vector<16xi1>, vector<16xf32>
        %lt3A_685 = arith.constant 0 : i32
        %lt3A_686 = vector.broadcast %lt3A_685 : i32 to vector<16xi32>
        %lt3A_687 = arith.cmpi slt, %xor3A_16, %lt3A_686 : vector<16xi32>
        %add3A_688 = arith.constant 16 : i32
        %add3A_689 = vector.broadcast %add3A_688 : i32 to vector<16xi32>
        %add3A_690 = arith.addi %xor3A_16, %add3A_689 : vector<16xi32>
        %select_n3A_691 = arith.select %lt3A_687, %add3A_690, %xor3A_16 : vector<16xi1>, vector<16xi32>
        %broadcast_in_dim3A_692 = vector.shape_cast %select_n3A_691 : vector<16xi32> to vector<16x1xi32>
        %gather3A_693 = vector.shape_cast %broadcast_in_dim3A_692 : vector<16x1xi32> to vector<16xi32>
        %gather3A_694 = tpu.dynamic_gather %select_n3A_684[%gather3A_693] in [0] : vector<16xf32>, vector<16xi32> -> vector<16xf32>
        %add3A_695 = arith.addf %select_n3A_684, %gather3A_694 : vector<16xf32>
        %lt3A_696 = arith.constant 0 : i32
        %lt3A_697 = vector.broadcast %lt3A_696 : i32 to vector<16xi32>
        %lt3A_698 = arith.cmpi slt, %xor3A_19, %lt3A_697 : vector<16xi32>
        %add3A_699 = arith.constant 16 : i32
        %add3A_700 = vector.broadcast %add3A_699 : i32 to vector<16xi32>
        %add3A_701 = arith.addi %xor3A_19, %add3A_700 : vector<16xi32>
        %select_n3A_702 = arith.select %lt3A_698, %add3A_701, %xor3A_19 : vector<16xi1>, vector<16xi32>
        %broadcast_in_dim3A_703 = vector.shape_cast %select_n3A_702 : vector<16xi32> to vector<16x1xi32>
        %gather3A_704 = vector.shape_cast %broadcast_in_dim3A_703 : vector<16x1xi32> to vector<16xi32>
        %gather3A_705 = tpu.dynamic_gather %add3A_695[%gather3A_704] in [0] : vector<16xf32>, vector<16xi32> -> vector<16xf32>
        %add3A_706 = arith.addf %add3A_695, %gather3A_705 : vector<16xf32>
        %eq3A_707 = vector.broadcast %add3A_162 : i32 to vector<16xi32>
        %eq3A_708 = arith.cmpi eq, %shift_right_arithmetic3A_43, %eq3A_707 : vector<16xi32>
        %select_n3A_709 = arith.select %eq3A_708, %add3A_706, %scan3A_158 : vector<16xi1>, vector<16xf32>
        scf.yield %select_n3A_709 : vector<16xf32>
      }
      %scan3A_149 = arith.constant 4 : i32
      %mul3A_150 = arith.constant 16 : i32
      %mul3A_151 = arith.muli %add3A_142, %mul3A_150 : i32
      %add3A_152 = arith.constant 384 : i32
      %add3A_153 = arith.addi %add3A_152, %mul3A_151 : i32
      %swap3A = arith.index_cast %add3A_153 : i32 to index
      %swap3A_154 = tpu.vector_load %arg11[%swap3A] {strides = array<i32>} : memref<512xf32, #tpu.memory_space<vmem>>, vector<16xf32>,
      %swap3A_155 = vector.shape_cast %swap3A_154 : vector<16xf32> to vector<16xf32>
      %swap3A_156 = vector.shape_cast %scan3A_148 : vector<16xf32> to vector<16xf32>
      tpu.vector_store %arg11[%swap3A], %swap3A_156 {strides = array<i32>} : memref<512xf32, #tpu.memory_space<vmem>>, vector<16xf32>,
    }
    %scan3A_112 = arith.constant 4 : i32
    %dma_wait3A_113 = arith.constant 1 : i32
    %dma_wait3A_114 = arith.constant 0 : i32
    %dma_wait3A_115 = arith.constant 0 : i32
    %dma_wait3A_116 = tpu.memref_slice %arg9[%dma_wait3A_113, %dma_wait3A_114, %dma_wait3A_115] : memref<2x64x128xf32, #tpu.memory_space<vmem>> -> memref<1x64x128xf32, #tpu.memory_space<vmem>>
    %dma_wait3A_117 = tpu.memref_squeeze %dma_wait3A_116 : memref<1x64x128xf32, #tpu.memory_space<vmem>> -> memref<64x128xf32, #tpu.memory_space<vmem>>
    %dma_wait3A_118 = arith.constant 0 : i32
    %dma_wait3A_119 = tpu.memref_slice %arg7[%dma_wait3A_118] : memref<512xi32, #tpu.memory_space<vmem>> -> memref<64xi32, #tpu.memory_space<vmem>>
    %dma_wait3A_120 = arith.constant 0 : i32
    %dma_wait3A_121 = arith.constant 0 : i32
    %dma_wait3A_122 = tpu.memref_slice %arg4[%dma_wait3A_120, %dma_wait3A_121] : memref<1000000x128xf32, #tpu.memory_space<hbm>> -> memref<1000000x128xf32, #tpu.memory_space<hbm>>
    tpu.wait_indirect_dma semaphore(%arg13 : memref<!tpu.dma_semaphore, #tpu.memory_space<semaphore_mem>>) src(%dma_wait3A_122 : memref<1000000x128xf32, #tpu.memory_space<hbm>>) dst(%dma_wait3A_117 : memref<64x128xf32, #tpu.memory_space<vmem>>)
    %dma_wait3A_123 = arith.constant 1 : i32
    %dma_wait3A_124 = arith.constant 0 : i32
    %dma_wait3A_125 = arith.constant 0 : i32
    %dma_wait3A_126 = tpu.memref_slice %arg10[%dma_wait3A_123, %dma_wait3A_124, %dma_wait3A_125] : memref<2x64x128xf32, #tpu.memory_space<vmem>> -> memref<1x64x128xf32, #tpu.memory_space<vmem>>
    %dma_wait3A_127 = tpu.memref_squeeze %dma_wait3A_126 : memref<1x64x128xf32, #tpu.memory_space<vmem>> -> memref<64x128xf32, #tpu.memory_space<vmem>>
    %dma_wait3A_128 = arith.constant 0 : i32
    %dma_wait3A_129 = tpu.memref_slice %arg8[%dma_wait3A_128] : memref<512xi32, #tpu.memory_space<vmem>> -> memref<64xi32, #tpu.memory_space<vmem>>
    %dma_wait3A_130 = arith.constant 0 : i32
    %dma_wait3A_131 = arith.constant 0 : i32
    %dma_wait3A_132 = tpu.memref_slice %arg5[%dma_wait3A_130, %dma_wait3A_131] : memref<1000000x128xf32, #tpu.memory_space<hbm>> -> memref<1000000x128xf32, #tpu.memory_space<hbm>>
    tpu.wait_indirect_dma semaphore(%arg15 : memref<!tpu.dma_semaphore, #tpu.memory_space<semaphore_mem>>) src(%dma_wait3A_132 : memref<1000000x128xf32, #tpu.memory_space<hbm>>) dst(%dma_wait3A_127 : memref<64x128xf32, #tpu.memory_space<vmem>>)
    %scan3A_133 = arith.constant 0 : i32
    %scan3A_134 = arith.constant 4 : i32
    %scan3A_135 = arith.addi %scan3A_133, %scan3A_134 : i32
    %scan3A_136 = arith.constant 1 : i32
    scf.for %scan3A_138 = %scan3A_133 to %scan3A_135 step %scan3A_136  : i32 {
      %mul3A_139 = arith.constant 1 : i32
      %mul3A_140 = arith.muli %scan3A_138, %mul3A_139 : i32
      %add3A_141 = arith.constant 0 : i32
      %add3A_142 = arith.addi %add3A_141, %mul3A_140 : i32
      %broadcast_in_dim3A = arith.constant 0.000000e+00 : f32
      %broadcast_in_dim3A_143 = vector.broadcast %broadcast_in_dim3A : f32 to vector<16xf32>
      %scan3A_144 = arith.constant 0 : i32
      %scan3A_145 = arith.constant 4 : i32
      %scan3A_146 = arith.addi %scan3A_144, %scan3A_145 : i32
      %scan3A_147 = arith.constant 1 : i32
      %scan3A_148 = scf.for %scan3A_157 = %scan3A_144 to %scan3A_146 step %scan3A_147 iter_args(%scan3A_158 = %broadcast_in_dim3A_143) -> (vector<16xf32>)  : i32 {
        %mul3A_159 = arith.constant 1 : i32
        %mul3A_160 = arith.muli %scan3A_157, %mul3A_159 : i32
        %add3A_161 = arith.constant 0 : i32
        %add3A_162 = arith.addi %add3A_161, %mul3A_160 : i32
        %mul3A_163 = arith.constant 16 : i32
        %mul3A_164 = arith.muli %add3A_142, %mul3A_163 : i32
        %mul3A_165 = arith.constant 4 : i32
        %mul3A_166 = arith.muli %add3A_162, %mul3A_165 : i32
        %add3A_167 = arith.addi %mul3A_164, %mul3A_166 : i32
        %add3A_168 = arith.constant 0 : i32
        %add3A_169 = arith.addi %add3A_167, %add3A_168 : i32
        %get3A = arith.constant 1 : i32
        %get3A_170 = arith.index_cast %get3A : i32 to index
        %get3A_171 = arith.index_cast %add3A_169 : i32 to index
        %get3A_172 = arith.constant 0 : index
        %get3A_173 = tpu.vector_load %arg9[%get3A_170, %get3A_171, %get3A_172] {strides = array<i32>} : memref<2x64x128xf32, #tpu.memory_space<vmem>>, vector<1x1x16xf32>,
        %get3A_174 = vector.shape_cast %get3A_173 : vector<1x1x16xf32> to vector<16xf32>
        %get3A_175 = arith.constant 1 : i32
        %get3A_176 = arith.index_cast %get3A_175 : i32 to index
        %get3A_177 = arith.index_cast %add3A_169 : i32 to index
        %get3A_178 = arith.constant 0 : index
        %get3A_179 = tpu.vector_load %arg10[%get3A_176, %get3A_177, %get3A_178] {strides = array<i32>} : memref<2x64x128xf32, #tpu.memory_space<vmem>>, vector<1x1x16xf32>,
        %get3A_180 = vector.shape_cast %get3A_179 : vector<1x1x16xf32> to vector<16xf32>
        %mul3A_181 = arith.mulf %get3A_174, %get3A_180 : vector<16xf32>
        %get3A_182 = arith.constant 1 : i32
        %get3A_183 = arith.index_cast %get3A_182 : i32 to index
        %get3A_184 = arith.index_cast %add3A_169 : i32 to index
        %get3A_185 = arith.constant 16 : index
        %get3A_186 = tpu.vector_load %arg9[%get3A_183, %get3A_184, %get3A_185] {strides = array<i32>} : memref<2x64x128xf32, #tpu.memory_space<vmem>>, vector<1x1x16xf32>,
        %get3A_187 = vector.shape_cast %get3A_186 : vector<1x1x16xf32> to vector<16xf32>
        %get3A_188 = arith.constant 1 : i32
        %get3A_189 = arith.index_cast %get3A_188 : i32 to index
        %get3A_190 = arith.index_cast %add3A_169 : i32 to index
        %get3A_191 = arith.constant 16 : index
        %get3A_192 = tpu.vector_load %arg10[%get3A_189, %get3A_190, %get3A_191] {strides = array<i32>} : memref<2x64x128xf32, #tpu.memory_space<vmem>>, vector<1x1x16xf32>,
        %get3A_193 = vector.shape_cast %get3A_192 : vector<1x1x16xf32> to vector<16xf32>
        %mul3A_194 = arith.mulf %get3A_187, %get3A_193 : vector<16xf32>
        %get3A_195 = arith.constant 1 : i32
        %get3A_196 = arith.index_cast %get3A_195 : i32 to index
        %get3A_197 = arith.index_cast %add3A_169 : i32 to index
        %get3A_198 = arith.constant 32 : index
        %get3A_199 = tpu.vector_load %arg9[%get3A_196, %get3A_197, %get3A_198] {strides = array<i32>} : memref<2x64x128xf32, #tpu.memory_space<vmem>>, vector<1x1x16xf32>,
        %get3A_200 = vector.shape_cast %get3A_199 : vector<1x1x16xf32> to vector<16xf32>
        %get3A_201 = arith.constant 1 : i32
        %get3A_202 = arith.index_cast %get3A_201 : i32 to index
        %get3A_203 = arith.index_cast %add3A_169 : i32 to index
        %get3A_204 = arith.constant 32 : index
        %get3A_205 = tpu.vector_load %arg10[%get3A_202, %get3A_203, %get3A_204] {strides = array<i32>} : memref<2x64x128xf32, #tpu.memory_space<vmem>>, vector<1x1x16xf32>,
        %get3A_206 = vector.shape_cast %get3A_205 : vector<1x1x16xf32> to vector<16xf32>
        %mul3A_207 = arith.mulf %get3A_200, %get3A_206 : vector<16xf32>
        %get3A_208 = arith.constant 1 : i32
        %get3A_209 = arith.index_cast %get3A_208 : i32 to index
        %get3A_210 = arith.index_cast %add3A_169 : i32 to index
        %get3A_211 = arith.constant 48 : index
        %get3A_212 = tpu.vector_load %arg9[%get3A_209, %get3A_210, %get3A_211] {strides = array<i32>} : memref<2x64x128xf32, #tpu.memory_space<vmem>>, vector<1x1x16xf32>,
        %get3A_213 = vector.shape_cast %get3A_212 : vector<1x1x16xf32> to vector<16xf32>
        %get3A_214 = arith.constant 1 : i32
        %get3A_215 = arith.index_cast %get3A_214 : i32 to index
        %get3A_216 = arith.index_cast %add3A_169 : i32 to index
        %get3A_217 = arith.constant 48 : index
        %get3A_218 = tpu.vector_load %arg10[%get3A_215, %get3A_216, %get3A_217] {strides = array<i32>} : memref<2x64x128xf32, #tpu.memory_space<vmem>>, vector<1x1x16xf32>,
        %get3A_219 = vector.shape_cast %get3A_218 : vector<1x1x16xf32> to vector<16xf32>
        %mul3A_220 = arith.mulf %get3A_213, %get3A_219 : vector<16xf32>
        %get3A_221 = arith.constant 1 : i32
        %get3A_222 = arith.index_cast %get3A_221 : i32 to index
        %get3A_223 = arith.index_cast %add3A_169 : i32 to index
        %get3A_224 = arith.constant 64 : index
        %get3A_225 = tpu.vector_load %arg9[%get3A_222, %get3A_223, %get3A_224] {strides = array<i32>} : memref<2x64x128xf32, #tpu.memory_space<vmem>>, vector<1x1x16xf32>,
        %get3A_226 = vector.shape_cast %get3A_225 : vector<1x1x16xf32> to vector<16xf32>
        %get3A_227 = arith.constant 1 : i32
        %get3A_228 = arith.index_cast %get3A_227 : i32 to index
        %get3A_229 = arith.index_cast %add3A_169 : i32 to index
        %get3A_230 = arith.constant 64 : index
        %get3A_231 = tpu.vector_load %arg10[%get3A_228, %get3A_229, %get3A_230] {strides = array<i32>} : memref<2x64x128xf32, #tpu.memory_space<vmem>>, vector<1x1x16xf32>,
        %get3A_232 = vector.shape_cast %get3A_231 : vector<1x1x16xf32> to vector<16xf32>
        %mul3A_233 = arith.mulf %get3A_226, %get3A_232 : vector<16xf32>
        %get3A_234 = arith.constant 1 : i32
        %get3A_235 = arith.index_cast %get3A_234 : i32 to index
        %get3A_236 = arith.index_cast %add3A_169 : i32 to index
        %get3A_237 = arith.constant 80 : index
        %get3A_238 = tpu.vector_load %arg9[%get3A_235, %get3A_236, %get3A_237] {strides = array<i32>} : memref<2x64x128xf32, #tpu.memory_space<vmem>>, vector<1x1x16xf32>,
        %get3A_239 = vector.shape_cast %get3A_238 : vector<1x1x16xf32> to vector<16xf32>
        %get3A_240 = arith.constant 1 : i32
        %get3A_241 = arith.index_cast %get3A_240 : i32 to index
        %get3A_242 = arith.index_cast %add3A_169 : i32 to index
        %get3A_243 = arith.constant 80 : index
        %get3A_244 = tpu.vector_load %arg10[%get3A_241, %get3A_242, %get3A_243] {strides = array<i32>} : memref<2x64x128xf32, #tpu.memory_space<vmem>>, vector<1x1x16xf32>,
        %get3A_245 = vector.shape_cast %get3A_244 : vector<1x1x16xf32> to vector<16xf32>
        %mul3A_246 = arith.mulf %get3A_239, %get3A_245 : vector<16xf32>
        %get3A_247 = arith.constant 1 : i32
        %get3A_248 = arith.index_cast %get3A_247 : i32 to index
        %get3A_249 = arith.index_cast %add3A_169 : i32 to index
        %get3A_250 = arith.constant 96 : index
        %get3A_251 = tpu.vector_load %arg9[%get3A_248, %get3A_249, %get3A_250] {strides = array<i32>} : memref<2x64x128xf32, #tpu.memory_space<vmem>>, vector<1x1x16xf32>,
        %get3A_252 = vector.shape_cast %get3A_251 : vector<1x1x16xf32> to vector<16xf32>
        %get3A_253 = arith.constant 1 : i32
        %get3A_254 = arith.index_cast %get3A_253 : i32 to index
        %get3A_255 = arith.index_cast %add3A_169 : i32 to index
        %get3A_256 = arith.constant 96 : index
        %get3A_257 = tpu.vector_load %arg10[%get3A_254, %get3A_255, %get3A_256] {strides = array<i32>} : memref<2x64x128xf32, #tpu.memory_space<vmem>>, vector<1x1x16xf32>,
        %get3A_258 = vector.shape_cast %get3A_257 : vector<1x1x16xf32> to vector<16xf32>
        %mul3A_259 = arith.mulf %get3A_252, %get3A_258 : vector<16xf32>
        %get3A_260 = arith.constant 1 : i32
        %get3A_261 = arith.index_cast %get3A_260 : i32 to index
        %get3A_262 = arith.index_cast %add3A_169 : i32 to index
        %get3A_263 = arith.constant 112 : index
        %get3A_264 = tpu.vector_load %arg9[%get3A_261, %get3A_262, %get3A_263] {strides = array<i32>} : memref<2x64x128xf32, #tpu.memory_space<vmem>>, vector<1x1x16xf32>,
        %get3A_265 = vector.shape_cast %get3A_264 : vector<1x1x16xf32> to vector<16xf32>
        %get3A_266 = arith.constant 1 : i32
        %get3A_267 = arith.index_cast %get3A_266 : i32 to index
        %get3A_268 = arith.index_cast %add3A_169 : i32 to index
        %get3A_269 = arith.constant 112 : index
        %get3A_270 = tpu.vector_load %arg10[%get3A_267, %get3A_268, %get3A_269] {strides = array<i32>} : memref<2x64x128xf32, #tpu.memory_space<vmem>>, vector<1x1x16xf32>,
        %get3A_271 = vector.shape_cast %get3A_270 : vector<1x1x16xf32> to vector<16xf32>
        %mul3A_272 = arith.mulf %get3A_265, %get3A_271 : vector<16xf32>
        %add3A_273 = arith.addf %mul3A_181, %mul3A_194 : vector<16xf32>
        %add3A_274 = arith.addf %mul3A_207, %mul3A_220 : vector<16xf32>
        %add3A_275 = arith.addf %mul3A_233, %mul3A_246 : vector<16xf32>
        %add3A_276 = arith.addf %mul3A_259, %mul3A_272 : vector<16xf32>
        %add3A_277 = arith.addf %add3A_273, %add3A_274 : vector<16xf32>
        %add3A_278 = arith.addf %add3A_275, %add3A_276 : vector<16xf32>
        %add3A_279 = arith.addf %add3A_277, %add3A_278 : vector<16xf32>
        %add3A_280 = arith.constant 1 : i32
        %add3A_281 = arith.addi %add3A_167, %add3A_280 : i32
        %get3A_282 = arith.constant 1 : i32
        %get3A_283 = arith.index_cast %get3A_282 : i32 to index
        %get3A_284 = arith.index_cast %add3A_281 : i32 to index
        %get3A_285 = arith.constant 0 : index
        %get3A_286 = tpu.vector_load %arg9[%get3A_283, %get3A_284, %get3A_285] {strides = array<i32>} : memref<2x64x128xf32, #tpu.memory_space<vmem>>, vector<1x1x16xf32>,
        %get3A_287 = vector.shape_cast %get3A_286 : vector<1x1x16xf32> to vector<16xf32>
        %get3A_288 = arith.constant 1 : i32
        %get3A_289 = arith.index_cast %get3A_288 : i32 to index
        %get3A_290 = arith.index_cast %add3A_281 : i32 to index
        %get3A_291 = arith.constant 0 : index
        %get3A_292 = tpu.vector_load %arg10[%get3A_289, %get3A_290, %get3A_291] {strides = array<i32>} : memref<2x64x128xf32, #tpu.memory_space<vmem>>, vector<1x1x16xf32>,
        %get3A_293 = vector.shape_cast %get3A_292 : vector<1x1x16xf32> to vector<16xf32>
        %mul3A_294 = arith.mulf %get3A_287, %get3A_293 : vector<16xf32>
        %get3A_295 = arith.constant 1 : i32
        %get3A_296 = arith.index_cast %get3A_295 : i32 to index
        %get3A_297 = arith.index_cast %add3A_281 : i32 to index
        %get3A_298 = arith.constant 16 : index
        %get3A_299 = tpu.vector_load %arg9[%get3A_296, %get3A_297, %get3A_298] {strides = array<i32>} : memref<2x64x128xf32, #tpu.memory_space<vmem>>, vector<1x1x16xf32>,
        %get3A_300 = vector.shape_cast %get3A_299 : vector<1x1x16xf32> to vector<16xf32>
        %get3A_301 = arith.constant 1 : i32
        %get3A_302 = arith.index_cast %get3A_301 : i32 to index
        %get3A_303 = arith.index_cast %add3A_281 : i32 to index
        %get3A_304 = arith.constant 16 : index
        %get3A_305 = tpu.vector_load %arg10[%get3A_302, %get3A_303, %get3A_304] {strides = array<i32>} : memref<2x64x128xf32, #tpu.memory_space<vmem>>, vector<1x1x16xf32>,
        %get3A_306 = vector.shape_cast %get3A_305 : vector<1x1x16xf32> to vector<16xf32>
        %mul3A_307 = arith.mulf %get3A_300, %get3A_306 : vector<16xf32>
        %get3A_308 = arith.constant 1 : i32
        %get3A_309 = arith.index_cast %get3A_308 : i32 to index
        %get3A_310 = arith.index_cast %add3A_281 : i32 to index
        %get3A_311 = arith.constant 32 : index
        %get3A_312 = tpu.vector_load %arg9[%get3A_309, %get3A_310, %get3A_311] {strides = array<i32>} : memref<2x64x128xf32, #tpu.memory_space<vmem>>, vector<1x1x16xf32>,
        %get3A_313 = vector.shape_cast %get3A_312 : vector<1x1x16xf32> to vector<16xf32>
        %get3A_314 = arith.constant 1 : i32
        %get3A_315 = arith.index_cast %get3A_314 : i32 to index
        %get3A_316 = arith.index_cast %add3A_281 : i32 to index
        %get3A_317 = arith.constant 32 : index
        %get3A_318 = tpu.vector_load %arg10[%get3A_315, %get3A_316, %get3A_317] {strides = array<i32>} : memref<2x64x128xf32, #tpu.memory_space<vmem>>, vector<1x1x16xf32>,
        %get3A_319 = vector.shape_cast %get3A_318 : vector<1x1x16xf32> to vector<16xf32>
        %mul3A_320 = arith.mulf %get3A_313, %get3A_319 : vector<16xf32>
        %get3A_321 = arith.constant 1 : i32
        %get3A_322 = arith.index_cast %get3A_321 : i32 to index
        %get3A_323 = arith.index_cast %add3A_281 : i32 to index
        %get3A_324 = arith.constant 48 : index
        %get3A_325 = tpu.vector_load %arg9[%get3A_322, %get3A_323, %get3A_324] {strides = array<i32>} : memref<2x64x128xf32, #tpu.memory_space<vmem>>, vector<1x1x16xf32>,
        %get3A_326 = vector.shape_cast %get3A_325 : vector<1x1x16xf32> to vector<16xf32>
        %get3A_327 = arith.constant 1 : i32
        %get3A_328 = arith.index_cast %get3A_327 : i32 to index
        %get3A_329 = arith.index_cast %add3A_281 : i32 to index
        %get3A_330 = arith.constant 48 : index
        %get3A_331 = tpu.vector_load %arg10[%get3A_328, %get3A_329, %get3A_330] {strides = array<i32>} : memref<2x64x128xf32, #tpu.memory_space<vmem>>, vector<1x1x16xf32>,
        %get3A_332 = vector.shape_cast %get3A_331 : vector<1x1x16xf32> to vector<16xf32>
        %mul3A_333 = arith.mulf %get3A_326, %get3A_332 : vector<16xf32>
        %get3A_334 = arith.constant 1 : i32
        %get3A_335 = arith.index_cast %get3A_334 : i32 to index
        %get3A_336 = arith.index_cast %add3A_281 : i32 to index
        %get3A_337 = arith.constant 64 : index
        %get3A_338 = tpu.vector_load %arg9[%get3A_335, %get3A_336, %get3A_337] {strides = array<i32>} : memref<2x64x128xf32, #tpu.memory_space<vmem>>, vector<1x1x16xf32>,
        %get3A_339 = vector.shape_cast %get3A_338 : vector<1x1x16xf32> to vector<16xf32>
        %get3A_340 = arith.constant 1 : i32
        %get3A_341 = arith.index_cast %get3A_340 : i32 to index
        %get3A_342 = arith.index_cast %add3A_281 : i32 to index
        %get3A_343 = arith.constant 64 : index
        %get3A_344 = tpu.vector_load %arg10[%get3A_341, %get3A_342, %get3A_343] {strides = array<i32>} : memref<2x64x128xf32, #tpu.memory_space<vmem>>, vector<1x1x16xf32>,
        %get3A_345 = vector.shape_cast %get3A_344 : vector<1x1x16xf32> to vector<16xf32>
        %mul3A_346 = arith.mulf %get3A_339, %get3A_345 : vector<16xf32>
        %get3A_347 = arith.constant 1 : i32
        %get3A_348 = arith.index_cast %get3A_347 : i32 to index
        %get3A_349 = arith.index_cast %add3A_281 : i32 to index
        %get3A_350 = arith.constant 80 : index
        %get3A_351 = tpu.vector_load %arg9[%get3A_348, %get3A_349, %get3A_350] {strides = array<i32>} : memref<2x64x128xf32, #tpu.memory_space<vmem>>, vector<1x1x16xf32>,
        %get3A_352 = vector.shape_cast %get3A_351 : vector<1x1x16xf32> to vector<16xf32>
        %get3A_353 = arith.constant 1 : i32
        %get3A_354 = arith.index_cast %get3A_353 : i32 to index
        %get3A_355 = arith.index_cast %add3A_281 : i32 to index
        %get3A_356 = arith.constant 80 : index
        %get3A_357 = tpu.vector_load %arg10[%get3A_354, %get3A_355, %get3A_356] {strides = array<i32>} : memref<2x64x128xf32, #tpu.memory_space<vmem>>, vector<1x1x16xf32>,
        %get3A_358 = vector.shape_cast %get3A_357 : vector<1x1x16xf32> to vector<16xf32>
        %mul3A_359 = arith.mulf %get3A_352, %get3A_358 : vector<16xf32>
        %get3A_360 = arith.constant 1 : i32
        %get3A_361 = arith.index_cast %get3A_360 : i32 to index
        %get3A_362 = arith.index_cast %add3A_281 : i32 to index
        %get3A_363 = arith.constant 96 : index
        %get3A_364 = tpu.vector_load %arg9[%get3A_361, %get3A_362, %get3A_363] {strides = array<i32>} : memref<2x64x128xf32, #tpu.memory_space<vmem>>, vector<1x1x16xf32>,
        %get3A_365 = vector.shape_cast %get3A_364 : vector<1x1x16xf32> to vector<16xf32>
        %get3A_366 = arith.constant 1 : i32
        %get3A_367 = arith.index_cast %get3A_366 : i32 to index
        %get3A_368 = arith.index_cast %add3A_281 : i32 to index
        %get3A_369 = arith.constant 96 : index
        %get3A_370 = tpu.vector_load %arg10[%get3A_367, %get3A_368, %get3A_369] {strides = array<i32>} : memref<2x64x128xf32, #tpu.memory_space<vmem>>, vector<1x1x16xf32>,
        %get3A_371 = vector.shape_cast %get3A_370 : vector<1x1x16xf32> to vector<16xf32>
        %mul3A_372 = arith.mulf %get3A_365, %get3A_371 : vector<16xf32>
        %get3A_373 = arith.constant 1 : i32
        %get3A_374 = arith.index_cast %get3A_373 : i32 to index
        %get3A_375 = arith.index_cast %add3A_281 : i32 to index
        %get3A_376 = arith.constant 112 : index
        %get3A_377 = tpu.vector_load %arg9[%get3A_374, %get3A_375, %get3A_376] {strides = array<i32>} : memref<2x64x128xf32, #tpu.memory_space<vmem>>, vector<1x1x16xf32>,
        %get3A_378 = vector.shape_cast %get3A_377 : vector<1x1x16xf32> to vector<16xf32>
        %get3A_379 = arith.constant 1 : i32
        %get3A_380 = arith.index_cast %get3A_379 : i32 to index
        %get3A_381 = arith.index_cast %add3A_281 : i32 to index
        %get3A_382 = arith.constant 112 : index
        %get3A_383 = tpu.vector_load %arg10[%get3A_380, %get3A_381, %get3A_382] {strides = array<i32>} : memref<2x64x128xf32, #tpu.memory_space<vmem>>, vector<1x1x16xf32>,
        %get3A_384 = vector.shape_cast %get3A_383 : vector<1x1x16xf32> to vector<16xf32>
        %mul3A_385 = arith.mulf %get3A_378, %get3A_384 : vector<16xf32>
        %add3A_386 = arith.addf %mul3A_294, %mul3A_307 : vector<16xf32>
        %add3A_387 = arith.addf %mul3A_320, %mul3A_333 : vector<16xf32>
        %add3A_388 = arith.addf %mul3A_346, %mul3A_359 : vector<16xf32>
        %add3A_389 = arith.addf %mul3A_372, %mul3A_385 : vector<16xf32>
        %add3A_390 = arith.addf %add3A_386, %add3A_387 : vector<16xf32>
        %add3A_391 = arith.addf %add3A_388, %add3A_389 : vector<16xf32>
        %add3A_392 = arith.addf %add3A_390, %add3A_391 : vector<16xf32>
        %add3A_393 = arith.constant 2 : i32
        %add3A_394 = arith.addi %add3A_167, %add3A_393 : i32
        %get3A_395 = arith.constant 1 : i32
        %get3A_396 = arith.index_cast %get3A_395 : i32 to index
        %get3A_397 = arith.index_cast %add3A_394 : i32 to index
        %get3A_398 = arith.constant 0 : index
        %get3A_399 = tpu.vector_load %arg9[%get3A_396, %get3A_397, %get3A_398] {strides = array<i32>} : memref<2x64x128xf32, #tpu.memory_space<vmem>>, vector<1x1x16xf32>,
        %get3A_400 = vector.shape_cast %get3A_399 : vector<1x1x16xf32> to vector<16xf32>
        %get3A_401 = arith.constant 1 : i32
        %get3A_402 = arith.index_cast %get3A_401 : i32 to index
        %get3A_403 = arith.index_cast %add3A_394 : i32 to index
        %get3A_404 = arith.constant 0 : index
        %get3A_405 = tpu.vector_load %arg10[%get3A_402, %get3A_403, %get3A_404] {strides = array<i32>} : memref<2x64x128xf32, #tpu.memory_space<vmem>>, vector<1x1x16xf32>,
        %get3A_406 = vector.shape_cast %get3A_405 : vector<1x1x16xf32> to vector<16xf32>
        %mul3A_407 = arith.mulf %get3A_400, %get3A_406 : vector<16xf32>
        %get3A_408 = arith.constant 1 : i32
        %get3A_409 = arith.index_cast %get3A_408 : i32 to index
        %get3A_410 = arith.index_cast %add3A_394 : i32 to index
        %get3A_411 = arith.constant 16 : index
        %get3A_412 = tpu.vector_load %arg9[%get3A_409, %get3A_410, %get3A_411] {strides = array<i32>} : memref<2x64x128xf32, #tpu.memory_space<vmem>>, vector<1x1x16xf32>,
        %get3A_413 = vector.shape_cast %get3A_412 : vector<1x1x16xf32> to vector<16xf32>
        %get3A_414 = arith.constant 1 : i32
        %get3A_415 = arith.index_cast %get3A_414 : i32 to index
        %get3A_416 = arith.index_cast %add3A_394 : i32 to index
        %get3A_417 = arith.constant 16 : index
        %get3A_418 = tpu.vector_load %arg10[%get3A_415, %get3A_416, %get3A_417] {strides = array<i32>} : memref<2x64x128xf32, #tpu.memory_space<vmem>>, vector<1x1x16xf32>,
        %get3A_419 = vector.shape_cast %get3A_418 : vector<1x1x16xf32> to vector<16xf32>
        %mul3A_420 = arith.mulf %get3A_413, %get3A_419 : vector<16xf32>
        %get3A_421 = arith.constant 1 : i32
        %get3A_422 = arith.index_cast %get3A_421 : i32 to index
        %get3A_423 = arith.index_cast %add3A_394 : i32 to index
        %get3A_424 = arith.constant 32 : index
        %get3A_425 = tpu.vector_load %arg9[%get3A_422, %get3A_423, %get3A_424] {strides = array<i32>} : memref<2x64x128xf32, #tpu.memory_space<vmem>>, vector<1x1x16xf32>,
        %get3A_426 = vector.shape_cast %get3A_425 : vector<1x1x16xf32> to vector<16xf32>
        %get3A_427 = arith.constant 1 : i32
        %get3A_428 = arith.index_cast %get3A_427 : i32 to index
        %get3A_429 = arith.index_cast %add3A_394 : i32 to index
        %get3A_430 = arith.constant 32 : index
        %get3A_431 = tpu.vector_load %arg10[%get3A_428, %get3A_429, %get3A_430] {strides = array<i32>} : memref<2x64x128xf32, #tpu.memory_space<vmem>>, vector<1x1x16xf32>,
        %get3A_432 = vector.shape_cast %get3A_431 : vector<1x1x16xf32> to vector<16xf32>
        %mul3A_433 = arith.mulf %get3A_426, %get3A_432 : vector<16xf32>
        %get3A_434 = arith.constant 1 : i32
        %get3A_435 = arith.index_cast %get3A_434 : i32 to index
        %get3A_436 = arith.index_cast %add3A_394 : i32 to index
        %get3A_437 = arith.constant 48 : index
        %get3A_438 = tpu.vector_load %arg9[%get3A_435, %get3A_436, %get3A_437] {strides = array<i32>} : memref<2x64x128xf32, #tpu.memory_space<vmem>>, vector<1x1x16xf32>,
        %get3A_439 = vector.shape_cast %get3A_438 : vector<1x1x16xf32> to vector<16xf32>
        %get3A_440 = arith.constant 1 : i32
        %get3A_441 = arith.index_cast %get3A_440 : i32 to index
        %get3A_442 = arith.index_cast %add3A_394 : i32 to index
        %get3A_443 = arith.constant 48 : index
        %get3A_444 = tpu.vector_load %arg10[%get3A_441, %get3A_442, %get3A_443] {strides = array<i32>} : memref<2x64x128xf32, #tpu.memory_space<vmem>>, vector<1x1x16xf32>,
        %get3A_445 = vector.shape_cast %get3A_444 : vector<1x1x16xf32> to vector<16xf32>
        %mul3A_446 = arith.mulf %get3A_439, %get3A_445 : vector<16xf32>
        %get3A_447 = arith.constant 1 : i32
        %get3A_448 = arith.index_cast %get3A_447 : i32 to index
        %get3A_449 = arith.index_cast %add3A_394 : i32 to index
        %get3A_450 = arith.constant 64 : index
        %get3A_451 = tpu.vector_load %arg9[%get3A_448, %get3A_449, %get3A_450] {strides = array<i32>} : memref<2x64x128xf32, #tpu.memory_space<vmem>>, vector<1x1x16xf32>,
        %get3A_452 = vector.shape_cast %get3A_451 : vector<1x1x16xf32> to vector<16xf32>
        %get3A_453 = arith.constant 1 : i32
        %get3A_454 = arith.index_cast %get3A_453 : i32 to index
        %get3A_455 = arith.index_cast %add3A_394 : i32 to index
        %get3A_456 = arith.constant 64 : index
        %get3A_457 = tpu.vector_load %arg10[%get3A_454, %get3A_455, %get3A_456] {strides = array<i32>} : memref<2x64x128xf32, #tpu.memory_space<vmem>>, vector<1x1x16xf32>,
        %get3A_458 = vector.shape_cast %get3A_457 : vector<1x1x16xf32> to vector<16xf32>
        %mul3A_459 = arith.mulf %get3A_452, %get3A_458 : vector<16xf32>
        %get3A_460 = arith.constant 1 : i32
        %get3A_461 = arith.index_cast %get3A_460 : i32 to index
        %get3A_462 = arith.index_cast %add3A_394 : i32 to index
        %get3A_463 = arith.constant 80 : index
        %get3A_464 = tpu.vector_load %arg9[%get3A_461, %get3A_462, %get3A_463] {strides = array<i32>} : memref<2x64x128xf32, #tpu.memory_space<vmem>>, vector<1x1x16xf32>,
        %get3A_465 = vector.shape_cast %get3A_464 : vector<1x1x16xf32> to vector<16xf32>
        %get3A_466 = arith.constant 1 : i32
        %get3A_467 = arith.index_cast %get3A_466 : i32 to index
        %get3A_468 = arith.index_cast %add3A_394 : i32 to index
        %get3A_469 = arith.constant 80 : index
        %get3A_470 = tpu.vector_load %arg10[%get3A_467, %get3A_468, %get3A_469] {strides = array<i32>} : memref<2x64x128xf32, #tpu.memory_space<vmem>>, vector<1x1x16xf32>,
        %get3A_471 = vector.shape_cast %get3A_470 : vector<1x1x16xf32> to vector<16xf32>
        %mul3A_472 = arith.mulf %get3A_465, %get3A_471 : vector<16xf32>
        %get3A_473 = arith.constant 1 : i32
        %get3A_474 = arith.index_cast %get3A_473 : i32 to index
        %get3A_475 = arith.index_cast %add3A_394 : i32 to index
        %get3A_476 = arith.constant 96 : index
        %get3A_477 = tpu.vector_load %arg9[%get3A_474, %get3A_475, %get3A_476] {strides = array<i32>} : memref<2x64x128xf32, #tpu.memory_space<vmem>>, vector<1x1x16xf32>,
        %get3A_478 = vector.shape_cast %get3A_477 : vector<1x1x16xf32> to vector<16xf32>
        %get3A_479 = arith.constant 1 : i32
        %get3A_480 = arith.index_cast %get3A_479 : i32 to index
        %get3A_481 = arith.index_cast %add3A_394 : i32 to index
        %get3A_482 = arith.constant 96 : index
        %get3A_483 = tpu.vector_load %arg10[%get3A_480, %get3A_481, %get3A_482] {strides = array<i32>} : memref<2x64x128xf32, #tpu.memory_space<vmem>>, vector<1x1x16xf32>,
        %get3A_484 = vector.shape_cast %get3A_483 : vector<1x1x16xf32> to vector<16xf32>
        %mul3A_485 = arith.mulf %get3A_478, %get3A_484 : vector<16xf32>
        %get3A_486 = arith.constant 1 : i32
        %get3A_487 = arith.index_cast %get3A_486 : i32 to index
        %get3A_488 = arith.index_cast %add3A_394 : i32 to index
        %get3A_489 = arith.constant 112 : index
        %get3A_490 = tpu.vector_load %arg9[%get3A_487, %get3A_488, %get3A_489] {strides = array<i32>} : memref<2x64x128xf32, #tpu.memory_space<vmem>>, vector<1x1x16xf32>,
        %get3A_491 = vector.shape_cast %get3A_490 : vector<1x1x16xf32> to vector<16xf32>
        %get3A_492 = arith.constant 1 : i32
        %get3A_493 = arith.index_cast %get3A_492 : i32 to index
        %get3A_494 = arith.index_cast %add3A_394 : i32 to index
        %get3A_495 = arith.constant 112 : index
        %get3A_496 = tpu.vector_load %arg10[%get3A_493, %get3A_494, %get3A_495] {strides = array<i32>} : memref<2x64x128xf32, #tpu.memory_space<vmem>>, vector<1x1x16xf32>,
        %get3A_497 = vector.shape_cast %get3A_496 : vector<1x1x16xf32> to vector<16xf32>
        %mul3A_498 = arith.mulf %get3A_491, %get3A_497 : vector<16xf32>
        %add3A_499 = arith.addf %mul3A_407, %mul3A_420 : vector<16xf32>
        %add3A_500 = arith.addf %mul3A_433, %mul3A_446 : vector<16xf32>
        %add3A_501 = arith.addf %mul3A_459, %mul3A_472 : vector<16xf32>
        %add3A_502 = arith.addf %mul3A_485, %mul3A_498 : vector<16xf32>
        %add3A_503 = arith.addf %add3A_499, %add3A_500 : vector<16xf32>
        %add3A_504 = arith.addf %add3A_501, %add3A_502 : vector<16xf32>
        %add3A_505 = arith.addf %add3A_503, %add3A_504 : vector<16xf32>
        %add3A_506 = arith.constant 3 : i32
        %add3A_507 = arith.addi %add3A_167, %add3A_506 : i32
        %get3A_508 = arith.constant 1 : i32
        %get3A_509 = arith.index_cast %get3A_508 : i32 to index
        %get3A_510 = arith.index_cast %add3A_507 : i32 to index
        %get3A_511 = arith.constant 0 : index
        %get3A_512 = tpu.vector_load %arg9[%get3A_509, %get3A_510, %get3A_511] {strides = array<i32>} : memref<2x64x128xf32, #tpu.memory_space<vmem>>, vector<1x1x16xf32>,
        %get3A_513 = vector.shape_cast %get3A_512 : vector<1x1x16xf32> to vector<16xf32>
        %get3A_514 = arith.constant 1 : i32
        %get3A_515 = arith.index_cast %get3A_514 : i32 to index
        %get3A_516 = arith.index_cast %add3A_507 : i32 to index
        %get3A_517 = arith.constant 0 : index
        %get3A_518 = tpu.vector_load %arg10[%get3A_515, %get3A_516, %get3A_517] {strides = array<i32>} : memref<2x64x128xf32, #tpu.memory_space<vmem>>, vector<1x1x16xf32>,
        %get3A_519 = vector.shape_cast %get3A_518 : vector<1x1x16xf32> to vector<16xf32>
        %mul3A_520 = arith.mulf %get3A_513, %get3A_519 : vector<16xf32>
        %get3A_521 = arith.constant 1 : i32
        %get3A_522 = arith.index_cast %get3A_521 : i32 to index
        %get3A_523 = arith.index_cast %add3A_507 : i32 to index
        %get3A_524 = arith.constant 16 : index
        %get3A_525 = tpu.vector_load %arg9[%get3A_522, %get3A_523, %get3A_524] {strides = array<i32>} : memref<2x64x128xf32, #tpu.memory_space<vmem>>, vector<1x1x16xf32>,
        %get3A_526 = vector.shape_cast %get3A_525 : vector<1x1x16xf32> to vector<16xf32>
        %get3A_527 = arith.constant 1 : i32
        %get3A_528 = arith.index_cast %get3A_527 : i32 to index
        %get3A_529 = arith.index_cast %add3A_507 : i32 to index
        %get3A_530 = arith.constant 16 : index
        %get3A_531 = tpu.vector_load %arg10[%get3A_528, %get3A_529, %get3A_530] {strides = array<i32>} : memref<2x64x128xf32, #tpu.memory_space<vmem>>, vector<1x1x16xf32>,
        %get3A_532 = vector.shape_cast %get3A_531 : vector<1x1x16xf32> to vector<16xf32>
        %mul3A_533 = arith.mulf %get3A_526, %get3A_532 : vector<16xf32>
        %get3A_534 = arith.constant 1 : i32
        %get3A_535 = arith.index_cast %get3A_534 : i32 to index
        %get3A_536 = arith.index_cast %add3A_507 : i32 to index
        %get3A_537 = arith.constant 32 : index
        %get3A_538 = tpu.vector_load %arg9[%get3A_535, %get3A_536, %get3A_537] {strides = array<i32>} : memref<2x64x128xf32, #tpu.memory_space<vmem>>, vector<1x1x16xf32>,
        %get3A_539 = vector.shape_cast %get3A_538 : vector<1x1x16xf32> to vector<16xf32>
        %get3A_540 = arith.constant 1 : i32
        %get3A_541 = arith.index_cast %get3A_540 : i32 to index
        %get3A_542 = arith.index_cast %add3A_507 : i32 to index
        %get3A_543 = arith.constant 32 : index
        %get3A_544 = tpu.vector_load %arg10[%get3A_541, %get3A_542, %get3A_543] {strides = array<i32>} : memref<2x64x128xf32, #tpu.memory_space<vmem>>, vector<1x1x16xf32>,
        %get3A_545 = vector.shape_cast %get3A_544 : vector<1x1x16xf32> to vector<16xf32>
        %mul3A_546 = arith.mulf %get3A_539, %get3A_545 : vector<16xf32>
        %get3A_547 = arith.constant 1 : i32
        %get3A_548 = arith.index_cast %get3A_547 : i32 to index
        %get3A_549 = arith.index_cast %add3A_507 : i32 to index
        %get3A_550 = arith.constant 48 : index
        %get3A_551 = tpu.vector_load %arg9[%get3A_548, %get3A_549, %get3A_550] {strides = array<i32>} : memref<2x64x128xf32, #tpu.memory_space<vmem>>, vector<1x1x16xf32>,
        %get3A_552 = vector.shape_cast %get3A_551 : vector<1x1x16xf32> to vector<16xf32>
        %get3A_553 = arith.constant 1 : i32
        %get3A_554 = arith.index_cast %get3A_553 : i32 to index
        %get3A_555 = arith.index_cast %add3A_507 : i32 to index
        %get3A_556 = arith.constant 48 : index
        %get3A_557 = tpu.vector_load %arg10[%get3A_554, %get3A_555, %get3A_556] {strides = array<i32>} : memref<2x64x128xf32, #tpu.memory_space<vmem>>, vector<1x1x16xf32>,
        %get3A_558 = vector.shape_cast %get3A_557 : vector<1x1x16xf32> to vector<16xf32>
        %mul3A_559 = arith.mulf %get3A_552, %get3A_558 : vector<16xf32>
        %get3A_560 = arith.constant 1 : i32
        %get3A_561 = arith.index_cast %get3A_560 : i32 to index
        %get3A_562 = arith.index_cast %add3A_507 : i32 to index
        %get3A_563 = arith.constant 64 : index
        %get3A_564 = tpu.vector_load %arg9[%get3A_561, %get3A_562, %get3A_563] {strides = array<i32>} : memref<2x64x128xf32, #tpu.memory_space<vmem>>, vector<1x1x16xf32>,
        %get3A_565 = vector.shape_cast %get3A_564 : vector<1x1x16xf32> to vector<16xf32>
        %get3A_566 = arith.constant 1 : i32
        %get3A_567 = arith.index_cast %get3A_566 : i32 to index
        %get3A_568 = arith.index_cast %add3A_507 : i32 to index
        %get3A_569 = arith.constant 64 : index
        %get3A_570 = tpu.vector_load %arg10[%get3A_567, %get3A_568, %get3A_569] {strides = array<i32>} : memref<2x64x128xf32, #tpu.memory_space<vmem>>, vector<1x1x16xf32>,
        %get3A_571 = vector.shape_cast %get3A_570 : vector<1x1x16xf32> to vector<16xf32>
        %mul3A_572 = arith.mulf %get3A_565, %get3A_571 : vector<16xf32>
        %get3A_573 = arith.constant 1 : i32
        %get3A_574 = arith.index_cast %get3A_573 : i32 to index
        %get3A_575 = arith.index_cast %add3A_507 : i32 to index
        %get3A_576 = arith.constant 80 : index
        %get3A_577 = tpu.vector_load %arg9[%get3A_574, %get3A_575, %get3A_576] {strides = array<i32>} : memref<2x64x128xf32, #tpu.memory_space<vmem>>, vector<1x1x16xf32>,
        %get3A_578 = vector.shape_cast %get3A_577 : vector<1x1x16xf32> to vector<16xf32>
        %get3A_579 = arith.constant 1 : i32
        %get3A_580 = arith.index_cast %get3A_579 : i32 to index
        %get3A_581 = arith.index_cast %add3A_507 : i32 to index
        %get3A_582 = arith.constant 80 : index
        %get3A_583 = tpu.vector_load %arg10[%get3A_580, %get3A_581, %get3A_582] {strides = array<i32>} : memref<2x64x128xf32, #tpu.memory_space<vmem>>, vector<1x1x16xf32>,
        %get3A_584 = vector.shape_cast %get3A_583 : vector<1x1x16xf32> to vector<16xf32>
        %mul3A_585 = arith.mulf %get3A_578, %get3A_584 : vector<16xf32>
        %get3A_586 = arith.constant 1 : i32
        %get3A_587 = arith.index_cast %get3A_586 : i32 to index
        %get3A_588 = arith.index_cast %add3A_507 : i32 to index
        %get3A_589 = arith.constant 96 : index
        %get3A_590 = tpu.vector_load %arg9[%get3A_587, %get3A_588, %get3A_589] {strides = array<i32>} : memref<2x64x128xf32, #tpu.memory_space<vmem>>, vector<1x1x16xf32>,
        %get3A_591 = vector.shape_cast %get3A_590 : vector<1x1x16xf32> to vector<16xf32>
        %get3A_592 = arith.constant 1 : i32
        %get3A_593 = arith.index_cast %get3A_592 : i32 to index
        %get3A_594 = arith.index_cast %add3A_507 : i32 to index
        %get3A_595 = arith.constant 96 : index
        %get3A_596 = tpu.vector_load %arg10[%get3A_593, %get3A_594, %get3A_595] {strides = array<i32>} : memref<2x64x128xf32, #tpu.memory_space<vmem>>, vector<1x1x16xf32>,
        %get3A_597 = vector.shape_cast %get3A_596 : vector<1x1x16xf32> to vector<16xf32>
        %mul3A_598 = arith.mulf %get3A_591, %get3A_597 : vector<16xf32>
        %get3A_599 = arith.constant 1 : i32
        %get3A_600 = arith.index_cast %get3A_599 : i32 to index
        %get3A_601 = arith.index_cast %add3A_507 : i32 to index
        %get3A_602 = arith.constant 112 : index
        %get3A_603 = tpu.vector_load %arg9[%get3A_600, %get3A_601, %get3A_602] {strides = array<i32>} : memref<2x64x128xf32, #tpu.memory_space<vmem>>, vector<1x1x16xf32>,
        %get3A_604 = vector.shape_cast %get3A_603 : vector<1x1x16xf32> to vector<16xf32>
        %get3A_605 = arith.constant 1 : i32
        %get3A_606 = arith.index_cast %get3A_605 : i32 to index
        %get3A_607 = arith.index_cast %add3A_507 : i32 to index
        %get3A_608 = arith.constant 112 : index
        %get3A_609 = tpu.vector_load %arg10[%get3A_606, %get3A_607, %get3A_608] {strides = array<i32>} : memref<2x64x128xf32, #tpu.memory_space<vmem>>, vector<1x1x16xf32>,
        %get3A_610 = vector.shape_cast %get3A_609 : vector<1x1x16xf32> to vector<16xf32>
        %mul3A_611 = arith.mulf %get3A_604, %get3A_610 : vector<16xf32>
        %add3A_612 = arith.addf %mul3A_520, %mul3A_533 : vector<16xf32>
        %add3A_613 = arith.addf %mul3A_546, %mul3A_559 : vector<16xf32>
        %add3A_614 = arith.addf %mul3A_572, %mul3A_585 : vector<16xf32>
        %add3A_615 = arith.addf %mul3A_598, %mul3A_611 : vector<16xf32>
        %add3A_616 = arith.addf %add3A_612, %add3A_613 : vector<16xf32>
        %add3A_617 = arith.addf %add3A_614, %add3A_615 : vector<16xf32>
        %add3A_618 = arith.addf %add3A_616, %add3A_617 : vector<16xf32>
        %lt3A = arith.constant 0 : i32
        %lt3A_619 = vector.broadcast %lt3A : i32 to vector<16xi32>
        %lt3A_620 = arith.cmpi slt, %xor3A_10, %lt3A_619 : vector<16xi32>
        %add3A_621 = arith.constant 16 : i32
        %add3A_622 = vector.broadcast %add3A_621 : i32 to vector<16xi32>
        %add3A_623 = arith.addi %xor3A_10, %add3A_622 : vector<16xi32>
        %select_n3A = arith.select %lt3A_620, %add3A_623, %xor3A_10 : vector<16xi1>, vector<16xi32>
        %broadcast_in_dim3A_624 = vector.shape_cast %select_n3A : vector<16xi32> to vector<16x1xi32>
        %gather3A = vector.shape_cast %broadcast_in_dim3A_624 : vector<16x1xi32> to vector<16xi32>
        %gather3A_625 = tpu.dynamic_gather %add3A_279[%gather3A] in [0] : vector<16xf32>, vector<16xi32> -> vector<16xf32>
        %add3A_626 = arith.addf %add3A_279, %gather3A_625 : vector<16xf32>
        %lt3A_627 = arith.constant 0 : i32
        %lt3A_628 = vector.broadcast %lt3A_627 : i32 to vector<16xi32>
        %lt3A_629 = arith.cmpi slt, %xor3A_10, %lt3A_628 : vector<16xi32>
        %add3A_630 = arith.constant 16 : i32
        %add3A_631 = vector.broadcast %add3A_630 : i32 to vector<16xi32>
        %add3A_632 = arith.addi %xor3A_10, %add3A_631 : vector<16xi32>
        %select_n3A_633 = arith.select %lt3A_629, %add3A_632, %xor3A_10 : vector<16xi1>, vector<16xi32>
        %broadcast_in_dim3A_634 = vector.shape_cast %select_n3A_633 : vector<16xi32> to vector<16x1xi32>
        %gather3A_635 = vector.shape_cast %broadcast_in_dim3A_634 : vector<16x1xi32> to vector<16xi32>
        %gather3A_636 = tpu.dynamic_gather %add3A_392[%gather3A_635] in [0] : vector<16xf32>, vector<16xi32> -> vector<16xf32>
        %add3A_637 = arith.addf %add3A_392, %gather3A_636 : vector<16xf32>
        %select_n3A_638 = arith.select %eq3A_23, %add3A_626, %add3A_637 : vector<16xi1>, vector<16xf32>
        %lt3A_639 = arith.constant 0 : i32
        %lt3A_640 = vector.broadcast %lt3A_639 : i32 to vector<16xi32>
        %lt3A_641 = arith.cmpi slt, %xor3A_10, %lt3A_640 : vector<16xi32>
        %add3A_642 = arith.constant 16 : i32
        %add3A_643 = vector.broadcast %add3A_642 : i32 to vector<16xi32>
        %add3A_644 = arith.addi %xor3A_10, %add3A_643 : vector<16xi32>
        %select_n3A_645 = arith.select %lt3A_641, %add3A_644, %xor3A_10 : vector<16xi1>, vector<16xi32>
        %broadcast_in_dim3A_646 = vector.shape_cast %select_n3A_645 : vector<16xi32> to vector<16x1xi32>
        %gather3A_647 = vector.shape_cast %broadcast_in_dim3A_646 : vector<16x1xi32> to vector<16xi32>
        %gather3A_648 = tpu.dynamic_gather %add3A_505[%gather3A_647] in [0] : vector<16xf32>, vector<16xi32> -> vector<16xf32>
        %add3A_649 = arith.addf %add3A_505, %gather3A_648 : vector<16xf32>
        %lt3A_650 = arith.constant 0 : i32
        %lt3A_651 = vector.broadcast %lt3A_650 : i32 to vector<16xi32>
        %lt3A_652 = arith.cmpi slt, %xor3A_10, %lt3A_651 : vector<16xi32>
        %add3A_653 = arith.constant 16 : i32
        %add3A_654 = vector.broadcast %add3A_653 : i32 to vector<16xi32>
        %add3A_655 = arith.addi %xor3A_10, %add3A_654 : vector<16xi32>
        %select_n3A_656 = arith.select %lt3A_652, %add3A_655, %xor3A_10 : vector<16xi1>, vector<16xi32>
        %broadcast_in_dim3A_657 = vector.shape_cast %select_n3A_656 : vector<16xi32> to vector<16x1xi32>
        %gather3A_658 = vector.shape_cast %broadcast_in_dim3A_657 : vector<16x1xi32> to vector<16xi32>
        %gather3A_659 = tpu.dynamic_gather %add3A_618[%gather3A_658] in [0] : vector<16xf32>, vector<16xi32> -> vector<16xf32>
        %add3A_660 = arith.addf %add3A_618, %gather3A_659 : vector<16xf32>
        %select_n3A_661 = arith.select %eq3A_23, %add3A_649, %add3A_660 : vector<16xi1>, vector<16xf32>
        %lt3A_662 = arith.constant 0 : i32
        %lt3A_663 = vector.broadcast %lt3A_662 : i32 to vector<16xi32>
        %lt3A_664 = arith.cmpi slt, %xor3A_13, %lt3A_663 : vector<16xi32>
        %add3A_665 = arith.constant 16 : i32
        %add3A_666 = vector.broadcast %add3A_665 : i32 to vector<16xi32>
        %add3A_667 = arith.addi %xor3A_13, %add3A_666 : vector<16xi32>
        %select_n3A_668 = arith.select %lt3A_664, %add3A_667, %xor3A_13 : vector<16xi1>, vector<16xi32>
        %broadcast_in_dim3A_669 = vector.shape_cast %select_n3A_668 : vector<16xi32> to vector<16x1xi32>
        %gather3A_670 = vector.shape_cast %broadcast_in_dim3A_669 : vector<16x1xi32> to vector<16xi32>
        %gather3A_671 = tpu.dynamic_gather %select_n3A_638[%gather3A_670] in [0] : vector<16xf32>, vector<16xi32> -> vector<16xf32>
        %add3A_672 = arith.addf %select_n3A_638, %gather3A_671 : vector<16xf32>
        %lt3A_673 = arith.constant 0 : i32
        %lt3A_674 = vector.broadcast %lt3A_673 : i32 to vector<16xi32>
        %lt3A_675 = arith.cmpi slt, %xor3A_13, %lt3A_674 : vector<16xi32>
        %add3A_676 = arith.constant 16 : i32
        %add3A_677 = vector.broadcast %add3A_676 : i32 to vector<16xi32>
        %add3A_678 = arith.addi %xor3A_13, %add3A_677 : vector<16xi32>
        %select_n3A_679 = arith.select %lt3A_675, %add3A_678, %xor3A_13 : vector<16xi1>, vector<16xi32>
        %broadcast_in_dim3A_680 = vector.shape_cast %select_n3A_679 : vector<16xi32> to vector<16x1xi32>
        %gather3A_681 = vector.shape_cast %broadcast_in_dim3A_680 : vector<16x1xi32> to vector<16xi32>
        %gather3A_682 = tpu.dynamic_gather %select_n3A_661[%gather3A_681] in [0] : vector<16xf32>, vector<16xi32> -> vector<16xf32>
        %add3A_683 = arith.addf %select_n3A_661, %gather3A_682 : vector<16xf32>
        %select_n3A_684 = arith.select %eq3A_29, %add3A_672, %add3A_683 : vector<16xi1>, vector<16xf32>
        %lt3A_685 = arith.constant 0 : i32
        %lt3A_686 = vector.broadcast %lt3A_685 : i32 to vector<16xi32>
        %lt3A_687 = arith.cmpi slt, %xor3A_16, %lt3A_686 : vector<16xi32>
        %add3A_688 = arith.constant 16 : i32
        %add3A_689 = vector.broadcast %add3A_688 : i32 to vector<16xi32>
        %add3A_690 = arith.addi %xor3A_16, %add3A_689 : vector<16xi32>
        %select_n3A_691 = arith.select %lt3A_687, %add3A_690, %xor3A_16 : vector<16xi1>, vector<16xi32>
        %broadcast_in_dim3A_692 = vector.shape_cast %select_n3A_691 : vector<16xi32> to vector<16x1xi32>
        %gather3A_693 = vector.shape_cast %broadcast_in_dim3A_692 : vector<16x1xi32> to vector<16xi32>
        %gather3A_694 = tpu.dynamic_gather %select_n3A_684[%gather3A_693] in [0] : vector<16xf32>, vector<16xi32> -> vector<16xf32>
        %add3A_695 = arith.addf %select_n3A_684, %gather3A_694 : vector<16xf32>
        %lt3A_696 = arith.constant 0 : i32
        %lt3A_697 = vector.broadcast %lt3A_696 : i32 to vector<16xi32>
        %lt3A_698 = arith.cmpi slt, %xor3A_19, %lt3A_697 : vector<16xi32>
        %add3A_699 = arith.constant 16 : i32
        %add3A_700 = vector.broadcast %add3A_699 : i32 to vector<16xi32>
        %add3A_701 = arith.addi %xor3A_19, %add3A_700 : vector<16xi32>
        %select_n3A_702 = arith.select %lt3A_698, %add3A_701, %xor3A_19 : vector<16xi1>, vector<16xi32>
        %broadcast_in_dim3A_703 = vector.shape_cast %select_n3A_702 : vector<16xi32> to vector<16x1xi32>
        %gather3A_704 = vector.shape_cast %broadcast_in_dim3A_703 : vector<16x1xi32> to vector<16xi32>
        %gather3A_705 = tpu.dynamic_gather %add3A_695[%gather3A_704] in [0] : vector<16xf32>, vector<16xi32> -> vector<16xf32>
        %add3A_706 = arith.addf %add3A_695, %gather3A_705 : vector<16xf32>
        %eq3A_707 = vector.broadcast %add3A_162 : i32 to vector<16xi32>
        %eq3A_708 = arith.cmpi eq, %shift_right_arithmetic3A_43, %eq3A_707 : vector<16xi32>
        %select_n3A_709 = arith.select %eq3A_708, %add3A_706, %scan3A_158 : vector<16xi1>, vector<16xf32>
        scf.yield %select_n3A_709 : vector<16xf32>
      }
      %scan3A_149 = arith.constant 4 : i32
      %mul3A_150 = arith.constant 16 : i32
      %mul3A_151 = arith.muli %add3A_142, %mul3A_150 : i32
      %add3A_152 = arith.constant 448 : i32
      %add3A_153 = arith.addi %add3A_152, %mul3A_151 : i32
      %swap3A = arith.index_cast %add3A_153 : i32 to index
      %swap3A_154 = tpu.vector_load %arg11[%swap3A] {strides = array<i32>} : memref<512xf32, #tpu.memory_space<vmem>>, vector<16xf32>,
      %swap3A_155 = vector.shape_cast %swap3A_154 : vector<16xf32> to vector<16xf32>
      %swap3A_156 = vector.shape_cast %scan3A_148 : vector<16xf32> to vector<16xf32>
      tpu.vector_store %arg11[%swap3A], %swap3A_156 {strides = array<i32>} : memref<512xf32, #tpu.memory_space<vmem>>, vector<16xf32>,
    }
    %scan3A_137 = arith.constant 4 : i32
    "tpu.region"() ({
      %run_scoped3A = tpu.sem_alloc : memref<!tpu.dma_semaphore, #tpu.memory_space<semaphore_mem>>
      %dma_start3A_138 = tpu.memref_slice %arg6[%mul3A_2] : memref<16384xf32, #tpu.memory_space<hbm>> -> memref<512xf32, #tpu.memory_space<hbm>>
      %dma_start3A_139 = tpu.memref_slice %arg6[%mul3A_2] : memref<16384xf32, #tpu.memory_space<hbm>> -> memref<512xf32, #tpu.memory_space<hbm>>
      tpu.enqueue_dma source(%arg11 : memref<512xf32, #tpu.memory_space<vmem>>) target(%dma_start3A_139 : memref<512xf32, #tpu.memory_space<hbm>>) target_semaphore(%run_scoped3A : memref<!tpu.dma_semaphore, #tpu.memory_space<semaphore_mem>>)
      %dma_wait3A_140 = tpu.memref_slice %arg6[%mul3A_2] : memref<16384xf32, #tpu.memory_space<hbm>> -> memref<512xf32, #tpu.memory_space<hbm>>
      %dma_wait3A_141 = tpu.memref_slice %arg6[%mul3A_2] : memref<16384xf32, #tpu.memory_space<hbm>> -> memref<512xf32, #tpu.memory_space<hbm>>
      tpu.wait_dma2 semaphore(%run_scoped3A : memref<!tpu.dma_semaphore, #tpu.memory_space<semaphore_mem>>) src(%arg11 : memref<512xf32, #tpu.memory_space<vmem>>) dst(%dma_wait3A_141 : memref<512xf32, #tpu.memory_space<hbm>>)
      tpu.yield
    }) : () -> ()
    return
  }
}

</mosaic_0001>

<sc_bundles>
// kernel: kernel.3.cloned.1.call-start
scs
__scs_entry_jumppad:
0x0: {  	(pc) =	sbr.rel $0x88, $3  }
0x1: {  	(tag) =	ssettag $0x0;
	lr =	simm.s32 $0x1  }
0x2: {  	[smem:$0x3F9D] =	sst lr;
	_ =	strace $0xD0000000  }
0x3: {  	_ = 	snop  }
0x4: {  	_ = 	snop  }
0x5: {  	_ = 	snop  }
0x6: {  	_ = 	snop  }
0x7: {  	_ = 	snop  }
__scs_overlays_trampoline_lowered:
0x8: {  	[smem:$0x3FAC] =	sst s0  }
0x9: {  	[smem:$0x3FAD] =	sst s1  }
0xa: {  	[smem:$0x3FAE] =	sst s2  }
0xb: {  	[smem:$0x3FAF] =	sst s3  }
0xc: {  	[smem:$0x3FB0] =	sst s4  }
0xd: {  	[smem:$0x3FB1] =	sst s5  }
0xe: {  	[smem:$0x3FB2] =	sst s6  }
0xf: {  	[smem:$0x3FB3] =	sst s7  }
0x10: {  	[smem:$0x3FB4] =	sst s8  }
0x11: {  	[smem:$0x3FB5] =	sst s9;
	s0 =	simm.s32 @!p0 $0x0  }
0x12: {  	s1 =	sld [smem:$0x3F9B];
	s0 =	simm.s32 @p0 $0x1  }
0x13: {  	[smem:$0x3FB6] =	sst s0;
	s0 =	simm.s32 @!p1 $0x0  }
0x14: {  	s2 =	sld [smem:$0x3F9A];
	s0 =	simm.s32 @p1 $0x1  }
0x15: {  	[smem:$0x3FB7] =	sst s0;
	s0 =	simm.s32 @!p2 $0x0  }
0x16: {  	s3 =	sld [smem:$0x3FDB];
	s0 =	simm.s32 @p2 $0x1  }
0x17: {  	s4 =	simm.s32 $0x1BF5;
	[smem:$0x3FB9] =	sst s0  }
0x18: {  	s0 =	sld [smem:$0x3F9C];
	_ =	swait.ge [sflag:s4], $0x0  }
0x19: {  	s7 =	sld [smem:$0x3F9D]  }
0x1a: {  	s8 =	sadd.s32 $0xFFFFE003, lr  }
0x1b: {  	s9 =	sadd.s32 $0xFFFFFEF7, lr;
	s5 =	simm.s32 $0xFFFFFFFF;
	p2 =	slt.u32 s8, $0xFFFFF086  }
0x1c: {  	p1 =	slt.u32 s9, $0xF7A;
	s5 =	simm.s32 @!p2 $0x0  }
0x1d: {  	s5 =	simm.s32 @p1 $0x1;
	p0 =	seq.s32 s7, s2  }
0x1e: {  	s7 =	smul.u32 @!p0 $0xF7A, s2;
	p2 =	seq.s32 @!p0 s5, $0x0  }
0x1f: {  	s9 =	smul.u32 $0xF7A, s1;
	s8 =	simm.s32 @!p0 $0x1BF5;
	p2 =	por !p2, p0  }
0x20: {  	[sflag:s8] =	ssyncset.s32 @!p0 $0xFFFFF086;
	s6 =	sadd.s32 @!p0 s3, s7;
	s7 =	simm.s32 @!p0 $0x108  }
0x21: {  	s3 =	sadd.s32 s3, s9;
	s6 =	sadd.s32 @!p0 $0x88, s6;
	s7 =	simm.s32 @p2 $0x1082  }
0x22: {  	[simem:s7], [sflag:s8] =	dma.local @!p0 [hbm:s6], $0xF7A  }
0x23: {  	s9 =	sor.u32 $0xD0000000, s2;
	s6 =	simm.s32 $0x108;
	_ =	swait.ge @!p0 [sflag:s8], $0x0  }
0x24: {  	s3 =	sadd.s32 $0x88, s3;
	s6 =	simm.s32 @!p1 $0x1082;
	[sflag:s4] =	ssyncset.s32 $0xFFFFF086  }
0x25: {  	[simem:s6], [sflag:s4] =	dma.local [hbm:s3], $0xF7A  }
0x26: {  	[smem:$0x3F9D] =	sst s1;
	(tag) =	ssettag s2;
	_ =	strace s9  }
0x27: {  	s1 =	sld [smem:$0x3FAD]  }
0x28: {  	s2 =	sld [smem:$0x3FAE]  }
0x29: {  	s4 =	sld [smem:$0x3FB0]  }
0x2a: {  	p0 =	seq.s32 s5, $0x0;
	s5 =	sld [smem:$0x3FB1]  }
0x2b: {  	s6 =	sld [smem:$0x3FB2]  }
0x2c: {  	s7 =	sld [smem:$0x3FB3]  }
0x2d: {  	s3 =	simm.s32 $0x108;
	s8 =	sld [smem:$0x3FB4]  }
0x2e: {  	s3 =	simm.s32 @!p0 $0x1082;
	s9 =	sld [smem:$0x3FB5]  }
0x2f: {  	lr =	sadd.s32 s0, s3;
	s0 =	sld [smem:$0x3FAC]  }
0x30: {  	s3 =	sld [smem:$0x3FAF]  }
0x31: {  	[smem:$0x3FB8] =	sst s10  }
0x32: {  	s10 =	sld [smem:$0x3FB6];
	_ =	sdelay $0x3  }
0x33: {  	p0 =	seq.s32 s10, $0x1;
	s10 =	sld [smem:$0x3FB8];
	_ =	sdelay $0x3  }
0x34: {  	[smem:$0x3FB8] =	sst s10  }
0x35: {  	s10 =	sld [smem:$0x3FB7];
	_ =	sdelay $0x3  }
0x36: {  	p1 =	seq.s32 s10, $0x1;
	s10 =	sld [smem:$0x3FB8];
	_ =	sdelay $0x3  }
0x37: {  	[smem:$0x3FB8] =	sst s10  }
0x38: {  	s10 =	sld [smem:$0x3FB9]  }
0x39: {  	_ = 	snop;
	(pc) =	sbr.ind lr, $3  }
0x3a: {  	_ = 	snop  }
0x3b: {  	_ = 	snop  }
0x3c: {  	p2 =	seq.s32 s10, $0x1;
	s10 =	sld [smem:$0x3FB8]  }
0x3d: {  	_ =	shalt  }
0x3e: {  	_ =	shalt  }
0x3f: {  	_ =	shalt  }
0x40: {  	_ =	shalt  }
0x41: {  	_ =	shalt  }
0x42: {  	_ =	shalt  }
0x43: {  	_ =	shalt  }
0x44: {  	_ =	shalt  }
0x45: {  	_ =	shalt  }
0x46: {  	_ =	shalt  }
0x47: {  	_ =	shalt  }
0x48: {  	_ =	shalt  }
0x49: {  	_ =	shalt  }
0x4a: {  	_ =	shalt  }
0x4b: {  	_ =	shalt  }
0x4c: {  	_ =	shalt  }
0x4d: {  	_ =	shalt  }
0x4e: {  	_ =	shalt  }
0x4f: {  	_ =	shalt  }
0x50: {  	_ =	shalt  }
0x51: {  	_ =	shalt  }
0x52: {  	_ =	shalt  }
0x53: {  	_ =	shalt  }
0x54: {  	_ =	shalt  }
0x55: {  	_ =	shalt  }
0x56: {  	_ =	shalt  }
0x57: {  	_ =	shalt  }
0x58: {  	_ =	shalt  }
0x59: {  	_ =	shalt  }
0x5a: {  	_ =	shalt  }
0x5b: {  	_ =	shalt  }
0x5c: {  	_ =	shalt  }
0x5d: {  	_ =	shalt  }
0x5e: {  	_ =	shalt  }
0x5f: {  	_ =	shalt  }
0x60: {  	_ =	shalt  }
0x61: {  	_ =	shalt  }
0x62: {  	_ =	shalt  }
0x63: {  	_ =	shalt  }
0x64: {  	_ =	shalt  }
0x65: {  	_ =	shalt  }
0x66: {  	_ =	shalt  }
0x67: {  	_ =	shalt  }
0x68: {  	_ =	shalt  }
0x69: {  	_ =	shalt  }
0x6a: {  	_ =	shalt  }
0x6b: {  	_ =	shalt  }
0x6c: {  	_ =	shalt  }
0x6d: {  	_ =	shalt  }
0x6e: {  	_ =	shalt  }
0x6f: {  	_ =	shalt  }
0x70: {  	_ =	shalt  }
0x71: {  	_ =	shalt  }
0x72: {  	_ =	shalt  }
0x73: {  	_ =	shalt  }
0x74: {  	_ =	shalt  }
0x75: {  	_ =	shalt  }
0x76: {  	_ =	shalt  }
0x77: {  	_ =	shalt  }
0x78: {  	_ =	shalt  }
0x79: {  	_ =	shalt  }
0x7a: {  	_ =	shalt  }
0x7b: {  	_ =	shalt  }
0x7c: {  	_ =	shalt  }
0x7d: {  	_ =	shalt  }
0x7e: {  	_ =	shalt  }
0x7f: {  	_ =	shalt  }
0x80: {  	_ =	shalt  }
0x81: {  	_ =	shalt  }
0x82: {  	_ =	shalt  }
0x83: {  	_ =	shalt  }
0x84: {  	_ =	shalt  }
0x85: {  	_ =	shalt  }
0x86: {  	_ =	shalt  }
0x87: {  	_ =	shalt  }
.Lfunc_end0:
.L_simem_size_0:
called_computation_lowered:
.L_overlay_start_0:
0x88: {  	s2 =	sld [smem:$0x3FD9]  }
0x89: {  	s3 =	sld [smem:$0x3FFE];
	_ =	sdelay $0x1  }
0x8a: {  	s1 =	srdreg.scid  }
0x8b: {  	s0 =	sand.u32 $0x1, s1  }
0x8c: {  	s18 =	sshll.u32 s0, $0xA;
	s2 =	sadd.s32 s3, s2  }
0x8d: {  	s2 =	sadd.s32 s2, s18  }
0x8e: {  	[smem:$0x3FC4] =	sst s2  }
0x8f: {  	_ = 	snop  }
0x90: {  	s2 =	sld [smem:$0x3FC9]  }
0x91: {  	s19 =	sld [smem:$0x3FC8]  }
0x92: {  	s4 =	sld [smem:$0x3FC7]  }
0x93: {  	s5 =	sld [smem:$0x3FC6]  }
0x94: {  	s6 =	sld [smem:$0x3FD0];
	(tm) =	ssettm $0x1  }
0x95: {  	s7 =	sld [smem:$0x3FFB];
	_ =	sdelay $0x3  }
0x96: {  	_ =	strace s7  }
0x97: {  	s7 =	sld [smem:$0x3FFC];
	_ =	sdelay $0x3  }
0x98: {  	_ =	strace s7  }
0x99: {  	s7 =	sld [smem:$0x3FFD];
	_ =	sdelay $0x3  }
0x9a: {  	_ =	strace s7  }
0x9b: {  	_ =	strace $0x8FFFFFFF  }
0x9c: {  	s20 =	sld [smem:$0x3FDB];
	_ =	sdelay $0x1  }
0x9d: {  	s8 =	simm.s32 $_scs_section_size  }
0x9e: {  	s9 =	simm.s32 $_size__tile_overlayer_lowered;
	s10 =	simm.s32 $_tile_overlayer_lowered  }
0x9f: {  	s23 =	simm.s32 $0x1BFF;
	s22 =	sshll.u32 s10, $0x1;
	s7 =	sadd.s32 s8, s20  }
0xa0: {  	s11 =	simm.s32 $0x0;
	s21 =	sshll.u32 s9, $0x1;
	s9 =	sadd.s32 s22, s7  }
0xa1: {  	[timem:s11], [sflag:s23] =	dma.local [hbm:s9], s21  }
0xa2: {  	_ =	swait.ge [sflag:s23], s21  }
0xa3: {  	s8 =	ssub.s32 $0x0, s21;
	[sflag:s23] =	ssyncset.done $0x0  }
0xa4: {  	[sflag:s23] =	ssyncadd.s32 s8;
	_ =	sdelay $0x1  }
0xa5: {  	s24 =	simm.s32 $0x1B8B  }
0xa6: {  	_ =	swait.ge [sflag:s24], $0x1  }
0xa7: {  	[sflag:s24] =	ssyncset.done $0x0  }
0xa8: {  	s25 =	simm.s32 $0x1B8E;
	[sflag:s24] =	ssyncadd.s32 $0xFFFFFFFF  }
0xa9: {  	s26 =	simm.s32 $execute0_lowered;
	[smem:$0x3FD2] =	sst s25  }
0xaa: {  	s8 =	sshll.u32 s26, $0x1;
	_ =	strace $0x80000046;
	[dreg:$0x1] =	wrdreg $0xFFFFFFFF  }
0xab: {  	s28 =	simm.s32 $_size_execute0_lowered;
	s7 =	sadd.s32 s7, s8;
	[dreg:$0x0] =	wrdreg $0x0  }
0xac: {  	s8 =	sshll.u32 s28, $0x1;
	[dreg:$0x2] =	wrdreg s7  }
0xad: {  	[dreg:$0x3] =	wrdreg s8  }
0xae: {  	[dreg:$0x4] =	wrdreg $0xC0  }
0xaf: {  	_ =	task [dreg:s11], $0x5FFFF  }
0xb0: {  	[dreg:$0x1] =	wrdreg $0xFFFFFFFF  }
0xb1: {  	[dreg:$0x0] =	wrdreg $0x60  }
0xb2: {  	[dreg:$0x2] =	wrdreg s2  }
0xb3: {  	[dreg:$0x3] =	wrdreg s19  }
0xb4: {  	[dreg:$0x4] =	wrdreg s4  }
0xb5: {  	[dreg:$0x5] =	wrdreg s5  }
0xb6: {  	[dreg:$0x6] =	wrdreg s6  }
0xb7: {  	[dreg:$0x7] =	wrdreg $0x9  }
0xb8: {  	_ =	task.clear_ibuf [dreg:s11], $0x8FFFF;
	_ =	strace $0x90000046  }
0xb9: {  	s29 =	simm.s32 $0x9;
	_ =	strace $0x80000048  }
0xba: {  	_ =	swait.ge [sflag:s29], $0x1  }
0xbb: {  	[sflag:s29] =	ssyncadd.s32 $0xFFFFFFFF  }
0xbc: {  	_ =	strace $0x90000048  }
0xbd: {  	_ =	sfence  }
0xbe: {  	s30 =	sld [smem:$0x0];
	_ =	sdelay $0x2  }
0xbf: {  	s31 =	sshll.u32 s1, $0xD;
	s1 =	sshrl.u32 s1, $0x2  }
0xc0: {  	s3 =	sand.u32 $0x4000, s31;
	s1 =	sadd.s32 s1, s30  }
0xc1: {  	s0 =	sor.u32 s3, s0;
	s1 =	sshll.u32 s1, $0x11  }
0xc2: {  	s0 =	sor.u32 s1, s0  }
0xc3: {  	s0 =	sadd.s32 $0x8F2B, s0  }
0xc4: {  	[sflag:s0] =	ssyncadd.remote.s32 $0x1  }
0xc5: {  	_ =	sfence.sel $0xFFFF  }
0xc6: {  	[dreg:$0x0] =	wrdreg $0xFFFFFFFF;
	(pc) =	sbr.abs _section_cstart, $3  }
0xc7: {  	[dreg:$0x1] =	wrdreg $0xFFFFFFFF  }
0xc8: {  	_ =	task.clear_ibuf [dreg:s11], $0x2FFFF;
	_ =	strace $0x9FFFFFFF  }
0xc9: {  	(tm) =	ssettm $0x7FFFFFFF  }
tec
execute0_lowered:
.L_overlay_start_1:
0x0: {  	(tag) =	ssettag $0x1  }
0x1: {  	v0 =	vimm.s32 $0xEFCDAB89  }
0x2: {  	v1 =	vimm.s32 $0x67452301;
	vm0 =	vcmask $0xB08;
	vm1 =	vcmask $0x300  }
0x3: {  	v56 =	vimm.s32 $0xDCFE98BA;
	v57 =	vimm.s32 $0x54761032;
	v3 =	vimm.s32 $0xBA98FEDC  }
0x4: {  	v4 =	vimm.s32 $0x32107654;
	v5 =	vimm.s32 $0xFEDCBA98;
	v58 =	vimm.s32 $0x76543210  }
0x5: {  	vm2 =	vcmask $0x700;
	v60 =	vlaneseq.u32;
	v0 =	vunpack.c.l.s4.s8 v0  }
0x6: {  	s2 =	rddreg [dreg:$0x0];
	v1 =	vunpack.c.l.s4.s8 v1;
	vm0 =	vmor vm1, vm0;
	vm1 =	vcmask $0x1310  }
0x7: {  	s4 =	rddreg [dreg:$0x1];
	v3 =	vunpack.c.l.s4.s8 v3;
	v4 =	vunpack.c.l.s4.s8 v4;
	vm0 =	vmor vm0, vm1  }
0x8: {  	s0 =	rddreg [dreg:$0x2];
	vm1 =	vcmask $0x1B18;
	v0 =	vunpack.c.0.s8.s32 v0;
	v1 =	vunpack.c.0.s8.s32 v1  }
0x9: {  	s1 =	rddreg [dreg:$0x3];
	v5 =	vunpack.c.l.s4.s8 v5;
	vm0 =	vmor vm0, vm1;
	vm1 =	vcmask $0x2320  }
0xa: {  	s7 =	rddreg [dreg:$0x4];
	v2 =	vcombine.low v1, v0;
	v0 =	vunpack.c.l.s4.s8 v56;
	v1 =	vunpack.c.l.s4.s8 v57  }
0xb: {  	s5 =	srdreg.scid;
	s3 =	simm.s32 $0x0;
	s9 =	stileid.u32;
	v62 =	vshrl.u32 v60, $0x2;
	v3 =	vunpack.c.0.s8.s32 v3;
	vm0 =	vmor vm0, vm1  }
0xc: {  	s10 =	simm.s32 $0x1;
	s11 =	simm.s32 $0x3;
	s12 =	simm.s32 $0x40;
	vm1 =	vcmask $0x2B28;
	v0 =	vunpack.c.0.s8.s32 v0;
	v1 =	vunpack.c.0.s8.s32 v1  }
0xd: {  	s13 =	simm.s32 $0x400;
	s14 =	simm.s32 $0x4400;
	s15 =	simm.s32 $0x2400;
	v4 =	vunpack.c.0.s8.s32 v4;
	v59 =	vunpack.c.0.s8.s32 v5;
	vm0 =	vmor vm0, vm1  }
0xe: {  	s16 =	simm.s32 $0x240;
	s17 =	simm.s32 $0x6400;
	s18 =	simm.s32 $0x2;
	vm1 =	vcmask $0x3330;
	v6 =	vcombine.low v1, v0;
	v1 =	vunpack.c.l.s4.s8 v58  }
0xf: {  	s19 =	simm.s32 $0x4;
	s20 =	simm.s32 $0x8400;
	[smem:$0x7FF] =	sst s3;
	v63 =	vcombine.low v4, v3;
	vm0 =	vmor vm0, vm1;
	vm1 =	vcmask $0x3B38  }
0x10: {  	s21 =	simm.s32 $0x5;
	s5 =	sand.u32 $0x1, s5;
	_ =	strace $0x80000047;
	[tilespmem:$0x1FFC0] =	vst v62;
	vm0 =	vmor vm0, vm1;
	vm1 =	vcmask $0x1710;
	v1 =	vunpack.c.0.s8.s32 v1  }
0x11: {  	s9 =	sshll.u32 s9, $0x7;
	s6 =	ssub.s32 $0x2, s5;
	s5 =	sshll.u32 s5, $0x6;
	v3 =	vand.u32 $0xF, v59;
	v7 =	vand.u32 $0xF, v2;
	[tilespmem:$0x1FFB0] =	vst v63;
	vm1 =	vmor vm2, vm1  }
0x12: {  	s22 =	simm.s32 $0x0;
	s8 =	sshrl.u32 s6, $0x1;
	s9 =	sor.u32 s5, s9;
	vm2 =	vcmask $0x2720;
	[tilespmem:$0x1FFF0] =	vst v7;
	v61 =	vand.u32 $0xF, v6;
	v3 =	vcombine.low v3, v1  }
0x13: {  	s8 =	ssub.s32 s6, s8;
	s5 =	sadd.s32 s2, s9;
	s6 =	sadd.s32 s4, s9;
	vm1 =	vmor vm1, vm2;
	vm2 =	vcmask $0x3730;
	[tilespmem:$0x1FFE0] =	vst v61  }
0x14: {  	s7 =	sadd.s32 s7, s9;
	s9 =	simm.s32 $0x200;
	s8 =	smax.u32 s8, $0x1;
	vm1 =	vmor vm1, vm2;
	[tilespmem:$0x1FFD0] =	vst v3  }
.LBB2_1:
0x15: {  	[tilespmem:s3], [sflag:$0x1] =	stream.linear.gather [hbm4b:s5+s3], $0x200, $0x38;
	[tilespmem:$0x8600] =	vst v63  }
0x16: {  	_ = 	snop  }
0x17: {  	[tilespmem:s9], [sflag:$0x3] =	stream.linear.gather [hbm4b:s6+s3], $0x200, $0x38;
	[tilespmem:$0x8600] =	vst v63  }
0x18: {  	_ =	swait.ge [sflag:s10], $0x200  }
0x19: {  	[sflag:s10] =	ssyncset.done $0x0  }
0x1a: {  	[sflag:s10] =	ssyncadd.s32 $0xFFFFFE00  }
0x1b: {  	_ =	swait.ge [sflag:s11], $0x200  }
0x1c: {  	[sflag:s11] =	ssyncset.done $0x0  }
0x1d: {  	[sflag:s11] =	ssyncadd.s32 $0xFFFFFE00  }
0x1e: {  	[tilespmem:s13], [sflag:$0x1] =	stream.indirect.gather [hbm4b:s0+s12], $0x80, s3, s12, $0xb8;
	[tilespmem:$0x8600] =	vst v63  }
0x1f: {  	_ = 	snop  }
0x20: {  	[tilespmem:s14], [sflag:$0x3] =	stream.indirect.gather [hbm4b:s1+s12], $0x80, s9, s12, $0xb8;
	[tilespmem:$0x8600] =	vst v63  }
0x21: {  	_ = 	snop  }
0x22: {  	[tilespmem:s15], [sflag:$0x2] =	stream.indirect.gather [hbm4b:s0+s12], $0x80, s12, s12, $0xb8;
	[tilespmem:$0x8600] =	vst v63  }
0x23: {  	s23 =	simm.s32 $0x0  }
0x24: {  	[tilespmem:s17], [sflag:$0x4] =	stream.indirect.gather [hbm4b:s1+s12], $0x80, s16, s12, $0xb8;
	[tilespmem:$0x8600] =	vst v63  }
.LBB2_2:
0x25: {  	_ =	swait.ge [sflag:s10], $0x2000  }
0x26: {  	s24 =	sshll.u32 s23, $0x7;
	[sflag:s10] =	ssyncset.done $0x0  }
0x27: {  	s25 =	sand.u32 $0x3FFFFF80, s24;
	[sflag:s10] =	ssyncadd.s32 $0xFFFFE000  }
0x28: {  	s2 =	sadd.s32 $0x8400, s25;
	_ =	swait.ge [sflag:s11], $0x2000  }
0x29: {  	s26 =	simm.s32 $0x0;
	v0 =	vmov s2;
	[sflag:s11] =	ssyncset.done $0x0  }
0x2a: {  	s28 =	simm.s32 $0x500;
	s4 =	simm.s32 $0x4500;
	[tilespmem:$0x1FFA0] =	vst v0;
	[sflag:s11] =	ssyncadd.s32 $0xFFFFE000  }
.LBB2_3:
0x2b: {  	v18 =	vld [tilespmem:s28+$0xFFFFFF00]  }
0x2c: {  	v26 =	vld [tilespmem:s4+$0xFFFFFF00]  }
0x2d: {  	v29 =	vld [tilespmem:s28+$0xFFFFFF10]  }
0x2e: {  	v9 =	vld [tilespmem:s4+$0xFFFFFF10]  }
0x2f: {  	v7 =	vld [tilespmem:s28+$0xFFFFFF20]  }
0x30: {  	v30 =	vld [tilespmem:s4+$0xFFFFFF20]  }
0x31: {  	v36 =	vld [tilespmem:s28+$0xFFFFFF30]  }
0x32: {  	v37 =	vld [tilespmem:s4+$0xFFFFFF30]  }
0x33: {  	v34 =	vld [tilespmem:s28+$0xFFFFFF40]  }
0x34: {  	v15 =	vld [tilespmem:s4+$0xFFFFFF40]  }
0x35: {  	v16 =	vld [tilespmem:s28+$0xFFFFFF50]  }
0x36: {  	v17 =	vld [tilespmem:s4+$0xFFFFFF50]  }
0x37: {  	v5 =	vld [tilespmem:s28+$0xFFFFFF60]  }
0x38: {  	v19 =	vld [tilespmem:s4+$0xFFFFFF60]  }
0x39: {  	v20 =	vld [tilespmem:s28+$0xFFFFFF70]  }
0x3a: {  	v21 =	vld [tilespmem:s4+$0xFFFFFF70]  }
0x3b: {  	v22 =	vld [tilespmem:s28+$0xFFFFFF80]  }
0x3c: {  	v23 =	vld [tilespmem:s4+$0xFFFFFF80]  }
0x3d: {  	v24 =	vld [tilespmem:s28+$0xFFFFFF90]  }
0x3e: {  	v25 =	vld [tilespmem:s4+$0xFFFFFF90]  }
0x3f: {  	v10 =	vld [tilespmem:s28+$0xFFFFFFA0]  }
0x40: {  	v27 =	vld [tilespmem:s4+$0xFFFFFFA0]  }
0x41: {  	v28 =	vld [tilespmem:s28+$0xFFFFFFB0]  }
0x42: {  	v6 =	vld [tilespmem:s4+$0xFFFFFFB0]  }
0x43: {  	v8 =	vld [tilespmem:s28+$0xFFFFFFC0]  }
0x44: {  	v31 =	vld [tilespmem:s4+$0xFFFFFFC0]  }
0x45: {  	v32 =	vld [tilespmem:s28+$0xFFFFFFD0]  }
0x46: {  	v33 =	vld [tilespmem:s4+$0xFFFFFFD0]  }
0x47: {  	v14 =	vld [tilespmem:s28+$0xFFFFFFE0]  }
0x48: {  	v35 =	vld [tilespmem:s4+$0xFFFFFFE0]  }
0x49: {  	v11 =	vld [tilespmem:s28+$0xFFFFFFF0]  }
0x4a: {  	v12 =	vld [tilespmem:s4+$0xFFFFFFF0]  }
0x4b: {  	v13 =	vld [tilespmem:s28+$0x0]  }
0x4c: {  	v39 =	vld [tilespmem:s4+$0x0]  }
0x4d: {  	v40 =	vld [tilespmem:s28+$0x10]  }
0x4e: {  	v41 =	vld [tilespmem:s4+$0x10]  }
0x4f: {  	v42 =	vld [tilespmem:s28+$0x20]  }
0x50: {  	v43 =	vld [tilespmem:s4+$0x20]  }
0x51: {  	v44 =	vld [tilespmem:s28+$0x30]  }
0x52: {  	v45 =	vld [tilespmem:s4+$0x30]  }
0x53: {  	v46 =	vld [tilespmem:s28+$0x40]  }
0x54: {  	v47 =	vld [tilespmem:s4+$0x40]  }
0x55: {  	v48 =	vld [tilespmem:s28+$0x50]  }
0x56: {  	v49 =	vld [tilespmem:s4+$0x50]  }
0x57: {  	v50 =	vld [tilespmem:s28+$0x60]  }
0x58: {  	v51 =	vld [tilespmem:s4+$0x60]  }
0x59: {  	v52 =	vld [tilespmem:s28+$0x70]  }
0x5a: {  	v53 =	vld [tilespmem:s4+$0x70]  }
0x5b: {  	v54 =	vld [tilespmem:s28+$0x80];
	v18 =	vmul.f32 v26, v18;
	v55 =	vmul.f32 v9, v29  }
0x5c: {  	v56 =	vld [tilespmem:s4+$0x80];
	v57 =	vmul.f32 v30, v7;
	v58 =	vmul.f32 v37, v36  }
0x5d: {  	v59 =	vld [tilespmem:s28+$0x90];
	v60 =	vmul.f32 v15, v34;
	v61 =	vmul.f32 v17, v16  }
0x5e: {  	v62 =	vld [tilespmem:s4+$0x90];
	v63 =	vmul.f32 v19, v5;
	v34 =	vmul.f32 v21, v20  }
0x5f: {  	v2 =	vld [tilespmem:s4+$0xB0];
	v38 =	vmul.f32 v23, v22;
	v0 =	vmul.f32 v25, v24  }
0x60: {  	v4 =	vld [tilespmem:s4+$0xC0];
	v1 =	vmul.f32 v27, v10;
	v30 =	vmul.f32 v6, v28  }
0x61: {  	v26 =	vld [tilespmem:s28+$0xA0];
	v8 =	vmul.f32 v31, v8;
	v9 =	vmul.f32 v33, v32  }
0x62: {  	v25 =	vld [tilespmem:s4+$0xA0];
	v10 =	vmul.f32 v35, v14;
	v12 =	vmul.f32 v12, v11  }
0x63: {  	v29 =	vld [tilespmem:s28+$0xB0];
	v11 =	vmul.f32 v39, v13;
	v13 =	vmul.f32 v41, v40  }
0x64: {  	v7 =	vld [tilespmem:s28+$0xC0];
	v14 =	vmul.f32 v43, v42;
	v16 =	vmul.f32 v45, v44  }
0x65: {  	v21 =	vld [tilespmem:s28+$0xD0];
	v15 =	vmul.f32 v47, v46;
	v17 =	vmul.f32 v49, v48  }
0x66: {  	v28 =	vld [tilespmem:s4+$0xD0];
	v20 =	vmul.f32 v51, v50;
	v22 =	vmul.f32 v53, v52  }
0x67: {  	v40 =	vimm.f32 $0.0e+00;
	v27 =	vld [tilespmem:s28+$0xE0];
	v23 =	vmul.f32 v56, v54;
	v18 =	vadd.f32 v55, v18  }
0x68: {  	v24 =	vmul.f32 v62, v59;
	v32 =	vld [tilespmem:s4+$0xE0];
	v19 =	vadd.f32 v58, v57;
	v30 =	vadd.f32 v30, v1  }
0x69: {  	s31 =	sadd.s32 $0x200, s28;
	v33 =	vld [tilespmem:s28+$0xF0];
	v31 =	vmul.f32 v25, v26;
	v25 =	vadd.f32 v61, v60;
	v26 =	vadd.f32 v34, v63  }
0x6a: {  	s2 =	simm.s32 $0x1;
	s29 =	smov.u32 s4;
	s30 =	simm.s32 $0x0;
	v35 =	vld [tilespmem:s4+$0xF0];
	v34 =	vmul.f32 v2, v29;
	v29 =	vadd.f32 v0, v38;
	v36 =	vmul.f32 v4, v7  }
.LBB2_4:
0x6b: {  	v7 =	vld [tilespmem:s31+$0xFFFFFF00]  }
0x6c: {  	v2 =	vld [tilespmem:s31+$0xFFFFFF30]  }
0x6d: {  	v0 =	vld [tilespmem:$0x1FFF0]  }
0x6e: {  	v60 =	vld [tilespmem:$0x1FFE0]  }
0x6f: {  	v1 =	vld [tilespmem:$0x1FFB0]  }
0x70: {  	v3 =	vld [tilespmem:$0x1FFD0]  }
0x71: {  	v63 =	vld [tilespmem:$0x1FFC0]  }
0x72: {  	v38 =	vld [tilespmem:s31+$0x0]  }
0x73: {  	v42 =	vld [tilespmem:s31+$0x20]  }
0x74: {  	v44 =	vld [tilespmem:s31+$0x30]  }
0x75: {  	v46 =	vld [tilespmem:s31+$0x40]  }
0x76: {  	v48 =	vld [tilespmem:s31+$0x50]  }
0x77: {  	v50 =	vld [tilespmem:s31+$0x60]  }
0x78: {  	v52 =	vld [tilespmem:s31+$0x70]  }
0x79: {  	v54 =	vld [tilespmem:s31+$0x80]  }
0x7a: {  	s29 =	sadd.s32 $0x200, s29;
	v57 =	vld [tilespmem:s31+$0x90]  }
0x7b: {  	v5 =	vadd.f32 v9, v8;
	v8 =	vld [tilespmem:s29+$0xFFFFFF00]  }
0x7c: {  	v9 =	vld [tilespmem:s31+$0xFFFFFF10]  }
0x7d: {  	v37 =	vadd.f32 v12, v10;
	v10 =	vld [tilespmem:s29+$0xFFFFFF10]  }
0x7e: {  	v13 =	vadd.f32 v13, v11;
	v15 =	vadd.f32 v17, v15;
	v11 =	vld [tilespmem:s31+$0xFFFFFF20]  }
0x7f: {  	v18 =	vadd.f32 v19, v18;
	v19 =	vadd.f32 v26, v25;
	v25 =	vld [tilespmem:s29+$0xFFFFFF30]  }
0x80: {  	v17 =	vadd.f32 v22, v20;
	v22 =	vadd.f32 v34, v31;
	v34 =	vld [tilespmem:s31+$0xFFFFFFF0]  }
0x81: {  	v39 =	vld [tilespmem:s29+$0x0]  }
0x82: {  	v41 =	vld [tilespmem:s29+$0x10]  }
0x83: {  	v43 =	vld [tilespmem:s29+$0x20]  }
0x84: {  	v45 =	vld [tilespmem:s29+$0x30]  }
0x85: {  	v47 =	vld [tilespmem:s29+$0x40]  }
0x86: {  	v49 =	vld [tilespmem:s29+$0x50]  }
0x87: {  	v51 =	vld [tilespmem:s29+$0x60]  }
0x88: {  	v53 =	vld [tilespmem:s29+$0x70]  }
0x89: {  	v55 =	vld [tilespmem:s29+$0x80]  }
0x8a: {  	v14 =	vadd.f32 v16, v14;
	v59 =	vld [tilespmem:s29+$0x90]  }
0x8b: {  	v31 =	vld [tilespmem:s29+$0xA0]  }
0x8c: {  	v13 =	vadd.f32 v14, v13;
	v14 =	vadd.f32 v17, v15;
	v15 =	vld [tilespmem:s31+$0xFFFFFF40]  }
0x8d: {  	v18 =	vadd.f32 v19, v18;
	v19 =	vld [tilespmem:s31+$0xFFFFFF50];
	v12 =	vmul.f32 v28, v21  }
0x8e: {  	v5 =	vadd.f32 v37, v5;
	v37 =	vld [tilespmem:s29+$0xFFFFFFE0];
	v16 =	vmul.f32 v32, v27;
	v20 =	vmul.f32 v35, v33  }
0x8f: {  	v21 =	vadd.f32 v24, v23;
	v27 =	vld [tilespmem:s29+$0xFFFFFF60]  }
0x90: {  	v28 =	vld [tilespmem:s31+$0xFFFFFF90];
	v23 =	vadd.f32 v12, v36;
	v16 =	vadd.f32 v20, v16  }
0x91: {  	v24 =	vadd.f32 v30, v29;
	v29 =	vld [tilespmem:s29+$0xFFFFFF90]  }
0x92: {  	v32 =	vld [tilespmem:s31+$0xFFFFFFC0];
	v17 =	vadd.f32 v22, v21;
	v16 =	vadd.f32 v16, v23  }
0x93: {  	v33 =	vld [tilespmem:s31+$0xFFFFFFD0];
	v13 =	vadd.f32 v14, v13;
	v5 =	vadd.f32 v5, v24  }
0x94: {  	v62 =	vmov s30;
	v35 =	vld [tilespmem:s29+$0xFFFFFFD0];
	v14 =	vadd.f32 v16, v17  }
0x95: {  	vm2 =	veq.s32 v62, v63;
	v62 =	vld [tilespmem:s31+$0xA0];
	v24 =	vperm.xlane v13, v0;
	v22 =	vperm.xlane v5, v0  }
0x96: {  	v12 =	vld [tilespmem:s29+$0xFFFFFF20];
	v17 =	vperm.xlane v18, v0;
	v26 =	vperm.xlane v14, v0  }
0x97: {  	v21 =	vld [tilespmem:s29+$0xFFFFFF40];
	v13 =	vadd.f32 v24, v13;
	v5 =	vadd.f32 v22, v5  }
0x98: {  	v36 =	vld [tilespmem:s31+$0xFFFFFFE0];
	v17 =	vadd.f32 v17, v18;
	v14 =	vadd.f32 v26, v14  }
0x99: {  	v23 =	vld [tilespmem:s31+$0xFFFFFF60]  }
0x9a: {  	v24 =	vld [tilespmem:s31+$0xFFFFFF80];
	v29 =	vmul.f32 v29, v28;
	v5 =	vsel vm0, v17, v5;
	v13 =	vsel vm0, v13, v14  }
0x9b: {  	v28 =	vld [tilespmem:s29+$0xD0];
	v17 =	vperm.xlane v5, v60;
	v26 =	vperm.xlane v13, v60  }
0x9c: {  	v16 =	vld [tilespmem:s29+$0xFFFFFF50]  }
0x9d: {  	v22 =	vld [tilespmem:s29+$0xFFFFFF70];
	v5 =	vadd.f32 v17, v5;
	v13 =	vadd.f32 v26, v13  }
0x9e: {  	v56 =	vmul.f32 v10, v9;
	v10 =	vmul.f32 v37, v36;
	v37 =	vld [tilespmem:s29+$0xC0]  }
0x9f: {  	v0 =	vld [tilespmem:s29+$0xFFFFFFA0];
	v5 =	vsel vm1, v5, v13  }
0xa0: {  	v17 =	vld [tilespmem:s31+$0xFFFFFFA0];
	v30 =	vperm.xlane v5, v1  }
0xa1: {  	v13 =	vld [tilespmem:s31+$0xFFFFFFB0]  }
0xa2: {  	v7 =	vmul.f32 v8, v7;
	v1 =	vld [tilespmem:s29+$0xFFFFFFB0];
	v5 =	vadd.f32 v5, v30  }
0xa3: {  	v25 =	vmul.f32 v25, v2;
	v9 =	vmul.f32 v35, v33;
	v18 =	vld [tilespmem:s31+$0xFFFFFF70]  }
0xa4: {  	v31 =	vmul.f32 v31, v62;
	v14 =	vld [tilespmem:s29+$0xFFFFFF80];
	v61 =	vperm.xlane v5, v3  }
0xa5: {  	v58 =	vmul.f32 v12, v11;
	v2 =	vmul.f32 v0, v17;
	v0 =	vld [tilespmem:s29+$0xB0]  }
0xa6: {  	v11 =	vmul.f32 v39, v38;
	v63 =	vmul.f32 v27, v23;
	v30 =	vld [tilespmem:s29+$0xFFFFFFC0];
	v5 =	vadd.f32 v5, v61  }
0xa7: {  	v23 =	vmul.f32 v55, v54;
	v6 =	vmul.f32 v1, v13;
	v1 =	vld [tilespmem:s31+$0xC0]  }
0xa8: {  	v60 =	vmul.f32 v21, v15;
	v15 =	vmul.f32 v47, v46;
	v20 =	vsel vm2, v5, v40;
	v5 =	vld [tilespmem:s29+$0xFFFFFFF0]  }
0xa9: {  	v26 =	vmul.f32 v22, v18;
	v22 =	vmul.f32 v53, v52;
	v40 =	vld [tilespmem:s31+$0x10]  }
0xaa: {  	p0 =	sne.s32 s2, $0x3;
	v18 =	vadd.f32 v56, v7;
	v4 =	vmul.f32 v14, v24;
	v14 =	vmul.f32 v43, v42;
	v3 =	vld [tilespmem:s31+$0xB0]  }
.Ltmp0:
0xab: {  	v33 =	vld [tilespmem:s31+$0xF0];
	v24 =	vmul.f32 v59, v57;
	v26 =	vadd.f32 v26, v63;
	v17 =	vmul.f32 v49, v48;
	(pc) =	sbr.rel @p0 .LBB2_4-.Ltmp0, $4  }
0xac: {  	v35 =	vld [tilespmem:s29+$0xF0];
	v29 =	vadd.f32 v29, v4;
	v61 =	vmul.f32 v16, v19;
	v16 =	vmul.f32 v45, v44  }
0xad: {  	v27 =	vld [tilespmem:s31+$0xE0];
	v19 =	vadd.f32 v25, v58;
	v8 =	vmul.f32 v30, v32;
	v36 =	vmul.f32 v37, v1  }
0xae: {  	v21 =	vld [tilespmem:s31+$0xD0];
	v30 =	vadd.f32 v6, v2;
	v12 =	vmul.f32 v5, v34;
	v13 =	vmul.f32 v41, v40  }
0xaf: {  	s30 =	smov.u32 s2;
	s2 =	sadd.s32 $0x1, s2;
	v32 =	vld [tilespmem:s29+$0xE0];
	v25 =	vadd.f32 v61, v60;
	s31 =	sadd.s32 $0x200, s31;
	v40 =	vmovc v20;
	v20 =	vmul.f32 v51, v50;
	v34 =	vmul.f32 v0, v3  }
0xb0: {  	v0 =	vadd.f32 v9, v8  }
0xb1: {  	v1 =	vadd.f32 v12, v10;
	v3 =	vadd.f32 v13, v11  }
0xb2: {  	v4 =	vadd.f32 v16, v14;
	v6 =	vadd.f32 v17, v15  }
0xb3: {  	v42 =	vadd.f32 v24, v23;
	v44 =	vadd.f32 v19, v18  }
0xb4: {  	v46 =	vadd.f32 v30, v29;
	v7 =	vadd.f32 v22, v20;
	v41 =	vmul.f32 v35, v33  }
0xb5: {  	v43 =	vadd.f32 v34, v31;
	v2 =	vmul.f32 v28, v21;
	v5 =	vmul.f32 v32, v27  }
0xb6: {  	v45 =	vadd.f32 v26, v25;
	v0 =	vadd.f32 v1, v0  }
0xb7: {  	v51 =	vld [tilespmem:$0x1FFF0];
	v2 =	vadd.f32 v2, v36;
	v5 =	vadd.f32 v41, v5  }
0xb8: {  	v47 =	vadd.f32 v4, v3;
	v48 =	vadd.f32 v7, v6  }
0xb9: {  	v49 =	vadd.f32 v43, v42;
	v2 =	vadd.f32 v5, v2  }
0xba: {  	v50 =	vadd.f32 v45, v44;
	v0 =	vadd.f32 v0, v46  }
0xbb: {  	v1 =	vadd.f32 v48, v47;
	v2 =	vadd.f32 v2, v49  }
0xbc: {  	v52 =	vperm.xlane v50, v51;
	v53 =	vperm.xlane v0, v51  }
0xbd: {  	v56 =	vld [tilespmem:$0x1FFE0];
	v54 =	vperm.xlane v1, v51;
	v55 =	vperm.xlane v2, v51  }
0xbe: {  	v3 =	vadd.f32 v52, v50;
	v0 =	vadd.f32 v53, v0  }
0xbf: {  	v1 =	vadd.f32 v54, v1;
	v2 =	vadd.f32 v55, v2;
	_ =	sdelay $0x1  }
0xc0: {  	v0 =	vsel vm0, v3, v0;
	v1 =	vsel vm0, v1, v2  }
0xc1: {  	v59 =	vld [tilespmem:$0x1FFB0];
	v57 =	vperm.xlane v0, v56;
	v58 =	vperm.xlane v1, v56;
	_ =	sdelay $0x1  }
0xc2: {  	v0 =	vadd.f32 v57, v0;
	v1 =	vadd.f32 v58, v1;
	_ =	sdelay $0x1  }
0xc3: {  	v60 =	vld [tilespmem:$0x1FFD0];
	v0 =	vsel vm1, v0, v1  }
0xc4: {  	v1 =	vperm.xlane v0, v59  }
0xc5: {  	v63 =	vld [tilespmem:$0x1FFA0]  }
0xc6: {  	v62 =	vld [tilespmem:$0x1FFC0];
	v0 =	vadd.f32 v0, v1  }
0xc7: {  	s2 =	sshll.u32 s26, $0x4;
	s26 =	sadd.s32 $0x1, s26  }
0xc8: {  	p0 =	sne.s32 s26, $0x4;
	v1 =	vperm.xlane v0, v60  }
.Ltmp1:
0xc9: {  	_ = 	snop;
	(pc) =	sbr.rel @p0 .LBB2_3-.Ltmp1, $4  }
0xca: {  	v61 =	vmov s30;
	v0 =	vadd.f32 v0, v1  }
0xcb: {  	vm2 =	veq.s32 v61, v62  }
0xcc: {  	s2 =	sand.u32 $0x3FFFFFF0, s2;
	v0 =	vsel vm2, v0, v40  }
0xcd: {  	s28 =	sadd.s32 $0x800, s28;
	s4 =	sadd.s32 $0x800, s4;
	[tilespmem:v63+s2+$0x0 ss:$0x1] =	vst.idx.msk $0xffff, v0  }
0xce: {  	s2 =	sadd.s32 $0x80, s24  }
0xcf: {  	[tilespmem:s13], [sflag:$0x1] =	stream.indirect.gather [hbm4b:s0+s12], $0x80, s2, s12, $0xb8;
	[tilespmem:$0x8600] =	vst v63  }
0xd0: {  	s30 =	sadd.s32 $0x280, s24  }
0xd1: {  	[tilespmem:s14], [sflag:$0x3] =	stream.indirect.gather [hbm4b:s1+s12], $0x80, s30, s12, $0xb8;
	[tilespmem:$0x8600] =	vst v63  }
0xd2: {  	_ =	swait.ge [sflag:s18], $0x2000  }
0xd3: {  	[sflag:s18] =	ssyncset.done $0x0  }
0xd4: {  	[sflag:s18] =	ssyncadd.s32 $0xFFFFE000  }
0xd5: {  	s31 =	sadd.s32 $0x8440, s25;
	_ =	swait.ge [sflag:s19], $0x2000  }
0xd6: {  	s25 =	simm.s32 $0x0;
	v0 =	vmov s31;
	[sflag:s19] =	ssyncset.done $0x0  }
0xd7: {  	s26 =	simm.s32 $0x65F0;
	s28 =	simm.s32 $0x25F0;
	[tilespmem:$0x1FF90] =	vst v0;
	[sflag:s19] =	ssyncadd.s32 $0xFFFFE000  }
.LBB2_7:
0xd8: {  	v0 =	vld [tilespmem:s28+$0xFFFFFE10]  }
0xd9: {  	v1 =	vld [tilespmem:s26+$0xFFFFFE10]  }
0xda: {  	v2 =	vld [tilespmem:s28+$0xFFFFFE20]  }
0xdb: {  	v3 =	vld [tilespmem:s26+$0xFFFFFE20]  }
0xdc: {  	v4 =	vld [tilespmem:s28+$0xFFFFFE30]  }
0xdd: {  	v6 =	vld [tilespmem:s26+$0xFFFFFE30]  }
0xde: {  	v7 =	vld [tilespmem:s28+$0xFFFFFE40]  }
0xdf: {  	v8 =	vld [tilespmem:s26+$0xFFFFFE40]  }
0xe0: {  	v9 =	vld [tilespmem:s28+$0xFFFFFE50]  }
0xe1: {  	v10 =	vld [tilespmem:s26+$0xFFFFFE50]  }
0xe2: {  	v11 =	vld [tilespmem:s28+$0xFFFFFE60]  }
0xe3: {  	v12 =	vld [tilespmem:s26+$0xFFFFFE60]  }
0xe4: {  	v13 =	vld [tilespmem:s28+$0xFFFFFE70]  }
0xe5: {  	v14 =	vld [tilespmem:s26+$0xFFFFFE70]  }
0xe6: {  	v15 =	vld [tilespmem:s28+$0xFFFFFE80]  }
0xe7: {  	v16 =	vld [tilespmem:s26+$0xFFFFFE80]  }
0xe8: {  	v17 =	vld [tilespmem:s28+$0xFFFFFE90]  }
0xe9: {  	v18 =	vld [tilespmem:s26+$0xFFFFFE90]  }
0xea: {  	v19 =	vld [tilespmem:s28+$0xFFFFFEA0]  }
0xeb: {  	v20 =	vld [tilespmem:s26+$0xFFFFFEA0]  }
0xec: {  	v21 =	vld [tilespmem:s28+$0xFFFFFEB0]  }
0xed: {  	v22 =	vld [tilespmem:s26+$0xFFFFFEB0]  }
0xee: {  	v23 =	vld [tilespmem:s28+$0xFFFFFEC0]  }
0xef: {  	v24 =	vld [tilespmem:s26+$0xFFFFFEC0]  }
0xf0: {  	v25 =	vld [tilespmem:s28+$0xFFFFFED0]  }
0xf1: {  	v26 =	vld [tilespmem:s26+$0xFFFFFED0]  }
0xf2: {  	v27 =	vld [tilespmem:s28+$0xFFFFFEE0]  }
0xf3: {  	v28 =	vld [tilespmem:s26+$0xFFFFFEE0]  }
0xf4: {  	v29 =	vld [tilespmem:s28+$0xFFFFFEF0]  }
0xf5: {  	v30 =	vld [tilespmem:s26+$0xFFFFFEF0]  }
0xf6: {  	v31 =	vld [tilespmem:s28+$0xFFFFFF00]  }
0xf7: {  	v32 =	vld [tilespmem:s26+$0xFFFFFF00]  }
0xf8: {  	v33 =	vld [tilespmem:s28+$0xFFFFFF10]  }
0xf9: {  	v34 =	vld [tilespmem:s26+$0xFFFFFF10]  }
0xfa: {  	v35 =	vld [tilespmem:s28+$0xFFFFFF20]  }
0xfb: {  	v36 =	vld [tilespmem:s26+$0xFFFFFF20]  }
0xfc: {  	v37 =	vld [tilespmem:s28+$0xFFFFFF30]  }
0xfd: {  	v38 =	vld [tilespmem:s26+$0xFFFFFF30]  }
0xfe: {  	v39 =	vld [tilespmem:s28+$0xFFFFFF40]  }
0xff: {  	v40 =	vld [tilespmem:s26+$0xFFFFFF40]  }
0x100: {  	v41 =	vld [tilespmem:s28+$0xFFFFFF50]  }
0x101: {  	v42 =	vld [tilespmem:s26+$0xFFFFFF50]  }
0x102: {  	v43 =	vld [tilespmem:s28+$0xFFFFFF60]  }
0x103: {  	v44 =	vld [tilespmem:s26+$0xFFFFFF60]  }
0x104: {  	v45 =	vld [tilespmem:s28+$0xFFFFFF70]  }
0x105: {  	v46 =	vld [tilespmem:s26+$0xFFFFFF70]  }
0x106: {  	v47 =	vld [tilespmem:s28+$0xFFFFFF80]  }
0x107: {  	v48 =	vld [tilespmem:s26+$0xFFFFFF80]  }
0x108: {  	v49 =	vld [tilespmem:s28+$0xFFFFFF90];
	v0 =	vmul.f32 v1, v0;
	v1 =	vmul.f32 v3, v2  }
0x109: {  	v52 =	vld [tilespmem:s26+$0xFFFFFFA0];
	v3 =	vmul.f32 v6, v4;
	v4 =	vmul.f32 v8, v7  }
0x10a: {  	v55 =	vld [tilespmem:s28+$0xFFFFFFB0];
	v50 =	vmul.f32 v10, v9;
	v51 =	vmul.f32 v12, v11  }
0x10b: {  	v58 =	vld [tilespmem:s26+$0xFFFFFFB0];
	v53 =	vmul.f32 v14, v13;
	v54 =	vmul.f32 v16, v15  }
0x10c: {  	v61 =	vld [tilespmem:s28+$0xFFFFFFC0];
	v56 =	vmul.f32 v18, v17;
	v57 =	vmul.f32 v20, v19  }
0x10d: {  	v62 =	vld [tilespmem:s26+$0xFFFFFFC0];
	v59 =	vmul.f32 v22, v21;
	v60 =	vmul.f32 v24, v23  }
0x10e: {  	v63 =	vld [tilespmem:s28+$0xFFFFFFD0];
	v8 =	vmul.f32 v26, v25;
	v9 =	vmul.f32 v28, v27  }
0x10f: {  	v5 =	vld [tilespmem:s26+$0xFFFFFFD0];
	v10 =	vmul.f32 v30, v29;
	v12 =	vmul.f32 v32, v31  }
0x110: {  	v2 =	vld [tilespmem:s26+$0xFFFFFF90];
	v11 =	vmul.f32 v34, v33;
	v13 =	vmul.f32 v36, v35  }
0x111: {  	v7 =	vld [tilespmem:s28+$0xFFFFFFA0];
	v14 =	vmul.f32 v38, v37;
	v16 =	vmul.f32 v40, v39  }
0x112: {  	v21 =	vld [tilespmem:s28+$0xFFFFFFE0];
	v15 =	vmul.f32 v42, v41;
	v17 =	vmul.f32 v44, v43  }
0x113: {  	v28 =	vld [tilespmem:s26+$0xFFFFFFE0];
	v20 =	vmul.f32 v46, v45;
	v22 =	vmul.f32 v48, v47  }
0x114: {  	v37 =	vimm.f32 $0.0e+00;
	v27 =	vld [tilespmem:s28+$0xFFFFFFF0];
	v31 =	vmul.f32 v58, v55;
	v18 =	vadd.f32 v1, v0  }
0x115: {  	v32 =	vld [tilespmem:s26+$0xFFFFFFF0];
	v34 =	vmul.f32 v62, v61;
	v19 =	vadd.f32 v4, v3;
	v25 =	vadd.f32 v51, v50  }
0x116: {  	s30 =	sadd.s32 $0x200, s28;
	v33 =	vld [tilespmem:s28+$0x0];
	v36 =	vmul.f32 v5, v63;
	v26 =	vadd.f32 v54, v53;
	v29 =	vadd.f32 v57, v56  }
0x117: {  	s2 =	simm.s32 $0x1;
	s4 =	smov.u32 s26;
	s29 =	simm.s32 $0x0;
	v35 =	vld [tilespmem:s26+$0x0];
	v30 =	vadd.f32 v60, v59;
	v23 =	vmul.f32 v2, v49;
	v24 =	vmul.f32 v52, v7  }
.LBB2_8:
0x118: {  	v7 =	vld [tilespmem:s30+$0xFFFFFE10]  }
0x119: {  	v6 =	vld [tilespmem:s30+$0xFFFFFE40]  }
0x11a: {  	v5 =	vld [tilespmem:$0x1FFF0]  }
0x11b: {  	v60 =	vld [tilespmem:$0x1FFE0]  }
0x11c: {  	v61 =	vld [tilespmem:$0x1FFB0]  }
0x11d: {  	v62 =	vld [tilespmem:$0x1FFD0]  }
0x11e: {  	v63 =	vld [tilespmem:$0x1FFC0]  }
0x11f: {  	v38 =	vld [tilespmem:s30+$0xFFFFFF30]  }
0x120: {  	v40 =	vld [tilespmem:s30+$0xFFFFFF40]  }
0x121: {  	v42 =	vld [tilespmem:s30+$0xFFFFFF50]  }
0x122: {  	v44 =	vld [tilespmem:s30+$0xFFFFFF60]  }
0x123: {  	v46 =	vld [tilespmem:s30+$0xFFFFFF70]  }
0x124: {  	v48 =	vld [tilespmem:s30+$0xFFFFFF80]  }
0x125: {  	v50 =	vld [tilespmem:s30+$0xFFFFFF90]  }
0x126: {  	v53 =	vld [tilespmem:s30+$0xFFFFFFA0]  }
0x127: {  	s4 =	sadd.s32 $0x200, s4;
	v57 =	vld [tilespmem:s30+$0xFFFFFFB0]  }
0x128: {  	v0 =	vadd.f32 v9, v8;
	v8 =	vld [tilespmem:s4+$0xFFFFFE10]  }
0x129: {  	v9 =	vld [tilespmem:s30+$0xFFFFFE20]  }
0x12a: {  	v1 =	vadd.f32 v12, v10;
	v10 =	vld [tilespmem:s4+$0xFFFFFE20]  }
0x12b: {  	v3 =	vadd.f32 v13, v11;
	v11 =	vld [tilespmem:s30+$0xFFFFFE30]  }
0x12c: {  	v58 =	vld [tilespmem:s4+$0xFFFFFE40]  }
0x12d: {  	v4 =	vadd.f32 v16, v14;
	v16 =	vadd.f32 v24, v23;
	v23 =	vld [tilespmem:s4+$0xFFFFFE70]  }
0x12e: {  	v24 =	vld [tilespmem:s30+$0xFFFFFEA0]  }
0x12f: {  	v18 =	vadd.f32 v19, v18;
	v19 =	vadd.f32 v26, v25;
	v25 =	vld [tilespmem:s4+$0xFFFFFEA0]  }
0x130: {  	v13 =	vadd.f32 v17, v15;
	v17 =	vadd.f32 v34, v31;
	v31 =	vld [tilespmem:s4+$0xFFFFFEE0]  }
0x131: {  	v34 =	vld [tilespmem:s30+$0xFFFFFF10]  }
0x132: {  	v39 =	vld [tilespmem:s4+$0xFFFFFF30]  }
0x133: {  	v41 =	vld [tilespmem:s4+$0xFFFFFF40]  }
0x134: {  	v43 =	vld [tilespmem:s4+$0xFFFFFF50]  }
0x135: {  	v45 =	vld [tilespmem:s4+$0xFFFFFF60]  }
0x136: {  	v47 =	vld [tilespmem:s4+$0xFFFFFF70]  }
0x137: {  	v14 =	vadd.f32 v22, v20;
	v49 =	vld [tilespmem:s4+$0xFFFFFF80];
	v2 =	vmul.f32 v28, v21  }
0x138: {  	v51 =	vld [tilespmem:s4+$0xFFFFFF90];
	v0 =	vadd.f32 v1, v0;
	v12 =	vmul.f32 v32, v27;
	v15 =	vmul.f32 v35, v33  }
0x139: {  	v55 =	vld [tilespmem:s4+$0xFFFFFFA0];
	v3 =	vadd.f32 v4, v3;
	v59 =	vadd.f32 v14, v13  }
0x13a: {  	v13 =	vld [tilespmem:s30+$0xFFFFFE50];
	v2 =	vadd.f32 v2, v36;
	v15 =	vadd.f32 v15, v12  }
0x13b: {  	v14 =	vadd.f32 v17, v16;
	v17 =	vld [tilespmem:s30+$0xFFFFFE60];
	v21 =	vadd.f32 v30, v29  }
0x13c: {  	v16 =	vadd.f32 v19, v18;
	v4 =	vld [tilespmem:s4+$0xFFFFFE60];
	v2 =	vadd.f32 v15, v2  }
0x13d: {  	v19 =	vld [tilespmem:s30+$0xFFFFFE70];
	v3 =	vadd.f32 v59, v3;
	v0 =	vadd.f32 v0, v21  }
0x13e: {  	v27 =	vld [tilespmem:s4+$0xFFFFFEC0];
	v2 =	vadd.f32 v2, v14  }
0x13f: {  	v28 =	vld [tilespmem:s30+$0xFFFFFED0];
	v21 =	vperm.xlane v3, v5;
	v18 =	vperm.xlane v0, v5  }
0x140: {  	v29 =	vld [tilespmem:s30+$0xFFFFFEE0];
	v14 =	vperm.xlane v16, v5;
	v22 =	vperm.xlane v2, v5  }
0x141: {  	v32 =	vld [tilespmem:s30+$0xFFFFFEF0];
	v3 =	vadd.f32 v21, v3;
	v0 =	vadd.f32 v18, v0  }
0x142: {  	v33 =	vld [tilespmem:s4+$0xFFFFFEF0];
	v14 =	vadd.f32 v14, v16;
	v2 =	vadd.f32 v22, v2  }
0x143: {  	v35 =	vld [tilespmem:s4+$0xFFFFFF10]  }
0x144: {  	v12 =	vld [tilespmem:s4+$0xFFFFFE30];
	v0 =	vsel vm0, v14, v0;
	v2 =	vsel vm0, v3, v2  }
0x145: {  	v36 =	vld [tilespmem:s30+$0xFFFFFF20];
	v14 =	vperm.xlane v0, v60;
	v22 =	vperm.xlane v2, v60  }
0x146: {  	v1 =	vmul.f32 v58, v6;
	v6 =	vld [tilespmem:s30+$0xFFFFFFD0]  }
0x147: {  	v15 =	vld [tilespmem:s4+$0xFFFFFE50];
	v0 =	vadd.f32 v14, v0;
	v2 =	vadd.f32 v22, v2  }
0x148: {  	v21 =	vld [tilespmem:s30+$0xFFFFFE90]  }
0x149: {  	v52 =	vmul.f32 v10, v9;
	v10 =	vmul.f32 v33, v32;
	v32 =	vld [tilespmem:s4+$0xFFFFFFF0];
	v0 =	vsel vm1, v0, v2  }
0x14a: {  	v18 =	vld [tilespmem:s4+$0xFFFFFE80];
	v26 =	vperm.xlane v0, v61  }
0x14b: {  	v16 =	vld [tilespmem:s30+$0xFFFFFE80]  }
0x14c: {  	v5 =	vld [tilespmem:s4+$0xFFFFFFC0];
	v0 =	vadd.f32 v0, v26  }
0x14d: {  	v3 =	vld [tilespmem:s4+$0xFFFFFE90]  }
0x14e: {  	v14 =	vld [tilespmem:s30+$0xFFFFFEB0];
	v30 =	vperm.xlane v0, v62  }
0x14f: {  	v7 =	vmul.f32 v8, v7;
	v60 =	vld [tilespmem:s4+$0xFFFFFFB0]  }
0x150: {  	v4 =	vmul.f32 v4, v17;
	v22 =	vld [tilespmem:s4+$0xFFFFFEB0];
	v0 =	vadd.f32 v0, v30;
	v30 =	vmov s29  }
0x151: {  	v58 =	vmul.f32 v23, v19;
	v17 =	vmul.f32 v45, v44;
	vm2 =	veq.s32 v30, v63;
	v30 =	vld [tilespmem:s30+$0xFFFFFF00]  }
0x152: {  	v23 =	vmul.f32 v51, v50;
	v9 =	vmul.f32 v31, v29;
	v20 =	vsel vm2, v0, v37;
	v0 =	vld [tilespmem:s4+$0xFFFFFF00]  }
0x153: {  	v54 =	vmul.f32 v12, v11;
	v11 =	vmul.f32 v35, v34;
	v2 =	vld [tilespmem:s30+$0xFFFFFEC0]  }
0x154: {  	v56 =	vmul.f32 v15, v13;
	v15 =	vmul.f32 v43, v42;
	v26 =	vld [tilespmem:s4+$0xFFFFFED0]  }
0x155: {  	v59 =	vmul.f32 v18, v16;
	v16 =	vmul.f32 v41, v40;
	v62 =	vld [tilespmem:s30+$0xFFFFFFC0]  }
0x156: {  	v3 =	vmul.f32 v3, v21;
	v61 =	vmul.f32 v25, v24;
	v37 =	vld [tilespmem:s4+$0xFFFFFF20]  }
0x157: {  	p0 =	sne.s32 s2, $0x3;
	v19 =	vadd.f32 v1, v54;
	v24 =	vmul.f32 v55, v53;
	v12 =	vmul.f32 v0, v30;
	v0 =	vld [tilespmem:s4+$0xFFFFFFD0]  }
.Ltmp2:
0x158: {  	v33 =	vld [tilespmem:s30+$0x0];
	v18 =	vadd.f32 v52, v7;
	v31 =	vmul.f32 v60, v57;
	v2 =	vmul.f32 v27, v2;
	(pc) =	sbr.rel @p0 .LBB2_8-.Ltmp2, $4  }
0x159: {  	v35 =	vld [tilespmem:s4+$0x0];
	v25 =	vadd.f32 v4, v56;
	v63 =	vmul.f32 v22, v14;
	v8 =	vmul.f32 v26, v28  }
0x15a: {  	v21 =	vld [tilespmem:s30+$0xFFFFFFE0];
	v29 =	vadd.f32 v61, v3;
	v14 =	vmul.f32 v39, v38;
	v22 =	vmul.f32 v49, v48  }
0x15b: {  	v27 =	vld [tilespmem:s30+$0xFFFFFFF0];
	v26 =	vadd.f32 v59, v58;
	v34 =	vmul.f32 v5, v62;
	v13 =	vmul.f32 v37, v36  }
0x15c: {  	s29 =	smov.u32 s2;
	s2 =	sadd.s32 $0x1, s2;
	v28 =	vld [tilespmem:s4+$0xFFFFFFE0];
	s30 =	sadd.s32 $0x200, s30;
	v37 =	vmovc v20;
	v20 =	vmul.f32 v47, v46;
	v30 =	vadd.f32 v2, v63;
	v36 =	vmul.f32 v0, v6  }
0x15d: {  	v0 =	vadd.f32 v9, v8  }
0x15e: {  	v1 =	vadd.f32 v12, v10;
	v3 =	vadd.f32 v13, v11  }
0x15f: {  	v4 =	vadd.f32 v16, v14;
	v6 =	vadd.f32 v17, v15  }
0x160: {  	v42 =	vadd.f32 v24, v23;
	v43 =	vadd.f32 v34, v31  }
0x161: {  	v44 =	vadd.f32 v19, v18;
	v45 =	vadd.f32 v26, v25;
	v41 =	vmul.f32 v35, v33  }
0x162: {  	v7 =	vadd.f32 v22, v20;
	v5 =	vmul.f32 v32, v27;
	v2 =	vmul.f32 v28, v21  }
0x163: {  	v46 =	vadd.f32 v30, v29;
	v0 =	vadd.f32 v1, v0  }
0x164: {  	v51 =	vld [tilespmem:$0x1FFF0];
	v5 =	vadd.f32 v41, v5;
	v2 =	vadd.f32 v2, v36  }
0x165: {  	v47 =	vadd.f32 v4, v3;
	v49 =	vadd.f32 v43, v42  }
0x166: {  	v48 =	vadd.f32 v7, v6;
	v2 =	vadd.f32 v5, v2  }
0x167: {  	v50 =	vadd.f32 v45, v44;
	v0 =	vadd.f32 v0, v46  }
0x168: {  	v1 =	vadd.f32 v48, v47;
	v2 =	vadd.f32 v2, v49  }
0x169: {  	v52 =	vperm.xlane v50, v51;
	v53 =	vperm.xlane v0, v51  }
0x16a: {  	v56 =	vld [tilespmem:$0x1FFE0];
	v54 =	vperm.xlane v1, v51;
	v55 =	vperm.xlane v2, v51  }
0x16b: {  	v3 =	vadd.f32 v52, v50;
	v0 =	vadd.f32 v53, v0  }
0x16c: {  	v1 =	vadd.f32 v54, v1;
	v2 =	vadd.f32 v55, v2;
	_ =	sdelay $0x1  }
0x16d: {  	v0 =	vsel vm0, v3, v0;
	v1 =	vsel vm0, v1, v2  }
0x16e: {  	v63 =	vld [tilespmem:$0x1FFB0];
	v57 =	vperm.xlane v0, v56;
	v58 =	vperm.xlane v1, v56;
	_ =	sdelay $0x1  }
0x16f: {  	v0 =	vadd.f32 v57, v0;
	v1 =	vadd.f32 v58, v1;
	_ =	sdelay $0x1  }
0x170: {  	v59 =	vld [tilespmem:$0x1FFD0];
	v0 =	vsel vm1, v0, v1  }
0x171: {  	v1 =	vperm.xlane v0, v63  }
0x172: {  	v62 =	vld [tilespmem:$0x1FF90]  }
0x173: {  	v61 =	vld [tilespmem:$0x1FFC0];
	v0 =	vadd.f32 v0, v1  }
0x174: {  	s2 =	sshll.u32 s25, $0x4;
	s25 =	sadd.s32 $0x1, s25  }
0x175: {  	p0 =	sne.s32 s25, $0x4;
	v1 =	vperm.xlane v0, v59  }
.Ltmp3:
0x176: {  	_ = 	snop;
	(pc) =	sbr.rel @p0 .LBB2_7-.Ltmp3, $4  }
0x177: {  	v60 =	vmov s29;
	v0 =	vadd.f32 v0, v1  }
0x178: {  	vm2 =	veq.s32 v60, v61  }
0x179: {  	s2 =	sand.u32 $0x3FFFFFF0, s2;
	v0 =	vsel vm2, v0, v37  }
0x17a: {  	s26 =	sadd.s32 $0x800, s26;
	s28 =	sadd.s32 $0x800, s28;
	[tilespmem:v62+s2+$0x0 ss:$0x1] =	vst.idx.msk $0xffff, v0  }
0x17b: {  	s23 =	sadd.s32 $0x1, s23  }
0x17c: {  	p0 =	sne.s32 s23, $0x3  }
.Ltmp4:
0x17d: {  	_ = 	snop;
	(pc) =	sbr.rel @p0 .LBB2_2-.Ltmp4, $4  }
0x17e: {  	s2 =	sadd.s32 $0xC0, s24  }
0x17f: {  	[tilespmem:s15], [sflag:$0x2] =	stream.indirect.gather [hbm4b:s0+s12], $0x80, s2, s12, $0xb8;
	[tilespmem:$0x8600] =	vst v63  }
0x180: {  	s31 =	sadd.s32 $0x2C0, s24  }
0x181: {  	[tilespmem:s17], [sflag:$0x4] =	stream.indirect.gather [hbm4b:s1+s12], $0x80, s31, s12, $0xb8;
	[tilespmem:$0x8600] =	vst v63  }
0x182: {  	_ =	swait.ge [sflag:s10], $0x2000  }
0x183: {  	[sflag:s10] =	ssyncset.done $0x0  }
0x184: {  	[sflag:s10] =	ssyncadd.s32 $0xFFFFE000  }
0x185: {  	_ =	swait.ge [sflag:s11], $0x2000  }
0x186: {  	s23 =	simm.s32 $0x0;
	[sflag:s11] =	ssyncset.done $0x0  }
0x187: {  	s24 =	simm.s32 $0x500;
	s25 =	simm.s32 $0x4500;
	[sflag:s11] =	ssyncadd.s32 $0xFFFFE000  }
.LBB2_12:
0x188: {  	v0 =	vld [tilespmem:s24+$0xFFFFFF00]  }
0x189: {  	v1 =	vld [tilespmem:s25+$0xFFFFFF00]  }
0x18a: {  	v2 =	vld [tilespmem:s24+$0xFFFFFF10]  }
0x18b: {  	v3 =	vld [tilespmem:s25+$0xFFFFFF10]  }
0x18c: {  	v4 =	vld [tilespmem:s24+$0xFFFFFF20]  }
0x18d: {  	v5 =	vld [tilespmem:s25+$0xFFFFFF20]  }
0x18e: {  	v6 =	vld [tilespmem:s24+$0xFFFFFF30]  }
0x18f: {  	v7 =	vld [tilespmem:s25+$0xFFFFFF30]  }
0x190: {  	v8 =	vld [tilespmem:s24+$0xFFFFFF40]  }
0x191: {  	v9 =	vld [tilespmem:s25+$0xFFFFFF40]  }
0x192: {  	v10 =	vld [tilespmem:s24+$0xFFFFFF50]  }
0x193: {  	v11 =	vld [tilespmem:s25+$0xFFFFFF50]  }
0x194: {  	v12 =	vld [tilespmem:s24+$0xFFFFFF60]  }
0x195: {  	v13 =	vld [tilespmem:s25+$0xFFFFFF60]  }
0x196: {  	v14 =	vld [tilespmem:s24+$0xFFFFFF70]  }
0x197: {  	v15 =	vld [tilespmem:s25+$0xFFFFFF70]  }
0x198: {  	v16 =	vld [tilespmem:s24+$0xFFFFFF80]  }
0x199: {  	v17 =	vld [tilespmem:s25+$0xFFFFFF80]  }
0x19a: {  	v18 =	vld [tilespmem:s24+$0xFFFFFF90]  }
0x19b: {  	v19 =	vld [tilespmem:s25+$0xFFFFFF90]  }
0x19c: {  	v20 =	vld [tilespmem:s24+$0xFFFFFFA0]  }
0x19d: {  	v21 =	vld [tilespmem:s25+$0xFFFFFFA0]  }
0x19e: {  	v22 =	vld [tilespmem:s24+$0xFFFFFFB0]  }
0x19f: {  	v23 =	vld [tilespmem:s25+$0xFFFFFFB0]  }
0x1a0: {  	v24 =	vld [tilespmem:s24+$0xFFFFFFC0]  }
0x1a1: {  	v25 =	vld [tilespmem:s25+$0xFFFFFFC0]  }
0x1a2: {  	v26 =	vld [tilespmem:s24+$0xFFFFFFD0]  }
0x1a3: {  	v27 =	vld [tilespmem:s25+$0xFFFFFFD0]  }
0x1a4: {  	v28 =	vld [tilespmem:s24+$0xFFFFFFE0]  }
0x1a5: {  	v29 =	vld [tilespmem:s25+$0xFFFFFFE0]  }
0x1a6: {  	v30 =	vld [tilespmem:s24+$0xFFFFFFF0]  }
0x1a7: {  	v31 =	vld [tilespmem:s25+$0xFFFFFFF0]  }
0x1a8: {  	v32 =	vld [tilespmem:s24+$0x0]  }
0x1a9: {  	v33 =	vld [tilespmem:s25+$0x0]  }
0x1aa: {  	v34 =	vld [tilespmem:s24+$0x10]  }
0x1ab: {  	v35 =	vld [tilespmem:s25+$0x10]  }
0x1ac: {  	v36 =	vld [tilespmem:s24+$0x20]  }
0x1ad: {  	v37 =	vld [tilespmem:s25+$0x20]  }
0x1ae: {  	v38 =	vld [tilespmem:s24+$0x30]  }
0x1af: {  	v39 =	vld [tilespmem:s25+$0x30]  }
0x1b0: {  	v40 =	vld [tilespmem:s24+$0x40]  }
0x1b1: {  	v41 =	vld [tilespmem:s25+$0x40]  }
0x1b2: {  	v42 =	vld [tilespmem:s24+$0x50]  }
0x1b3: {  	v43 =	vld [tilespmem:s25+$0x50]  }
0x1b4: {  	v44 =	vld [tilespmem:s24+$0x60]  }
0x1b5: {  	v45 =	vld [tilespmem:s25+$0x60]  }
0x1b6: {  	v46 =	vld [tilespmem:s24+$0x70]  }
0x1b7: {  	v47 =	vld [tilespmem:s25+$0x70]  }
0x1b8: {  	v48 =	vld [tilespmem:s24+$0x80];
	v0 =	vmul.f32 v1, v0;
	v1 =	vmul.f32 v3, v2  }
0x1b9: {  	v51 =	vld [tilespmem:s25+$0x90];
	v3 =	vmul.f32 v5, v4;
	v4 =	vmul.f32 v7, v6  }
0x1ba: {  	v54 =	vld [tilespmem:s24+$0xA0];
	v49 =	vmul.f32 v9, v8;
	v50 =	vmul.f32 v11, v10  }
0x1bb: {  	v57 =	vld [tilespmem:s25+$0xA0];
	v52 =	vmul.f32 v13, v12;
	v53 =	vmul.f32 v15, v14  }
0x1bc: {  	v60 =	vld [tilespmem:s24+$0xB0];
	v55 =	vmul.f32 v17, v16;
	v56 =	vmul.f32 v19, v18  }
0x1bd: {  	v61 =	vld [tilespmem:s25+$0xB0];
	v58 =	vmul.f32 v21, v20;
	v59 =	vmul.f32 v23, v22  }
0x1be: {  	v62 =	vld [tilespmem:s24+$0xC0];
	v7 =	vmul.f32 v25, v24;
	v8 =	vmul.f32 v27, v26  }
0x1bf: {  	v2 =	vld [tilespmem:s25+$0x80];
	v9 =	vmul.f32 v29, v28;
	v11 =	vmul.f32 v31, v30  }
0x1c0: {  	v6 =	vld [tilespmem:s24+$0x90];
	v10 =	vmul.f32 v33, v32;
	v12 =	vmul.f32 v35, v34  }
0x1c1: {  	v35 =	vld [tilespmem:s25+$0xC0];
	v13 =	vmul.f32 v37, v36;
	v15 =	vmul.f32 v39, v38  }
0x1c2: {  	v20 =	vld [tilespmem:s24+$0xD0];
	v14 =	vmul.f32 v41, v40;
	v16 =	vmul.f32 v43, v42  }
0x1c3: {  	v27 =	vld [tilespmem:s25+$0xD0];
	v19 =	vmul.f32 v45, v44;
	v21 =	vmul.f32 v47, v46  }
0x1c4: {  	v36 =	vimm.f32 $0.0e+00;
	v26 =	vld [tilespmem:s24+$0xE0];
	v30 =	vmul.f32 v57, v54;
	v17 =	vadd.f32 v1, v0  }
0x1c5: {  	v31 =	vld [tilespmem:s25+$0xE0];
	v33 =	vmul.f32 v61, v60;
	v18 =	vadd.f32 v4, v3;
	v24 =	vadd.f32 v50, v49  }
0x1c6: {  	s28 =	sadd.s32 $0x200, s24;
	v32 =	vld [tilespmem:s24+$0xF0];
	v25 =	vadd.f32 v53, v52;
	v28 =	vadd.f32 v56, v55;
	v22 =	vmul.f32 v2, v48  }
0x1c7: {  	s2 =	simm.s32 $0x1;
	s4 =	smov.u32 s25;
	s26 =	simm.s32 $0x0;
	v34 =	vld [tilespmem:s25+$0xF0];
	v29 =	vadd.f32 v59, v58;
	v23 =	vmul.f32 v51, v6;
	v35 =	vmul.f32 v35, v62  }
.LBB2_13:
0x1c8: {  	v6 =	vld [tilespmem:s28+$0xFFFFFF00]  }
0x1c9: {  	v54 =	vld [tilespmem:s28+$0xFFFFFF30]  }
0x1ca: {  	v5 =	vld [tilespmem:$0x1FFF0]  }
0x1cb: {  	v37 =	vld [tilespmem:s28+$0x20]  }
0x1cc: {  	v39 =	vld [tilespmem:s28+$0x30]  }
0x1cd: {  	v41 =	vld [tilespmem:s28+$0x40]  }
0x1ce: {  	v43 =	vld [tilespmem:s28+$0x50]  }
0x1cf: {  	v45 =	vld [tilespmem:s28+$0x60]  }
0x1d0: {  	v47 =	vld [tilespmem:s28+$0x70]  }
0x1d1: {  	v49 =	vld [tilespmem:s28+$0x80]  }
0x1d2: {  	v52 =	vld [tilespmem:s28+$0x90]  }
0x1d3: {  	s4 =	sadd.s32 $0x200, s4;
	v56 =	vld [tilespmem:s28+$0xA0]  }
0x1d4: {  	v0 =	vadd.f32 v8, v7;
	v7 =	vld [tilespmem:s4+$0xFFFFFF00]  }
0x1d5: {  	v8 =	vld [tilespmem:s28+$0xFFFFFF10]  }
0x1d6: {  	v1 =	vadd.f32 v11, v9;
	v9 =	vld [tilespmem:s4+$0xFFFFFF10]  }
0x1d7: {  	v3 =	vadd.f32 v12, v10;
	v10 =	vld [tilespmem:s28+$0xFFFFFF20]  }
0x1d8: {  	v61 =	vld [tilespmem:s4+$0xFFFFFF30]  }
0x1d9: {  	v4 =	vadd.f32 v15, v13;
	v15 =	vadd.f32 v23, v22;
	v22 =	vld [tilespmem:s4+$0xFFFFFF60]  }
0x1da: {  	v62 =	vld [tilespmem:s4+$0xFFFFFF80]  }
0x1db: {  	v23 =	vld [tilespmem:s28+$0xFFFFFF90]  }
0x1dc: {  	v17 =	vadd.f32 v18, v17;
	v18 =	vadd.f32 v25, v24;
	v24 =	vld [tilespmem:s4+$0xFFFFFF90]  }
0x1dd: {  	v12 =	vadd.f32 v16, v14;
	v16 =	vadd.f32 v33, v30;
	v30 =	vld [tilespmem:s4+$0xFFFFFFD0]  }
0x1de: {  	v33 =	vld [tilespmem:s28+$0x0]  }
0x1df: {  	v38 =	vld [tilespmem:s4+$0x20]  }
0x1e0: {  	v40 =	vld [tilespmem:s4+$0x30]  }
0x1e1: {  	v42 =	vld [tilespmem:s4+$0x40]  }
0x1e2: {  	v44 =	vld [tilespmem:s4+$0x50]  }
0x1e3: {  	v46 =	vld [tilespmem:s4+$0x60]  }
0x1e4: {  	v48 =	vld [tilespmem:s4+$0x70]  }
0x1e5: {  	v13 =	vadd.f32 v21, v19;
	v50 =	vld [tilespmem:s4+$0x80];
	v0 =	vadd.f32 v1, v0;
	v2 =	vmul.f32 v27, v20  }
0x1e6: {  	v59 =	vld [tilespmem:s4+$0xA0];
	v3 =	vadd.f32 v4, v3;
	v11 =	vmul.f32 v31, v26;
	v14 =	vmul.f32 v34, v32  }
0x1e7: {  	v4 =	vadd.f32 v13, v12;
	v12 =	vld [tilespmem:s28+$0xFFFFFF40];
	v13 =	vadd.f32 v16, v15  }
0x1e8: {  	v16 =	vld [tilespmem:s28+$0xFFFFFF50];
	v2 =	vadd.f32 v2, v35;
	v14 =	vadd.f32 v14, v11  }
0x1e9: {  	v15 =	vadd.f32 v18, v17;
	v18 =	vld [tilespmem:s28+$0xFFFFFF60];
	v20 =	vadd.f32 v29, v28  }
0x1ea: {  	v26 =	vld [tilespmem:s4+$0xFFFFFFB0];
	v2 =	vadd.f32 v14, v2  }
0x1eb: {  	v27 =	vld [tilespmem:s28+$0xFFFFFFC0];
	v3 =	vadd.f32 v4, v3;
	v0 =	vadd.f32 v0, v20  }
0x1ec: {  	v28 =	vld [tilespmem:s28+$0xFFFFFFD0];
	v2 =	vadd.f32 v2, v13  }
0x1ed: {  	v31 =	vld [tilespmem:s28+$0xFFFFFFE0];
	v20 =	vperm.xlane v3, v5;
	v17 =	vperm.xlane v0, v5  }
0x1ee: {  	v13 =	vperm.xlane v15, v5;
	v21 =	vperm.xlane v2, v5;
	v5 =	vld [tilespmem:$0x1FFE0]  }
0x1ef: {  	v32 =	vld [tilespmem:s4+$0xFFFFFFE0];
	v3 =	vadd.f32 v20, v3;
	v0 =	vadd.f32 v17, v0  }
0x1f0: {  	v34 =	vld [tilespmem:s4+$0x0];
	v13 =	vadd.f32 v13, v15;
	v2 =	vadd.f32 v21, v2  }
0x1f1: {  	v4 =	vld [tilespmem:s4+$0xFFFFFF50]  }
0x1f2: {  	v11 =	vld [tilespmem:s4+$0xFFFFFF20];
	v0 =	vsel vm0, v13, v0;
	v2 =	vsel vm0, v3, v2  }
0x1f3: {  	v35 =	vld [tilespmem:s28+$0x10];
	v13 =	vperm.xlane v0, v5;
	v21 =	vperm.xlane v2, v5  }
0x1f4: {  	v1 =	vmul.f32 v61, v54;
	v54 =	vld [tilespmem:s4+$0x90]  }
0x1f5: {  	v61 =	vld [tilespmem:s28+$0xB0];
	v0 =	vadd.f32 v13, v0;
	v2 =	vadd.f32 v21, v2  }
0x1f6: {  	v14 =	vld [tilespmem:s4+$0xFFFFFF40]  }
0x1f7: {  	v5 =	vld [tilespmem:$0x1FFD0];
	v0 =	vsel vm1, v0, v2  }
0x1f8: {  	v20 =	vld [tilespmem:s28+$0xFFFFFF80];
	v25 =	vperm.xlane v0, v63  }
0x1f9: {  	v51 =	vmul.f32 v9, v8;
	v9 =	vmul.f32 v32, v31;
	v31 =	vld [tilespmem:s4+$0xE0]  }
0x1fa: {  	v32 =	vld [tilespmem:s28+$0xF0];
	v0 =	vadd.f32 v0, v25  }
0x1fb: {  	v17 =	vld [tilespmem:s4+$0xFFFFFF70]  }
0x1fc: {  	v29 =	vperm.xlane v0, v5;
	v5 =	vld [tilespmem:$0x1FFC0]  }
0x1fd: {  	v15 =	vld [tilespmem:s28+$0xFFFFFF70]  }
0x1fe: {  	v13 =	vld [tilespmem:s28+$0xFFFFFFA0]  }
0x1ff: {  	v6 =	vmul.f32 v7, v6;
	v21 =	vld [tilespmem:s4+$0xFFFFFFA0]  }
0x200: {  	v60 =	vmul.f32 v24, v23;
	v2 =	vld [tilespmem:s28+$0xFFFFFFB0];
	v0 =	vadd.f32 v0, v29;
	v29 =	vmov s26  }
0x201: {  	v57 =	vmul.f32 v22, v18;
	v22 =	vmul.f32 v50, v49;
	vm2 =	veq.s32 v29, v5;
	v29 =	vld [tilespmem:s28+$0xFFFFFFF0]  }
0x202: {  	v8 =	vmul.f32 v30, v28;
	v30 =	vmul.f32 v59, v56;
	v19 =	vsel vm2, v0, v36;
	v0 =	vld [tilespmem:s4+$0xFFFFFFF0]  }
0x203: {  	v4 =	vmul.f32 v4, v16;
	v16 =	vmul.f32 v44, v43;
	v63 =	vld [tilespmem:s4+$0xB0]  }
0x204: {  	v53 =	vmul.f32 v11, v10;
	v10 =	vmul.f32 v34, v33;
	v25 =	vld [tilespmem:s4+$0xFFFFFFC0]  }
0x205: {  	v23 =	vmul.f32 v54, v52;
	v55 =	vmul.f32 v14, v12;
	v5 =	vld [tilespmem:s28+$0xC0]  }
0x206: {  	v14 =	vmul.f32 v42, v41;
	v3 =	vmul.f32 v62, v20;
	v36 =	vld [tilespmem:s4+$0x10]  }
0x207: {  	p0 =	sne.s32 s2, $0x3;
	v18 =	vadd.f32 v1, v53;
	v58 =	vmul.f32 v17, v15;
	v11 =	vmul.f32 v0, v29;
	v0 =	vld [tilespmem:s4+$0xC0]  }
.Ltmp5:
0x208: {  	v34 =	vld [tilespmem:s4+$0xF0];
	v24 =	vadd.f32 v4, v55;
	v15 =	vmul.f32 v40, v39;
	v62 =	vmul.f32 v21, v13;
	(pc) =	sbr.rel @p0 .LBB2_13-.Ltmp5, $4  }
0x209: {  	v20 =	vld [tilespmem:s28+$0xD0];
	v17 =	vadd.f32 v51, v6;
	v13 =	vmul.f32 v38, v37;
	v21 =	vmul.f32 v48, v47  }
0x20a: {  	v28 =	vadd.f32 v60, v3;
	v2 =	vmul.f32 v26, v2;
	v26 =	vld [tilespmem:s28+$0xE0];
	v33 =	vmul.f32 v63, v61  }
0x20b: {  	v63 =	vld [tilespmem:$0x1FFB0];
	v7 =	vmul.f32 v25, v27;
	v25 =	vadd.f32 v58, v57;
	v12 =	vmul.f32 v36, v35  }
0x20c: {  	s26 =	smov.u32 s2;
	s2 =	sadd.s32 $0x1, s2;
	v27 =	vld [tilespmem:s4+$0xD0];
	s28 =	sadd.s32 $0x200, s28;
	v36 =	vmovc v19;
	v19 =	vmul.f32 v46, v45;
	v29 =	vadd.f32 v2, v62;
	v35 =	vmul.f32 v0, v5  }
0x20d: {  	v0 =	vadd.f32 v8, v7  }
0x20e: {  	v1 =	vadd.f32 v11, v9;
	v3 =	vadd.f32 v12, v10  }
0x20f: {  	v4 =	vadd.f32 v15, v13;
	v6 =	vadd.f32 v16, v14  }
0x210: {  	v43 =	vadd.f32 v23, v22;
	v44 =	vadd.f32 v33, v30  }
0x211: {  	v42 =	vmul.f32 v34, v32;
	v45 =	vadd.f32 v18, v17;
	v46 =	vadd.f32 v25, v24  }
0x212: {  	v41 =	vadd.f32 v21, v19;
	v5 =	vmul.f32 v31, v26;
	v2 =	vmul.f32 v27, v20  }
0x213: {  	v47 =	vadd.f32 v29, v28;
	v0 =	vadd.f32 v1, v0  }
0x214: {  	v52 =	vld [tilespmem:$0x1FFF0];
	v5 =	vadd.f32 v42, v5;
	v2 =	vadd.f32 v2, v35  }
0x215: {  	v48 =	vadd.f32 v4, v3;
	v50 =	vadd.f32 v44, v43  }
0x216: {  	v49 =	vadd.f32 v41, v6;
	v2 =	vadd.f32 v5, v2  }
0x217: {  	v51 =	vadd.f32 v46, v45;
	v0 =	vadd.f32 v0, v47  }
0x218: {  	v1 =	vadd.f32 v49, v48;
	v2 =	vadd.f32 v2, v50  }
0x219: {  	v53 =	vperm.xlane v51, v52;
	v54 =	vperm.xlane v0, v52  }
0x21a: {  	v57 =	vld [tilespmem:$0x1FFE0];
	v55 =	vperm.xlane v1, v52;
	v56 =	vperm.xlane v2, v52  }
0x21b: {  	v3 =	vadd.f32 v53, v51;
	v0 =	vadd.f32 v54, v0  }
0x21c: {  	v1 =	vadd.f32 v55, v1;
	v2 =	vadd.f32 v56, v2;
	_ =	sdelay $0x1  }
0x21d: {  	v0 =	vsel vm0, v3, v0;
	v1 =	vsel vm0, v1, v2  }
0x21e: {  	v58 =	vperm.xlane v0, v57;
	v59 =	vperm.xlane v1, v57;
	_ =	sdelay $0x1  }
0x21f: {  	v0 =	vadd.f32 v58, v0;
	v1 =	vadd.f32 v59, v1;
	_ =	sdelay $0x1  }
0x220: {  	v60 =	vld [tilespmem:$0x1FFD0];
	v0 =	vsel vm1, v0, v1  }
0x221: {  	v1 =	vperm.xlane v0, v63;
	_ =	sdelay $0x1  }
0x222: {  	v62 =	vld [tilespmem:$0x1FFC0];
	v0 =	vadd.f32 v0, v1  }
0x223: {  	s2 =	sshll.u32 s23, $0x4;
	s23 =	sadd.s32 $0x1, s23  }
0x224: {  	p0 =	sne.s32 s23, $0x4;
	v1 =	vperm.xlane v0, v60  }
.Ltmp6:
0x225: {  	_ = 	snop;
	(pc) =	sbr.rel @p0 .LBB2_12-.Ltmp6, $4  }
0x226: {  	v61 =	vmov s26;
	v0 =	vadd.f32 v0, v1  }
0x227: {  	vm2 =	veq.s32 v61, v62  }
0x228: {  	s2 =	sand.u32 $0x3FFFFFF0, s2;
	v0 =	vsel vm2, v0, v36  }
0x229: {  	s24 =	sadd.s32 $0x800, s24;
	s25 =	sadd.s32 $0x800, s25;
	[tilespmem:s2+$0x8580] =	vst v0  }
0x22a: {  	_ =	swait.ge [sflag:s18], $0x2000  }
0x22b: {  	[sflag:s18] =	ssyncset.done $0x0  }
0x22c: {  	[sflag:s18] =	ssyncadd.s32 $0xFFFFE000  }
0x22d: {  	_ =	swait.ge [sflag:s19], $0x2000  }
0x22e: {  	s23 =	simm.s32 $0x0;
	[sflag:s19] =	ssyncset.done $0x0  }
0x22f: {  	s24 =	simm.s32 $0x65F0;
	s25 =	simm.s32 $0x25F0;
	[sflag:s19] =	ssyncadd.s32 $0xFFFFE000  }
.LBB2_16:
0x230: {  	v0 =	vld [tilespmem:s25+$0xFFFFFE10]  }
0x231: {  	v1 =	vld [tilespmem:s24+$0xFFFFFE10]  }
0x232: {  	v2 =	vld [tilespmem:s25+$0xFFFFFE20]  }
0x233: {  	v3 =	vld [tilespmem:s24+$0xFFFFFE20]  }
0x234: {  	v4 =	vld [tilespmem:s25+$0xFFFFFE30]  }
0x235: {  	v5 =	vld [tilespmem:s24+$0xFFFFFE30]  }
0x236: {  	v6 =	vld [tilespmem:s25+$0xFFFFFE40]  }
0x237: {  	v7 =	vld [tilespmem:s24+$0xFFFFFE40]  }
0x238: {  	v8 =	vld [tilespmem:s25+$0xFFFFFE50]  }
0x239: {  	v9 =	vld [tilespmem:s24+$0xFFFFFE50]  }
0x23a: {  	v10 =	vld [tilespmem:s25+$0xFFFFFE60]  }
0x23b: {  	v11 =	vld [tilespmem:s24+$0xFFFFFE60]  }
0x23c: {  	v12 =	vld [tilespmem:s25+$0xFFFFFE70]  }
0x23d: {  	v13 =	vld [tilespmem:s24+$0xFFFFFE70]  }
0x23e: {  	v14 =	vld [tilespmem:s25+$0xFFFFFE80]  }
0x23f: {  	v15 =	vld [tilespmem:s24+$0xFFFFFE80]  }
0x240: {  	v16 =	vld [tilespmem:s25+$0xFFFFFE90]  }
0x241: {  	v17 =	vld [tilespmem:s24+$0xFFFFFE90]  }
0x242: {  	v18 =	vld [tilespmem:s25+$0xFFFFFEA0]  }
0x243: {  	v19 =	vld [tilespmem:s24+$0xFFFFFEA0]  }
0x244: {  	v20 =	vld [tilespmem:s25+$0xFFFFFEB0]  }
0x245: {  	v21 =	vld [tilespmem:s24+$0xFFFFFEB0]  }
0x246: {  	v22 =	vld [tilespmem:s25+$0xFFFFFEC0]  }
0x247: {  	v23 =	vld [tilespmem:s24+$0xFFFFFEC0]  }
0x248: {  	v24 =	vld [tilespmem:s25+$0xFFFFFED0]  }
0x249: {  	v25 =	vld [tilespmem:s24+$0xFFFFFED0]  }
0x24a: {  	v26 =	vld [tilespmem:s25+$0xFFFFFEE0]  }
0x24b: {  	v27 =	vld [tilespmem:s24+$0xFFFFFEE0]  }
0x24c: {  	v28 =	vld [tilespmem:s25+$0xFFFFFEF0]  }
0x24d: {  	v29 =	vld [tilespmem:s24+$0xFFFFFEF0]  }
0x24e: {  	v30 =	vld [tilespmem:s25+$0xFFFFFF00]  }
0x24f: {  	v31 =	vld [tilespmem:s24+$0xFFFFFF00]  }
0x250: {  	v32 =	vld [tilespmem:s25+$0xFFFFFF10]  }
0x251: {  	v33 =	vld [tilespmem:s24+$0xFFFFFF10]  }
0x252: {  	v34 =	vld [tilespmem:s25+$0xFFFFFF20]  }
0x253: {  	v35 =	vld [tilespmem:s24+$0xFFFFFF20]  }
0x254: {  	v36 =	vld [tilespmem:s25+$0xFFFFFF30]  }
0x255: {  	v37 =	vld [tilespmem:s24+$0xFFFFFF30]  }
0x256: {  	v38 =	vld [tilespmem:s25+$0xFFFFFF40]  }
0x257: {  	v39 =	vld [tilespmem:s24+$0xFFFFFF40]  }
0x258: {  	v40 =	vld [tilespmem:s25+$0xFFFFFF50]  }
0x259: {  	v41 =	vld [tilespmem:s24+$0xFFFFFF50]  }
0x25a: {  	v42 =	vld [tilespmem:s25+$0xFFFFFF60]  }
0x25b: {  	v43 =	vld [tilespmem:s24+$0xFFFFFF60]  }
0x25c: {  	v44 =	vld [tilespmem:s25+$0xFFFFFF70]  }
0x25d: {  	v45 =	vld [tilespmem:s24+$0xFFFFFF70]  }
0x25e: {  	v46 =	vld [tilespmem:s25+$0xFFFFFF80]  }
0x25f: {  	v47 =	vld [tilespmem:s24+$0xFFFFFF80]  }
0x260: {  	v48 =	vld [tilespmem:s25+$0xFFFFFF90];
	v0 =	vmul.f32 v1, v0;
	v1 =	vmul.f32 v3, v2  }
0x261: {  	v51 =	vld [tilespmem:s24+$0xFFFFFFA0];
	v3 =	vmul.f32 v5, v4;
	v4 =	vmul.f32 v7, v6  }
0x262: {  	v54 =	vld [tilespmem:s25+$0xFFFFFFB0];
	v49 =	vmul.f32 v9, v8;
	v50 =	vmul.f32 v11, v10  }
0x263: {  	v57 =	vld [tilespmem:s24+$0xFFFFFFB0];
	v52 =	vmul.f32 v13, v12;
	v53 =	vmul.f32 v15, v14  }
0x264: {  	v60 =	vld [tilespmem:s25+$0xFFFFFFC0];
	v55 =	vmul.f32 v17, v16;
	v56 =	vmul.f32 v19, v18  }
0x265: {  	v61 =	vld [tilespmem:s24+$0xFFFFFFC0];
	v58 =	vmul.f32 v21, v20;
	v59 =	vmul.f32 v23, v22  }
0x266: {  	v62 =	vld [tilespmem:s25+$0xFFFFFFD0];
	v7 =	vmul.f32 v25, v24;
	v8 =	vmul.f32 v27, v26  }
0x267: {  	v2 =	vld [tilespmem:s24+$0xFFFFFF90];
	v9 =	vmul.f32 v29, v28;
	v11 =	vmul.f32 v31, v30  }
0x268: {  	v6 =	vld [tilespmem:s25+$0xFFFFFFA0];
	v10 =	vmul.f32 v33, v32;
	v12 =	vmul.f32 v35, v34  }
0x269: {  	v35 =	vld [tilespmem:s24+$0xFFFFFFD0];
	v13 =	vmul.f32 v37, v36;
	v15 =	vmul.f32 v39, v38  }
0x26a: {  	v20 =	vld [tilespmem:s25+$0xFFFFFFE0];
	v14 =	vmul.f32 v41, v40;
	v16 =	vmul.f32 v43, v42  }
0x26b: {  	v27 =	vld [tilespmem:s24+$0xFFFFFFE0];
	v19 =	vmul.f32 v45, v44;
	v21 =	vmul.f32 v47, v46  }
0x26c: {  	v36 =	vimm.f32 $0.0e+00;
	v26 =	vld [tilespmem:s25+$0xFFFFFFF0];
	v30 =	vmul.f32 v57, v54;
	v17 =	vadd.f32 v1, v0  }
0x26d: {  	v31 =	vld [tilespmem:s24+$0xFFFFFFF0];
	v33 =	vmul.f32 v61, v60;
	v18 =	vadd.f32 v4, v3;
	v24 =	vadd.f32 v50, v49  }
0x26e: {  	s28 =	sadd.s32 $0x200, s25;
	v32 =	vld [tilespmem:s25+$0x0];
	v25 =	vadd.f32 v53, v52;
	v28 =	vadd.f32 v56, v55;
	v22 =	vmul.f32 v2, v48  }
0x26f: {  	s2 =	simm.s32 $0x1;
	s4 =	smov.u32 s24;
	s26 =	simm.s32 $0x0;
	v34 =	vld [tilespmem:s24+$0x0];
	v29 =	vadd.f32 v59, v58;
	v23 =	vmul.f32 v51, v6;
	v35 =	vmul.f32 v35, v62  }
.LBB2_17:
0x270: {  	v6 =	vld [tilespmem:s28+$0xFFFFFE10]  }
0x271: {  	v54 =	vld [tilespmem:s28+$0xFFFFFE40]  }
0x272: {  	v5 =	vld [tilespmem:$0x1FFF0]  }
0x273: {  	v37 =	vld [tilespmem:s28+$0xFFFFFF30]  }
0x274: {  	v39 =	vld [tilespmem:s28+$0xFFFFFF40]  }
0x275: {  	v41 =	vld [tilespmem:s28+$0xFFFFFF50]  }
0x276: {  	v43 =	vld [tilespmem:s28+$0xFFFFFF60]  }
0x277: {  	v45 =	vld [tilespmem:s28+$0xFFFFFF70]  }
0x278: {  	v47 =	vld [tilespmem:s28+$0xFFFFFF80]  }
0x279: {  	v49 =	vld [tilespmem:s28+$0xFFFFFF90]  }
0x27a: {  	v52 =	vld [tilespmem:s28+$0xFFFFFFA0]  }
0x27b: {  	s4 =	sadd.s32 $0x200, s4;
	v56 =	vld [tilespmem:s28+$0xFFFFFFB0]  }
0x27c: {  	v0 =	vadd.f32 v8, v7;
	v7 =	vld [tilespmem:s4+$0xFFFFFE10]  }
0x27d: {  	v8 =	vld [tilespmem:s28+$0xFFFFFE20]  }
0x27e: {  	v1 =	vadd.f32 v11, v9;
	v9 =	vld [tilespmem:s4+$0xFFFFFE20]  }
0x27f: {  	v3 =	vadd.f32 v12, v10;
	v10 =	vld [tilespmem:s28+$0xFFFFFE30]  }
0x280: {  	v61 =	vld [tilespmem:s4+$0xFFFFFE40]  }
0x281: {  	v4 =	vadd.f32 v15, v13;
	v15 =	vadd.f32 v23, v22;
	v22 =	vld [tilespmem:s4+$0xFFFFFE70]  }
0x282: {  	v62 =	vld [tilespmem:s4+$0xFFFFFE90]  }
0x283: {  	v23 =	vld [tilespmem:s28+$0xFFFFFEA0]  }
0x284: {  	v17 =	vadd.f32 v18, v17;
	v18 =	vadd.f32 v25, v24;
	v24 =	vld [tilespmem:s4+$0xFFFFFEA0]  }
0x285: {  	v12 =	vadd.f32 v16, v14;
	v16 =	vadd.f32 v33, v30;
	v30 =	vld [tilespmem:s4+$0xFFFFFEE0]  }
0x286: {  	v33 =	vld [tilespmem:s28+$0xFFFFFF10]  }
0x287: {  	v38 =	vld [tilespmem:s4+$0xFFFFFF30]  }
0x288: {  	v40 =	vld [tilespmem:s4+$0xFFFFFF40]  }
0x289: {  	v42 =	vld [tilespmem:s4+$0xFFFFFF50]  }
0x28a: {  	v44 =	vld [tilespmem:s4+$0xFFFFFF60]  }
0x28b: {  	v46 =	vld [tilespmem:s4+$0xFFFFFF70]  }
0x28c: {  	v48 =	vld [tilespmem:s4+$0xFFFFFF80]  }
0x28d: {  	v13 =	vadd.f32 v21, v19;
	v50 =	vld [tilespmem:s4+$0xFFFFFF90];
	v0 =	vadd.f32 v1, v0;
	v2 =	vmul.f32 v27, v20  }
0x28e: {  	v59 =	vld [tilespmem:s4+$0xFFFFFFB0];
	v3 =	vadd.f32 v4, v3;
	v11 =	vmul.f32 v31, v26;
	v14 =	vmul.f32 v34, v32  }
0x28f: {  	v4 =	vadd.f32 v13, v12;
	v12 =	vld [tilespmem:s28+$0xFFFFFE50];
	v13 =	vadd.f32 v16, v15  }
0x290: {  	v16 =	vld [tilespmem:s28+$0xFFFFFE60];
	v2 =	vadd.f32 v2, v35;
	v14 =	vadd.f32 v14, v11  }
0x291: {  	v15 =	vadd.f32 v18, v17;
	v18 =	vld [tilespmem:s28+$0xFFFFFE70];
	v20 =	vadd.f32 v29, v28  }
0x292: {  	v26 =	vld [tilespmem:s4+$0xFFFFFEC0];
	v2 =	vadd.f32 v14, v2  }
0x293: {  	v27 =	vld [tilespmem:s28+$0xFFFFFED0];
	v3 =	vadd.f32 v4, v3;
	v0 =	vadd.f32 v0, v20  }
0x294: {  	v28 =	vld [tilespmem:s28+$0xFFFFFEE0];
	v2 =	vadd.f32 v2, v13  }
0x295: {  	v31 =	vld [tilespmem:s28+$0xFFFFFEF0];
	v20 =	vperm.xlane v3, v5;
	v17 =	vperm.xlane v0, v5  }
0x296: {  	v13 =	vperm.xlane v15, v5;
	v21 =	vperm.xlane v2, v5;
	v5 =	vld [tilespmem:$0x1FFE0]  }
0x297: {  	v32 =	vld [tilespmem:s4+$0xFFFFFEF0];
	v3 =	vadd.f32 v20, v3;
	v0 =	vadd.f32 v17, v0  }
0x298: {  	v34 =	vld [tilespmem:s4+$0xFFFFFF10];
	v13 =	vadd.f32 v13, v15;
	v2 =	vadd.f32 v21, v2  }
0x299: {  	v4 =	vld [tilespmem:s4+$0xFFFFFE60]  }
0x29a: {  	v11 =	vld [tilespmem:s4+$0xFFFFFE30];
	v0 =	vsel vm0, v13, v0;
	v2 =	vsel vm0, v3, v2  }
0x29b: {  	v35 =	vld [tilespmem:s28+$0xFFFFFF20];
	v13 =	vperm.xlane v0, v5;
	v21 =	vperm.xlane v2, v5  }
0x29c: {  	v1 =	vmul.f32 v61, v54;
	v54 =	vld [tilespmem:s4+$0xFFFFFFA0]  }
0x29d: {  	v61 =	vld [tilespmem:s28+$0xFFFFFFC0];
	v0 =	vadd.f32 v13, v0;
	v2 =	vadd.f32 v21, v2  }
0x29e: {  	v14 =	vld [tilespmem:s4+$0xFFFFFE50]  }
0x29f: {  	v5 =	vld [tilespmem:$0x1FFD0];
	v0 =	vsel vm1, v0, v2  }
0x2a0: {  	v20 =	vld [tilespmem:s28+$0xFFFFFE90];
	v25 =	vperm.xlane v0, v63  }
0x2a1: {  	v51 =	vmul.f32 v9, v8;
	v9 =	vmul.f32 v32, v31;
	v31 =	vld [tilespmem:s4+$0xFFFFFFF0]  }
0x2a2: {  	v32 =	vld [tilespmem:s28+$0x0];
	v0 =	vadd.f32 v0, v25  }
0x2a3: {  	v17 =	vld [tilespmem:s4+$0xFFFFFE80]  }
0x2a4: {  	v29 =	vperm.xlane v0, v5;
	v5 =	vld [tilespmem:$0x1FFC0]  }
0x2a5: {  	v15 =	vld [tilespmem:s28+$0xFFFFFE80]  }
0x2a6: {  	v13 =	vld [tilespmem:s28+$0xFFFFFEB0]  }
0x2a7: {  	v6 =	vmul.f32 v7, v6;
	v21 =	vld [tilespmem:s4+$0xFFFFFEB0]  }
0x2a8: {  	v60 =	vmul.f32 v24, v23;
	v2 =	vld [tilespmem:s28+$0xFFFFFEC0];
	v0 =	vadd.f32 v0, v29;
	v29 =	vmov s26  }
0x2a9: {  	v57 =	vmul.f32 v22, v18;
	v22 =	vmul.f32 v50, v49;
	vm2 =	veq.s32 v29, v5;
	v29 =	vld [tilespmem:s28+$0xFFFFFF00]  }
0x2aa: {  	v8 =	vmul.f32 v30, v28;
	v30 =	vmul.f32 v59, v56;
	v19 =	vsel vm2, v0, v36;
	v0 =	vld [tilespmem:s4+$0xFFFFFF00]  }
0x2ab: {  	v4 =	vmul.f32 v4, v16;
	v16 =	vmul.f32 v44, v43;
	v63 =	vld [tilespmem:s4+$0xFFFFFFC0]  }
0x2ac: {  	v53 =	vmul.f32 v11, v10;
	v10 =	vmul.f32 v34, v33;
	v25 =	vld [tilespmem:s4+$0xFFFFFED0]  }
0x2ad: {  	v23 =	vmul.f32 v54, v52;
	v55 =	vmul.f32 v14, v12;
	v5 =	vld [tilespmem:s28+$0xFFFFFFD0]  }
0x2ae: {  	v14 =	vmul.f32 v42, v41;
	v3 =	vmul.f32 v62, v20;
	v36 =	vld [tilespmem:s4+$0xFFFFFF20]  }
0x2af: {  	p0 =	sne.s32 s2, $0x3;
	v18 =	vadd.f32 v1, v53;
	v58 =	vmul.f32 v17, v15;
	v11 =	vmul.f32 v0, v29;
	v0 =	vld [tilespmem:s4+$0xFFFFFFD0]  }
.Ltmp7:
0x2b0: {  	v34 =	vld [tilespmem:s4+$0x0];
	v24 =	vadd.f32 v4, v55;
	v15 =	vmul.f32 v40, v39;
	v62 =	vmul.f32 v21, v13;
	(pc) =	sbr.rel @p0 .LBB2_17-.Ltmp7, $4  }
0x2b1: {  	v20 =	vld [tilespmem:s28+$0xFFFFFFE0];
	v17 =	vadd.f32 v51, v6;
	v13 =	vmul.f32 v38, v37;
	v21 =	vmul.f32 v48, v47  }
0x2b2: {  	v28 =	vadd.f32 v60, v3;
	v2 =	vmul.f32 v26, v2;
	v26 =	vld [tilespmem:s28+$0xFFFFFFF0];
	v33 =	vmul.f32 v63, v61  }
0x2b3: {  	v63 =	vld [tilespmem:$0x1FFB0];
	v7 =	vmul.f32 v25, v27;
	v25 =	vadd.f32 v58, v57;
	v12 =	vmul.f32 v36, v35  }
0x2b4: {  	s26 =	smov.u32 s2;
	s2 =	sadd.s32 $0x1, s2;
	v27 =	vld [tilespmem:s4+$0xFFFFFFE0];
	s28 =	sadd.s32 $0x200, s28;
	v36 =	vmovc v19;
	v19 =	vmul.f32 v46, v45;
	v29 =	vadd.f32 v2, v62;
	v35 =	vmul.f32 v0, v5  }
0x2b5: {  	v0 =	vadd.f32 v8, v7  }
0x2b6: {  	v1 =	vadd.f32 v11, v9;
	v3 =	vadd.f32 v12, v10  }
0x2b7: {  	v4 =	vadd.f32 v15, v13;
	v6 =	vadd.f32 v16, v14  }
0x2b8: {  	v43 =	vadd.f32 v23, v22;
	v44 =	vadd.f32 v33, v30  }
0x2b9: {  	v42 =	vmul.f32 v34, v32;
	v45 =	vadd.f32 v18, v17;
	v46 =	vadd.f32 v25, v24  }
0x2ba: {  	v41 =	vadd.f32 v21, v19;
	v5 =	vmul.f32 v31, v26;
	v2 =	vmul.f32 v27, v20  }
0x2bb: {  	v47 =	vadd.f32 v29, v28;
	v0 =	vadd.f32 v1, v0  }
0x2bc: {  	v52 =	vld [tilespmem:$0x1FFF0];
	v5 =	vadd.f32 v42, v5;
	v2 =	vadd.f32 v2, v35  }
0x2bd: {  	v48 =	vadd.f32 v4, v3;
	v50 =	vadd.f32 v44, v43  }
0x2be: {  	v49 =	vadd.f32 v41, v6;
	v2 =	vadd.f32 v5, v2  }
0x2bf: {  	v51 =	vadd.f32 v46, v45;
	v0 =	vadd.f32 v0, v47  }
0x2c0: {  	v1 =	vadd.f32 v49, v48;
	v2 =	vadd.f32 v2, v50  }
0x2c1: {  	v53 =	vperm.xlane v51, v52;
	v54 =	vperm.xlane v0, v52  }
0x2c2: {  	v57 =	vld [tilespmem:$0x1FFE0];
	v55 =	vperm.xlane v1, v52;
	v56 =	vperm.xlane v2, v52  }
0x2c3: {  	v3 =	vadd.f32 v53, v51;
	v0 =	vadd.f32 v54, v0  }
0x2c4: {  	v1 =	vadd.f32 v55, v1;
	v2 =	vadd.f32 v56, v2;
	_ =	sdelay $0x1  }
0x2c5: {  	v0 =	vsel vm0, v3, v0;
	v1 =	vsel vm0, v1, v2  }
0x2c6: {  	v58 =	vperm.xlane v0, v57;
	v59 =	vperm.xlane v1, v57;
	_ =	sdelay $0x1  }
0x2c7: {  	v0 =	vadd.f32 v58, v0;
	v1 =	vadd.f32 v59, v1;
	_ =	sdelay $0x1  }
0x2c8: {  	v60 =	vld [tilespmem:$0x1FFD0];
	v0 =	vsel vm1, v0, v1  }
0x2c9: {  	v1 =	vperm.xlane v0, v63;
	_ =	sdelay $0x1  }
0x2ca: {  	v62 =	vld [tilespmem:$0x1FFC0];
	v0 =	vadd.f32 v0, v1  }
0x2cb: {  	s2 =	sshll.u32 s23, $0x4;
	s23 =	sadd.s32 $0x1, s23  }
0x2cc: {  	p0 =	sne.s32 s23, $0x4;
	v1 =	vperm.xlane v0, v60  }
.Ltmp8:
0x2cd: {  	_ = 	snop;
	(pc) =	sbr.rel @p0 .LBB2_16-.Ltmp8, $4  }
0x2ce: {  	v61 =	vmov s26;
	v0 =	vadd.f32 v0, v1  }
0x2cf: {  	vm2 =	veq.s32 v61, v62  }
0x2d0: {  	s2 =	sand.u32 $0x3FFFFFF0, s2;
	v0 =	vsel vm2, v0, v36  }
0x2d1: {  	s24 =	sadd.s32 $0x800, s24;
	s25 =	sadd.s32 $0x800, s25;
	[tilespmem:s2+$0x85C0] =	vst v0  }
0x2d2: {  	s22 =	sadd.s32 $0x1, s22  }
0x2d3: {  	p0 =	sne.s32 s22, s8  }
.Ltmp9:
0x2d4: {  	_ = 	snop;
	(pc) =	sbr.rel @p0 .LBB2_1-.Ltmp9, $4  }
0x2d5: {  	[hbm4b:s7+s3] =	stream.linear.scatter [tilespmem:s20], [sflag:$0x5], $0x200, $0x38;
	[tilespmem:$0x8600] =	vst v63  }
0x2d6: {  	_ =	swait.ge [sflag:s21], $0x200  }
0x2d7: {  	[sflag:s21] =	ssyncset.done $0x0  }
0x2d8: {  	[sflag:s21] =	ssyncadd.s32 $0xFFFFFE00  }
0x2d9: {  	_ =	sfence.sel $0x180000  }
0x2da: {  	[bflag:$0x0] =	sbarrier.arrive $0xFFFF  }
0x2db: {  	_ =	strace $0x90000047  }
0x2dc: {  	s0 =	stileid.u32;
	[bflag:$0x2] =	sbarrier.arrive $0xFFFF  }
0x2dd: {  	p0 =	sne.s32 s0, $0x0;
	s0 =	rddreg [dreg:$0x5]  }
0x2de: {  	s0 =	sadd.s32 @!p0 $0x100000, s0  }
0x2df: {  	[sflag:s0] =	ssyncadd.tile.s32 @!p0 $0x1;
	_ =	shalt  }
.Lfunc_end2:
_tile_overlayer_lowered:
.L_overlay_start_2:
0x2e0: {  	(tag) =	ssettag $0x2  }
0x2e1: {  	s0 =	rddreg [dreg:$0x0];
	s2 =	stileid.u32  }
0x2e2: {  	s1 =	rddreg [dreg:$0x1];
	p0 =	sne.s32 s2, $0x0  }
0x2e3: {  	s3 =	rddreg [dreg:$0x2];
	[bflag:$0x3] =	sbarrier.arrive $0xFFFF;
	s2 =	simm.s32 @!p0 $0x1C05  }
0x2e4: {  	[timem:s3], [sflag:s2] =	dma.local @!p0 [hbm:s0], s1  }
0x2e5: {  	s0 =	simm.s32 @!p0 $0x5  }
0x2e6: {  	_ =	swait.ge @!p0 [sflag:s0], s1  }
0x2e7: {  	s1 =	ssub.s32 @!p0 $0x0, s1;
	[sflag:s0] =	ssyncset.done @!p0 $0x0  }
0x2e8: {  	[sflag:s0] =	ssyncadd.s32 @!p0 s1  }
0x2e9: {  	[bflag:$0x3] =	sbarrier.arrive $0xFFFF  }
0x2ea: {  	_ =	shalt  }

</sc_bundles>
